<compile_context>
chip_gen: v7x
topology: tpu7x:2x2x1
jax: 0.10.2.dev20260603
libtpu: 0.0.44.dev20260713+nightly
codegen_flags: <defaults>
</compile_context>

<pallas_src>
import functools

import jax
import jax.numpy as jnp
from jax import lax
from jax.experimental import pallas as pl
from jax.experimental.pallas import tpu as pltpu
from jax.experimental.pallas import tpu_sc as plsc

NUM_CORES = 2
NUM_SUBCORES = 16
NUM_WORKERS = NUM_CORES * NUM_SUBCORES
LANES = 16

ROWS_PER_GROUP = 4
NEUR_CHUNK = 128


def _build_sc_call(batch, input_size, num_neurons, num_synapses):
    assert batch % (NUM_WORKERS * ROWS_PER_GROUP) == 0
    assert num_neurons % (2 * NEUR_CHUNK) == 0 and NEUR_CHUNK % LANES == 0
    rows_per_worker = batch // NUM_WORKERS
    groups = rows_per_worker // ROWS_PER_GROUP
    chunks = num_neurons // NEUR_CHUNK
    nblocks = NEUR_CHUNK // LANES

    mesh = plsc.VectorSubcoreMesh(
        core_axis_name="c", subcore_axis_name="s", num_cores=NUM_CORES
    )

    @functools.partial(
        pl.kernel,
        out_type=jax.ShapeDtypeStruct((batch, num_synapses, num_neurons),
                                      jnp.float32),
        mesh=mesh,
        compiler_params=pltpu.CompilerParams(needs_layout_passes=False),
        scratch_types=[
            *[pltpu.VMEM((input_size,), jnp.float32) for _ in range(ROWS_PER_GROUP)],
            *[pltpu.VMEM((num_synapses, NEUR_CHUNK), jnp.int32) for _ in range(4)],
            *[pltpu.VMEM((ROWS_PER_GROUP, num_synapses, NEUR_CHUNK), jnp.float32)
              for _ in range(2)],
            *[pltpu.VMEM_SHARED((num_synapses, num_neurons), jnp.int32)
              for _ in range(2)],
            pltpu.SemaphoreType.DMA,
            *[pltpu.SemaphoreType.DMA for _ in range(2)],
            *[pltpu.SemaphoreType.DMA for _ in range(2)],
        ],
    )
    def sc_call(x_hbm, ip_hbm, iq_hbm, out_hbm, r0, r1, r2, r3,
                ip0, iq0, ip1, iq1, ob0, ob1, ip_sp, iq_sp,
                row_sem, is0, is1, os0, os1):
        rows = [r0, r1, r2, r3]
        idx_bufs = [(ip0, iq0), (ip1, iq1)]
        idx_sems = [is0, is1]
        out_bufs = [ob0, ob1]
        out_sems = [os0, os1]
        wid = lax.axis_index("s") * NUM_CORES + lax.axis_index("c")
        base = wid * rows_per_worker

        def idx_slice(c):
            return pl.ds(c * NEUR_CHUNK, NEUR_CHUNK)

        def start_idx(c, buf):
            pltpu.async_copy(ip_sp.at[:, idx_slice(c)], idx_bufs[buf][0],
                             idx_sems[buf])
            pltpu.async_copy(iq_sp.at[:, idx_slice(c)], idx_bufs[buf][1],
                             idx_sems[buf])

        def wait_idx(c, buf):
            pltpu.make_async_copy(ip_sp.at[:, idx_slice(c)],
                                  idx_bufs[buf][0], idx_sems[buf]).wait()
            pltpu.make_async_copy(iq_sp.at[:, idx_slice(c)],
                                  idx_bufs[buf][1], idx_sems[buf]).wait()

        def out_slice(row0, c):
            return out_hbm.at[pl.ds(row0, ROWS_PER_GROUP), :,
                              pl.ds(c * NEUR_CHUNK, NEUR_CHUNK)]

        def start_out(row0, c, buf):
            pltpu.async_copy(out_bufs[buf], out_slice(row0, c), out_sems[buf])

        def wait_out(row0, c, buf):
            pltpu.make_async_copy(out_bufs[buf], out_slice(row0, c),
                                  out_sems[buf]).wait()

        def compute_chunk(buf):
            ipv, iqv = idx_bufs[buf]
            ob = out_bufs[buf]

            @plsc.parallel_loop(0, num_synapses, 1, unroll=1)
            def vec_body(s):
                for nb in range(nblocks):
                    off = nb * LANES
                    ip = ipv[s, pl.ds(off, LANES)]
                    iq = iqv[s, pl.ds(off, LANES)]
                    for r in range(ROWS_PER_GROUP):
                        u = plsc.load_gather(rows[r], [ip])
                        v = plsc.load_gather(rows[r], [iq])
                        ob[r, s, pl.ds(off, LANES)] = jnp.where(
                            u > v, jnp.float32(1.0), jnp.float32(0.0)
                        )

        @pl.when(lax.axis_index("s") == 0)
        def _():
            pltpu.sync_copy(ip_hbm, ip_sp)
            pltpu.sync_copy(iq_hbm, iq_sp)

        plsc.subcore_barrier()

        def start_rows(row0):
            for r in range(ROWS_PER_GROUP):
                pltpu.async_copy(x_hbm.at[row0 + r], rows[r], row_sem)

        def wait_rows(row0):
            for r in range(ROWS_PER_GROUP):
                pltpu.make_async_copy(x_hbm.at[row0 + r], rows[r],
                                      row_sem).wait()

        start_rows(base)
        start_idx(0, 0)
        start_idx(1, 1)

        def group_body(g, carry):
            row0 = base + g * ROWS_PER_GROUP
            wait_rows(row0)

            def pair_body(c2, carry):
                c = c2 * 2
                for buf in range(2):
                    wait_idx(c + buf, buf)

                    @pl.when(c2 > 0)
                    def _():
                        wait_out(row0, c + buf - 2, buf)

                    compute_chunk(buf)
                    start_out(row0, c + buf, buf)

                    @pl.when(c2 < chunks // 2 - 1)
                    def _():
                        start_idx(c + buf + 2, buf)

                return carry

            lax.fori_loop(0, chunks // 2, pair_body, carry, unroll=False)

            @pl.when(g < groups - 1)
            def _():
                start_rows(row0 + ROWS_PER_GROUP)
                start_idx(0, 0)
                start_idx(1, 1)

            for buf in range(2):
                wait_out(row0, chunks - 2 + buf, buf)
            return carry

        lax.fori_loop(0, groups, group_body, 0, unroll=False)

    return sc_call


def kernel(x, idx_p, idx_q):
    batch, input_size = x.shape
    num_neurons, num_synapses = idx_p.shape
    ip = idx_p.T.astype(jnp.int32)
    iq = idx_q.T.astype(jnp.int32)
    sc_call = _build_sc_call(batch, input_size, num_neurons, num_synapses)
    out_bsn = sc_call(x, ip, iq)
    return out_bsn.transpose(0, 2, 1)

# --- scband reference (transcript-rebuilt; emitter-appended) ---
"""Pipeline reference for scband-minchinton-layer-31310311587963 (READ-ONLY COPY).

The authoritative reference and input builder live on the scoring server;
editing this copy changes nothing except your own understanding.
"""

import jax, jax.numpy as jnp
import numpy as np

INPUT_SIZE = 16384
NUM_NEURONS = 2048
NUM_SYNAPSES = 32
BATCH = 1024
TAU = 1.0


def minchinton_compare(u, v, tau):
    # Straight-through estimator: hard binary comparison in forward,
    # sigmoid relaxation gradient in backward.
    soft = jax.nn.sigmoid((u - v) / tau)
    hard = (u > v).astype(u.dtype)
    return hard + (soft - jax.lax.stop_gradient(soft))


def setup_inputs(seed: int = 0) -> dict:
    key = jax.random.key(seed)
    k1, k2, k3 = jax.random.split(key, 3)
    x = jax.random.uniform(k1, (BATCH, INPUT_SIZE), dtype=jnp.float32)
    idx_p = jax.random.randint(k2, (NUM_NEURONS, NUM_SYNAPSES), 0, INPUT_SIZE, dtype=jnp.int64 if jax.config.jax_enable_x64 else jnp.int32)
    idx_q = jax.random.randint(k3, (NUM_NEURONS, NUM_SYNAPSES), 0, INPUT_SIZE, dtype=jnp.int64 if jax.config.jax_enable_x64 else jnp.int32)
    return {"x": x, "idx_p": idx_p, "idx_q": idx_q}


def reference(x, idx_p, idx_q):
    # Gather two input positions per synapse for every neuron.
    # u, v: (batch, num_neurons, num_synapses)
    u = x[:, idx_p]
    v = x[:, idx_q]
    return minchinton_compare(u, v, TAU)

if __name__ == "__main__":
    import jax
    _d = setup_inputs()
    print(jax.jit(kernel)(*tuple(_d.values())))

</pallas_src>

<mosaic_0001>
#map = affine_map<(d0, d1) -> (0, 0)>
#map1 = affine_map<(d0, d1) -> (0, 0, 0)>
module attributes {stable_mosaic.version = 14 : i64} {
  func.func @sc_call(%arg0: i32, %arg1: i32, %arg2: memref<1024x16384xf32, #tpu.memory_space<hbm>>, %arg3: memref<32x2048xi32, #tpu.memory_space<hbm>>, %arg4: memref<32x2048xi32, #tpu.memory_space<hbm>>, %arg5: memref<1024x32x2048xf32, #tpu.memory_space<hbm>>, %arg6: memref<16384xf32, #tpu.memory_space<vmem>>, %arg7: memref<16384xf32, #tpu.memory_space<vmem>>, %arg8: memref<16384xf32, #tpu.memory_space<vmem>>, %arg9: memref<16384xf32, #tpu.memory_space<vmem>>, %arg10: memref<32x128xi32, #tpu.memory_space<vmem>>, %arg11: memref<32x128xi32, #tpu.memory_space<vmem>>, %arg12: memref<32x128xi32, #tpu.memory_space<vmem>>, %arg13: memref<32x128xi32, #tpu.memory_space<vmem>>, %arg14: memref<4x32x128xf32, #tpu.memory_space<vmem>>, %arg15: memref<4x32x128xf32, #tpu.memory_space<vmem>>, %arg16: memref<32x2048xi32, #tpu.memory_space<vmem_shared>>, %arg17: memref<32x2048xi32, #tpu.memory_space<vmem_shared>>, %arg18: memref<!tpu.dma_semaphore, #tpu.memory_space<semaphore_mem>>, %arg19: memref<!tpu.dma_semaphore, #tpu.memory_space<semaphore_mem>>, %arg20: memref<!tpu.dma_semaphore, #tpu.memory_space<semaphore_mem>>, %arg21: memref<!tpu.dma_semaphore, #tpu.memory_space<semaphore_mem>>, %arg22: memref<!tpu.dma_semaphore, #tpu.memory_space<semaphore_mem>>) attributes {dimension_semantics = [#tpu.dimension_semantics<core_parallel>, #tpu.dimension_semantics<subcore_parallel>], iteration_bounds = array<i64: 2, 16>, scalar_prefetch = 0 : i64, scratch_operands = 17 : i64, tpu.core_type = #tpu.core_type<sc_vector_subcore>, window_params = [{transform_indices = #map}, {transform_indices = #map}, {transform_indices = #map}, {transform_indices = #map1}]} {
    %mul3A = arith.constant 2 : i32
    %mul3A_0 = arith.muli %arg1, %mul3A : i32
    %add3A = arith.addi %mul3A_0, %arg0 : i32
    %mul3A_1 = arith.constant 32 : i32
    %mul3A_2 = arith.muli %add3A, %mul3A_1 : i32
    %eq3A = arith.constant 0 : i32
    %eq3A_3 = arith.cmpi eq, %arg1, %eq3A : i32
    %convert_element_type3A = arith.extui %eq3A_3 : i1 to i32
    %cond3A = arith.constant 0 : i32
    %cond3A_4 = arith.cmpi ne, %convert_element_type3A, %cond3A : i32
    scf.if %cond3A_4 {
      "tpu.region"() ({
        %run_scoped3A = tpu.sem_alloc : memref<!tpu.dma_semaphore, #tpu.memory_space<semaphore_mem>>
        tpu.enqueue_dma source(%arg3 : memref<32x2048xi32, #tpu.memory_space<hbm>>) target(%arg16 : memref<32x2048xi32, #tpu.memory_space<vmem_shared>>) target_semaphore(%run_scoped3A : memref<!tpu.dma_semaphore, #tpu.memory_space<semaphore_mem>>)
        tpu.wait_dma2 semaphore(%run_scoped3A : memref<!tpu.dma_semaphore, #tpu.memory_space<semaphore_mem>>) src(%arg3 : memref<32x2048xi32, #tpu.memory_space<hbm>>) dst(%arg16 : memref<32x2048xi32, #tpu.memory_space<vmem_shared>>)
        tpu.yield
      }) : () -> ()
      "tpu.region"() ({
        %run_scoped3A = tpu.sem_alloc : memref<!tpu.dma_semaphore, #tpu.memory_space<semaphore_mem>>
        tpu.enqueue_dma source(%arg4 : memref<32x2048xi32, #tpu.memory_space<hbm>>) target(%arg17 : memref<32x2048xi32, #tpu.memory_space<vmem_shared>>) target_semaphore(%run_scoped3A : memref<!tpu.dma_semaphore, #tpu.memory_space<semaphore_mem>>)
        tpu.wait_dma2 semaphore(%run_scoped3A : memref<!tpu.dma_semaphore, #tpu.memory_space<semaphore_mem>>) src(%arg4 : memref<32x2048xi32, #tpu.memory_space<hbm>>) dst(%arg17 : memref<32x2048xi32, #tpu.memory_space<vmem_shared>>)
        tpu.yield
      }) : () -> ()
    } else {
    }
    %barrier3A = arith.constant 0 : index
    tpu.barrier barrier_id(%barrier3A)
    %add3A_5 = arith.constant 0 : i32
    %add3A_6 = arith.addi %mul3A_2, %add3A_5 : i32
    %dma_start3A = arith.constant 0 : i32
    %dma_start3A_7 = tpu.memref_slice %arg2[%add3A_6, %dma_start3A] : memref<1024x16384xf32, #tpu.memory_space<hbm>> -> memref<1x16384xf32, #tpu.memory_space<hbm>>
    %dma_start3A_8 = tpu.memref_squeeze %dma_start3A_7 : memref<1x16384xf32, #tpu.memory_space<hbm>> -> memref<16384xf32, #tpu.memory_space<hbm>>
    %dma_start3A_9 = arith.constant 0 : i32
    %dma_start3A_10 = tpu.memref_slice %arg2[%add3A_6, %dma_start3A_9] : memref<1024x16384xf32, #tpu.memory_space<hbm>> -> memref<1x16384xf32, #tpu.memory_space<hbm>>
    %dma_start3A_11 = tpu.memref_squeeze %dma_start3A_10 : memref<1x16384xf32, #tpu.memory_space<hbm>> -> memref<16384xf32, #tpu.memory_space<hbm>>
    tpu.enqueue_dma source(%dma_start3A_11 : memref<16384xf32, #tpu.memory_space<hbm>>) target(%arg6 : memref<16384xf32, #tpu.memory_space<vmem>>) target_semaphore(%arg18 : memref<!tpu.dma_semaphore, #tpu.memory_space<semaphore_mem>>)
    %add3A_12 = arith.constant 1 : i32
    %add3A_13 = arith.addi %mul3A_2, %add3A_12 : i32
    %dma_start3A_14 = arith.constant 0 : i32
    %dma_start3A_15 = tpu.memref_slice %arg2[%add3A_13, %dma_start3A_14] : memref<1024x16384xf32, #tpu.memory_space<hbm>> -> memref<1x16384xf32, #tpu.memory_space<hbm>>
    %dma_start3A_16 = tpu.memref_squeeze %dma_start3A_15 : memref<1x16384xf32, #tpu.memory_space<hbm>> -> memref<16384xf32, #tpu.memory_space<hbm>>
    %dma_start3A_17 = arith.constant 0 : i32
    %dma_start3A_18 = tpu.memref_slice %arg2[%add3A_13, %dma_start3A_17] : memref<1024x16384xf32, #tpu.memory_space<hbm>> -> memref<1x16384xf32, #tpu.memory_space<hbm>>
    %dma_start3A_19 = tpu.memref_squeeze %dma_start3A_18 : memref<1x16384xf32, #tpu.memory_space<hbm>> -> memref<16384xf32, #tpu.memory_space<hbm>>
    tpu.enqueue_dma source(%dma_start3A_19 : memref<16384xf32, #tpu.memory_space<hbm>>) target(%arg7 : memref<16384xf32, #tpu.memory_space<vmem>>) target_semaphore(%arg18 : memref<!tpu.dma_semaphore, #tpu.memory_space<semaphore_mem>>)
    %add3A_20 = arith.constant 2 : i32
    %add3A_21 = arith.addi %mul3A_2, %add3A_20 : i32
    %dma_start3A_22 = arith.constant 0 : i32
    %dma_start3A_23 = tpu.memref_slice %arg2[%add3A_21, %dma_start3A_22] : memref<1024x16384xf32, #tpu.memory_space<hbm>> -> memref<1x16384xf32, #tpu.memory_space<hbm>>
    %dma_start3A_24 = tpu.memref_squeeze %dma_start3A_23 : memref<1x16384xf32, #tpu.memory_space<hbm>> -> memref<16384xf32, #tpu.memory_space<hbm>>
    %dma_start3A_25 = arith.constant 0 : i32
    %dma_start3A_26 = tpu.memref_slice %arg2[%add3A_21, %dma_start3A_25] : memref<1024x16384xf32, #tpu.memory_space<hbm>> -> memref<1x16384xf32, #tpu.memory_space<hbm>>
    %dma_start3A_27 = tpu.memref_squeeze %dma_start3A_26 : memref<1x16384xf32, #tpu.memory_space<hbm>> -> memref<16384xf32, #tpu.memory_space<hbm>>
    tpu.enqueue_dma source(%dma_start3A_27 : memref<16384xf32, #tpu.memory_space<hbm>>) target(%arg8 : memref<16384xf32, #tpu.memory_space<vmem>>) target_semaphore(%arg18 : memref<!tpu.dma_semaphore, #tpu.memory_space<semaphore_mem>>)
    %add3A_28 = arith.constant 3 : i32
    %add3A_29 = arith.addi %mul3A_2, %add3A_28 : i32
    %dma_start3A_30 = arith.constant 0 : i32
    %dma_start3A_31 = tpu.memref_slice %arg2[%add3A_29, %dma_start3A_30] : memref<1024x16384xf32, #tpu.memory_space<hbm>> -> memref<1x16384xf32, #tpu.memory_space<hbm>>
    %dma_start3A_32 = tpu.memref_squeeze %dma_start3A_31 : memref<1x16384xf32, #tpu.memory_space<hbm>> -> memref<16384xf32, #tpu.memory_space<hbm>>
    %dma_start3A_33 = arith.constant 0 : i32
    %dma_start3A_34 = tpu.memref_slice %arg2[%add3A_29, %dma_start3A_33] : memref<1024x16384xf32, #tpu.memory_space<hbm>> -> memref<1x16384xf32, #tpu.memory_space<hbm>>
    %dma_start3A_35 = tpu.memref_squeeze %dma_start3A_34 : memref<1x16384xf32, #tpu.memory_space<hbm>> -> memref<16384xf32, #tpu.memory_space<hbm>>
    tpu.enqueue_dma source(%dma_start3A_35 : memref<16384xf32, #tpu.memory_space<hbm>>) target(%arg9 : memref<16384xf32, #tpu.memory_space<vmem>>) target_semaphore(%arg18 : memref<!tpu.dma_semaphore, #tpu.memory_space<semaphore_mem>>)
    %dma_start3A_36 = arith.constant 0 : i32
    %dma_start3A_37 = arith.constant 0 : i32
    %dma_start3A_38 = tpu.memref_slice %arg16[%dma_start3A_36, %dma_start3A_37] : memref<32x2048xi32, #tpu.memory_space<vmem_shared>> -> memref<32x128xi32, #tpu.memory_space<vmem_shared>>
    %dma_start3A_39 = arith.constant 0 : i32
    %dma_start3A_40 = arith.constant 0 : i32
    %dma_start3A_41 = tpu.memref_slice %arg16[%dma_start3A_39, %dma_start3A_40] : memref<32x2048xi32, #tpu.memory_space<vmem_shared>> -> memref<32x128xi32, #tpu.memory_space<vmem_shared>>
    tpu.enqueue_dma source(%dma_start3A_41 : memref<32x128xi32, #tpu.memory_space<vmem_shared>>) target(%arg10 : memref<32x128xi32, #tpu.memory_space<vmem>>) target_semaphore(%arg19 : memref<!tpu.dma_semaphore, #tpu.memory_space<semaphore_mem>>)
    %dma_start3A_42 = arith.constant 0 : i32
    %dma_start3A_43 = arith.constant 0 : i32
    %dma_start3A_44 = tpu.memref_slice %arg17[%dma_start3A_42, %dma_start3A_43] : memref<32x2048xi32, #tpu.memory_space<vmem_shared>> -> memref<32x128xi32, #tpu.memory_space<vmem_shared>>
    %dma_start3A_45 = arith.constant 0 : i32
    %dma_start3A_46 = arith.constant 0 : i32
    %dma_start3A_47 = tpu.memref_slice %arg17[%dma_start3A_45, %dma_start3A_46] : memref<32x2048xi32, #tpu.memory_space<vmem_shared>> -> memref<32x128xi32, #tpu.memory_space<vmem_shared>>
    tpu.enqueue_dma source(%dma_start3A_47 : memref<32x128xi32, #tpu.memory_space<vmem_shared>>) target(%arg11 : memref<32x128xi32, #tpu.memory_space<vmem>>) target_semaphore(%arg19 : memref<!tpu.dma_semaphore, #tpu.memory_space<semaphore_mem>>)
    %dma_start3A_48 = arith.constant 0 : i32
    %dma_start3A_49 = arith.constant 128 : i32
    %dma_start3A_50 = tpu.memref_slice %arg16[%dma_start3A_48, %dma_start3A_49] : memref<32x2048xi32, #tpu.memory_space<vmem_shared>> -> memref<32x128xi32, #tpu.memory_space<vmem_shared>>
    %dma_start3A_51 = arith.constant 0 : i32
    %dma_start3A_52 = arith.constant 128 : i32
    %dma_start3A_53 = tpu.memref_slice %arg16[%dma_start3A_51, %dma_start3A_52] : memref<32x2048xi32, #tpu.memory_space<vmem_shared>> -> memref<32x128xi32, #tpu.memory_space<vmem_shared>>
    tpu.enqueue_dma source(%dma_start3A_53 : memref<32x128xi32, #tpu.memory_space<vmem_shared>>) target(%arg12 : memref<32x128xi32, #tpu.memory_space<vmem>>) target_semaphore(%arg20 : memref<!tpu.dma_semaphore, #tpu.memory_space<semaphore_mem>>)
    %dma_start3A_54 = arith.constant 0 : i32
    %dma_start3A_55 = arith.constant 128 : i32
    %dma_start3A_56 = tpu.memref_slice %arg17[%dma_start3A_54, %dma_start3A_55] : memref<32x2048xi32, #tpu.memory_space<vmem_shared>> -> memref<32x128xi32, #tpu.memory_space<vmem_shared>>
    %dma_start3A_57 = arith.constant 0 : i32
    %dma_start3A_58 = arith.constant 128 : i32
    %dma_start3A_59 = tpu.memref_slice %arg17[%dma_start3A_57, %dma_start3A_58] : memref<32x2048xi32, #tpu.memory_space<vmem_shared>> -> memref<32x128xi32, #tpu.memory_space<vmem_shared>>
    tpu.enqueue_dma source(%dma_start3A_59 : memref<32x128xi32, #tpu.memory_space<vmem_shared>>) target(%arg13 : memref<32x128xi32, #tpu.memory_space<vmem>>) target_semaphore(%arg20 : memref<!tpu.dma_semaphore, #tpu.memory_space<semaphore_mem>>)
    %scan3A = arith.constant 0 : i32
    %scan3A_60 = arith.constant 0 : i32
    %scan3A_61 = arith.constant 8 : i32
    %scan3A_62 = arith.addi %scan3A_60, %scan3A_61 : i32
    %scan3A_63 = arith.constant 1 : i32
    scf.for %scan3A_65 = %scan3A_60 to %scan3A_62 step %scan3A_63  : i32 {
      %mul3A_66 = arith.constant 4 : i32
      %mul3A_67 = arith.muli %scan3A_65, %mul3A_66 : i32
      %add3A_68 = arith.addi %mul3A_2, %mul3A_67 : i32
      %add3A_69 = arith.constant 0 : i32
      %add3A_70 = arith.addi %add3A_68, %add3A_69 : i32
      %dma_wait3A = arith.constant 0 : i32
      %dma_wait3A_71 = tpu.memref_slice %arg2[%add3A_70, %dma_wait3A] : memref<1024x16384xf32, #tpu.memory_space<hbm>> -> memref<1x16384xf32, #tpu.memory_space<hbm>>
      %dma_wait3A_72 = tpu.memref_squeeze %dma_wait3A_71 : memref<1x16384xf32, #tpu.memory_space<hbm>> -> memref<16384xf32, #tpu.memory_space<hbm>>
      %dma_wait3A_73 = arith.constant 0 : i32
      %dma_wait3A_74 = tpu.memref_slice %arg2[%add3A_70, %dma_wait3A_73] : memref<1024x16384xf32, #tpu.memory_space<hbm>> -> memref<1x16384xf32, #tpu.memory_space<hbm>>
      %dma_wait3A_75 = tpu.memref_squeeze %dma_wait3A_74 : memref<1x16384xf32, #tpu.memory_space<hbm>> -> memref<16384xf32, #tpu.memory_space<hbm>>
      tpu.wait_dma2 semaphore(%arg18 : memref<!tpu.dma_semaphore, #tpu.memory_space<semaphore_mem>>) src(%dma_wait3A_75 : memref<16384xf32, #tpu.memory_space<hbm>>) dst(%arg6 : memref<16384xf32, #tpu.memory_space<vmem>>)
      %add3A_76 = arith.constant 1 : i32
      %add3A_77 = arith.addi %add3A_68, %add3A_76 : i32
      %dma_wait3A_78 = arith.constant 0 : i32
      %dma_wait3A_79 = tpu.memref_slice %arg2[%add3A_77, %dma_wait3A_78] : memref<1024x16384xf32, #tpu.memory_space<hbm>> -> memref<1x16384xf32, #tpu.memory_space<hbm>>
      %dma_wait3A_80 = tpu.memref_squeeze %dma_wait3A_79 : memref<1x16384xf32, #tpu.memory_space<hbm>> -> memref<16384xf32, #tpu.memory_space<hbm>>
      %dma_wait3A_81 = arith.constant 0 : i32
      %dma_wait3A_82 = tpu.memref_slice %arg2[%add3A_77, %dma_wait3A_81] : memref<1024x16384xf32, #tpu.memory_space<hbm>> -> memref<1x16384xf32, #tpu.memory_space<hbm>>
      %dma_wait3A_83 = tpu.memref_squeeze %dma_wait3A_82 : memref<1x16384xf32, #tpu.memory_space<hbm>> -> memref<16384xf32, #tpu.memory_space<hbm>>
      tpu.wait_dma2 semaphore(%arg18 : memref<!tpu.dma_semaphore, #tpu.memory_space<semaphore_mem>>) src(%dma_wait3A_83 : memref<16384xf32, #tpu.memory_space<hbm>>) dst(%arg7 : memref<16384xf32, #tpu.memory_space<vmem>>)
      %add3A_84 = arith.constant 2 : i32
      %add3A_85 = arith.addi %add3A_68, %add3A_84 : i32
      %dma_wait3A_86 = arith.constant 0 : i32
      %dma_wait3A_87 = tpu.memref_slice %arg2[%add3A_85, %dma_wait3A_86] : memref<1024x16384xf32, #tpu.memory_space<hbm>> -> memref<1x16384xf32, #tpu.memory_space<hbm>>
      %dma_wait3A_88 = tpu.memref_squeeze %dma_wait3A_87 : memref<1x16384xf32, #tpu.memory_space<hbm>> -> memref<16384xf32, #tpu.memory_space<hbm>>
      %dma_wait3A_89 = arith.constant 0 : i32
      %dma_wait3A_90 = tpu.memref_slice %arg2[%add3A_85, %dma_wait3A_89] : memref<1024x16384xf32, #tpu.memory_space<hbm>> -> memref<1x16384xf32, #tpu.memory_space<hbm>>
      %dma_wait3A_91 = tpu.memref_squeeze %dma_wait3A_90 : memref<1x16384xf32, #tpu.memory_space<hbm>> -> memref<16384xf32, #tpu.memory_space<hbm>>
      tpu.wait_dma2 semaphore(%arg18 : memref<!tpu.dma_semaphore, #tpu.memory_space<semaphore_mem>>) src(%dma_wait3A_91 : memref<16384xf32, #tpu.memory_space<hbm>>) dst(%arg8 : memref<16384xf32, #tpu.memory_space<vmem>>)
      %add3A_92 = arith.constant 3 : i32
      %add3A_93 = arith.addi %add3A_68, %add3A_92 : i32
      %dma_wait3A_94 = arith.constant 0 : i32
      %dma_wait3A_95 = tpu.memref_slice %arg2[%add3A_93, %dma_wait3A_94] : memref<1024x16384xf32, #tpu.memory_space<hbm>> -> memref<1x16384xf32, #tpu.memory_space<hbm>>
      %dma_wait3A_96 = tpu.memref_squeeze %dma_wait3A_95 : memref<1x16384xf32, #tpu.memory_space<hbm>> -> memref<16384xf32, #tpu.memory_space<hbm>>
      %dma_wait3A_97 = arith.constant 0 : i32
      %dma_wait3A_98 = tpu.memref_slice %arg2[%add3A_93, %dma_wait3A_97] : memref<1024x16384xf32, #tpu.memory_space<hbm>> -> memref<1x16384xf32, #tpu.memory_space<hbm>>
      %dma_wait3A_99 = tpu.memref_squeeze %dma_wait3A_98 : memref<1x16384xf32, #tpu.memory_space<hbm>> -> memref<16384xf32, #tpu.memory_space<hbm>>
      tpu.wait_dma2 semaphore(%arg18 : memref<!tpu.dma_semaphore, #tpu.memory_space<semaphore_mem>>) src(%dma_wait3A_99 : memref<16384xf32, #tpu.memory_space<hbm>>) dst(%arg9 : memref<16384xf32, #tpu.memory_space<vmem>>)
      %scan3A_100 = arith.constant 0 : i32
      %scan3A_101 = arith.constant 8 : i32
      %scan3A_102 = arith.addi %scan3A_100, %scan3A_101 : i32
      %scan3A_103 = arith.constant 1 : i32
      scf.for %scan3A_121 = %scan3A_100 to %scan3A_102 step %scan3A_103  : i32 {
        %mul3A_122 = arith.constant 2 : i32
        %mul3A_123 = arith.muli %scan3A_121, %mul3A_122 : i32
        %add3A_124 = arith.constant 0 : i32
        %add3A_125 = arith.addi %mul3A_123, %add3A_124 : i32
        %mul3A_126 = arith.constant 128 : i32
        %mul3A_127 = arith.muli %add3A_125, %mul3A_126 : i32
        %dma_wait3A_128 = arith.constant 0 : i32
        %dma_wait3A_129 = tpu.memref_slice %arg16[%dma_wait3A_128, %mul3A_127] : memref<32x2048xi32, #tpu.memory_space<vmem_shared>> -> memref<32x128xi32, #tpu.memory_space<vmem_shared>>
        %dma_wait3A_130 = arith.constant 0 : i32
        %dma_wait3A_131 = tpu.memref_slice %arg16[%dma_wait3A_130, %mul3A_127] : memref<32x2048xi32, #tpu.memory_space<vmem_shared>> -> memref<32x128xi32, #tpu.memory_space<vmem_shared>>
        tpu.wait_dma2 semaphore(%arg19 : memref<!tpu.dma_semaphore, #tpu.memory_space<semaphore_mem>>) src(%dma_wait3A_131 : memref<32x128xi32, #tpu.memory_space<vmem_shared>>) dst(%arg10 : memref<32x128xi32, #tpu.memory_space<vmem>>)
        %mul3A_132 = arith.constant 128 : i32
        %mul3A_133 = arith.muli %add3A_125, %mul3A_132 : i32
        %dma_wait3A_134 = arith.constant 0 : i32
        %dma_wait3A_135 = tpu.memref_slice %arg17[%dma_wait3A_134, %mul3A_133] : memref<32x2048xi32, #tpu.memory_space<vmem_shared>> -> memref<32x128xi32, #tpu.memory_space<vmem_shared>>
        %dma_wait3A_136 = arith.constant 0 : i32
        %dma_wait3A_137 = tpu.memref_slice %arg17[%dma_wait3A_136, %mul3A_133] : memref<32x2048xi32, #tpu.memory_space<vmem_shared>> -> memref<32x128xi32, #tpu.memory_space<vmem_shared>>
        tpu.wait_dma2 semaphore(%arg19 : memref<!tpu.dma_semaphore, #tpu.memory_space<semaphore_mem>>) src(%dma_wait3A_137 : memref<32x128xi32, #tpu.memory_space<vmem_shared>>) dst(%arg11 : memref<32x128xi32, #tpu.memory_space<vmem>>)
        %gt3A = arith.constant 0 : i32
        %gt3A_138 = arith.cmpi sgt, %scan3A_121, %gt3A : i32
        %convert_element_type3A_139 = arith.extui %gt3A_138 : i1 to i32
        %cond3A_140 = arith.constant 0 : i32
        %cond3A_141 = arith.cmpi ne, %convert_element_type3A_139, %cond3A_140 : i32
        scf.if %cond3A_141 {
          %add3A_192 = arith.constant 0 : i32
          %add3A_193 = arith.addi %mul3A_123, %add3A_192 : i32
          %sub3A = arith.constant 2 : i32
          %sub3A_194 = arith.subi %add3A_193, %sub3A : i32
          %mul3A_195 = arith.constant 128 : i32
          %mul3A_196 = arith.muli %sub3A_194, %mul3A_195 : i32
          %dma_wait3A_197 = arith.constant 0 : i32
          %dma_wait3A_198 = tpu.memref_slice %arg5[%add3A_68, %dma_wait3A_197, %mul3A_196] : memref<1024x32x2048xf32, #tpu.memory_space<hbm>> -> memref<4x32x128xf32, #tpu.memory_space<hbm>>
          %dma_wait3A_199 = arith.constant 0 : i32
          %dma_wait3A_200 = tpu.memref_slice %arg5[%add3A_68, %dma_wait3A_199, %mul3A_196] : memref<1024x32x2048xf32, #tpu.memory_space<hbm>> -> memref<4x32x128xf32, #tpu.memory_space<hbm>>
          tpu.wait_dma2 semaphore(%arg21 : memref<!tpu.dma_semaphore, #tpu.memory_space<semaphore_mem>>) src(%arg14 : memref<4x32x128xf32, #tpu.memory_space<vmem>>) dst(%dma_wait3A_200 : memref<4x32x128xf32, #tpu.memory_space<hbm>>)
        } else {
        }
        %parallel_loop3A = arith.constant 0 : i32
        %parallel_loop3A_142 = arith.constant 32 : i32
        %parallel_loop3A_143 = arith.constant 1 : i32
        scf.for %parallel_loop3A_192 = %parallel_loop3A to %parallel_loop3A_142 step %parallel_loop3A_143  : i32 {
          %parallel_loop3A_193 = arith.index_cast %parallel_loop3A_192 : i32 to index
          %parallel_loop3A_194 = arith.constant 0 : index
          %parallel_loop3A_195 = tpu.vector_load %arg10[%parallel_loop3A_193, %parallel_loop3A_194] {strides = array<i32>} : memref<32x128xi32, #tpu.memory_space<vmem>>, vector<16xi32>,
          %parallel_loop3A_196 = arith.index_cast %parallel_loop3A_192 : i32 to index
          %parallel_loop3A_197 = arith.constant 0 : index
          %parallel_loop3A_198 = tpu.vector_load %arg11[%parallel_loop3A_196, %parallel_loop3A_197] {strides = array<i32>} : memref<32x128xi32, #tpu.memory_space<vmem>>, vector<16xi32>,
          %parallel_loop3A_199 = tpu.vector_load_idx %arg6[%parallel_loop3A_195] : memref<16384xf32, #tpu.memory_space<vmem>>[vector<16xi32>], vector<16xf32>,
          %parallel_loop3A_200 = tpu.vector_load_idx %arg6[%parallel_loop3A_198] : memref<16384xf32, #tpu.memory_space<vmem>>[vector<16xi32>], vector<16xf32>,
          %parallel_loop3A_201 = arith.cmpf ogt, %parallel_loop3A_199, %parallel_loop3A_200 : vector<16xf32>
          %parallel_loop3A_202 = arith.constant 1.000000e+00 : f32
          %parallel_loop3A_203 = arith.constant 0.000000e+00 : f32
          %parallel_loop3A_204 = vector.broadcast %parallel_loop3A_202 : f32 to vector<16xf32>
          %parallel_loop3A_205 = vector.broadcast %parallel_loop3A_203 : f32 to vector<16xf32>
          %parallel_loop3A_206 = arith.select %parallel_loop3A_201, %parallel_loop3A_204, %parallel_loop3A_205 : vector<16xi1>, vector<16xf32>
          %parallel_loop3A_207 = arith.constant 0 : i32
          %parallel_loop3A_208 = arith.index_cast %parallel_loop3A_207 : i32 to index
          %parallel_loop3A_209 = arith.index_cast %parallel_loop3A_192 : i32 to index
          %parallel_loop3A_210 = arith.constant 0 : index
          %parallel_loop3A_211 = tpu.vector_load %arg14[%parallel_loop3A_208, %parallel_loop3A_209, %parallel_loop3A_210] {strides = array<i32>} : memref<4x32x128xf32, #tpu.memory_space<vmem>>, vector<16xf32>,
          tpu.vector_store %arg14[%parallel_loop3A_208, %parallel_loop3A_209, %parallel_loop3A_210], %parallel_loop3A_206 {strides = array<i32>} : memref<4x32x128xf32, #tpu.memory_space<vmem>>, vector<16xf32>,
          %parallel_loop3A_212 = tpu.vector_load_idx %arg7[%parallel_loop3A_195] : memref<16384xf32, #tpu.memory_space<vmem>>[vector<16xi32>], vector<16xf32>,
          %parallel_loop3A_213 = tpu.vector_load_idx %arg7[%parallel_loop3A_198] : memref<16384xf32, #tpu.memory_space<vmem>>[vector<16xi32>], vector<16xf32>,
          %parallel_loop3A_214 = arith.cmpf ogt, %parallel_loop3A_212, %parallel_loop3A_213 : vector<16xf32>
          %parallel_loop3A_215 = arith.constant 1.000000e+00 : f32
          %parallel_loop3A_216 = arith.constant 0.000000e+00 : f32
          %parallel_loop3A_217 = vector.broadcast %parallel_loop3A_215 : f32 to vector<16xf32>
          %parallel_loop3A_218 = vector.broadcast %parallel_loop3A_216 : f32 to vector<16xf32>
          %parallel_loop3A_219 = arith.select %parallel_loop3A_214, %parallel_loop3A_217, %parallel_loop3A_218 : vector<16xi1>, vector<16xf32>
          %parallel_loop3A_220 = arith.constant 1 : i32
          %parallel_loop3A_221 = arith.index_cast %parallel_loop3A_220 : i32 to index
          %parallel_loop3A_222 = arith.index_cast %parallel_loop3A_192 : i32 to index
          %parallel_loop3A_223 = arith.constant 0 : index
          %parallel_loop3A_224 = tpu.vector_load %arg14[%parallel_loop3A_221, %parallel_loop3A_222, %parallel_loop3A_223] {strides = array<i32>} : memref<4x32x128xf32, #tpu.memory_space<vmem>>, vector<16xf32>,
          tpu.vector_store %arg14[%parallel_loop3A_221, %parallel_loop3A_222, %parallel_loop3A_223], %parallel_loop3A_219 {strides = array<i32>} : memref<4x32x128xf32, #tpu.memory_space<vmem>>, vector<16xf32>,
          %parallel_loop3A_225 = tpu.vector_load_idx %arg8[%parallel_loop3A_195] : memref<16384xf32, #tpu.memory_space<vmem>>[vector<16xi32>], vector<16xf32>,
          %parallel_loop3A_226 = tpu.vector_load_idx %arg8[%parallel_loop3A_198] : memref<16384xf32, #tpu.memory_space<vmem>>[vector<16xi32>], vector<16xf32>,
          %parallel_loop3A_227 = arith.cmpf ogt, %parallel_loop3A_225, %parallel_loop3A_226 : vector<16xf32>
          %parallel_loop3A_228 = arith.constant 1.000000e+00 : f32
          %parallel_loop3A_229 = arith.constant 0.000000e+00 : f32
          %parallel_loop3A_230 = vector.broadcast %parallel_loop3A_228 : f32 to vector<16xf32>
          %parallel_loop3A_231 = vector.broadcast %parallel_loop3A_229 : f32 to vector<16xf32>
          %parallel_loop3A_232 = arith.select %parallel_loop3A_227, %parallel_loop3A_230, %parallel_loop3A_231 : vector<16xi1>, vector<16xf32>
          %parallel_loop3A_233 = arith.constant 2 : i32
          %parallel_loop3A_234 = arith.index_cast %parallel_loop3A_233 : i32 to index
          %parallel_loop3A_235 = arith.index_cast %parallel_loop3A_192 : i32 to index
          %parallel_loop3A_236 = arith.constant 0 : index
          %parallel_loop3A_237 = tpu.vector_load %arg14[%parallel_loop3A_234, %parallel_loop3A_235, %parallel_loop3A_236] {strides = array<i32>} : memref<4x32x128xf32, #tpu.memory_space<vmem>>, vector<16xf32>,
          tpu.vector_store %arg14[%parallel_loop3A_234, %parallel_loop3A_235, %parallel_loop3A_236], %parallel_loop3A_232 {strides = array<i32>} : memref<4x32x128xf32, #tpu.memory_space<vmem>>, vector<16xf32>,
          %parallel_loop3A_238 = tpu.vector_load_idx %arg9[%parallel_loop3A_195] : memref<16384xf32, #tpu.memory_space<vmem>>[vector<16xi32>], vector<16xf32>,
          %parallel_loop3A_239 = tpu.vector_load_idx %arg9[%parallel_loop3A_198] : memref<16384xf32, #tpu.memory_space<vmem>>[vector<16xi32>], vector<16xf32>,
          %parallel_loop3A_240 = arith.cmpf ogt, %parallel_loop3A_238, %parallel_loop3A_239 : vector<16xf32>
          %parallel_loop3A_241 = arith.constant 1.000000e+00 : f32
          %parallel_loop3A_242 = arith.constant 0.000000e+00 : f32
          %parallel_loop3A_243 = vector.broadcast %parallel_loop3A_241 : f32 to vector<16xf32>
          %parallel_loop3A_244 = vector.broadcast %parallel_loop3A_242 : f32 to vector<16xf32>
          %parallel_loop3A_245 = arith.select %parallel_loop3A_240, %parallel_loop3A_243, %parallel_loop3A_244 : vector<16xi1>, vector<16xf32>
          %parallel_loop3A_246 = arith.constant 3 : i32
          %parallel_loop3A_247 = arith.index_cast %parallel_loop3A_246 : i32 to index
          %parallel_loop3A_248 = arith.index_cast %parallel_loop3A_192 : i32 to index
          %parallel_loop3A_249 = arith.constant 0 : index
          %parallel_loop3A_250 = tpu.vector_load %arg14[%parallel_loop3A_247, %parallel_loop3A_248, %parallel_loop3A_249] {strides = array<i32>} : memref<4x32x128xf32, #tpu.memory_space<vmem>>, vector<16xf32>,
          tpu.vector_store %arg14[%parallel_loop3A_247, %parallel_loop3A_248, %parallel_loop3A_249], %parallel_loop3A_245 {strides = array<i32>} : memref<4x32x128xf32, #tpu.memory_space<vmem>>, vector<16xf32>,
          %parallel_loop3A_251 = arith.index_cast %parallel_loop3A_192 : i32 to index
          %parallel_loop3A_252 = arith.constant 16 : index
          %parallel_loop3A_253 = tpu.vector_load %arg10[%parallel_loop3A_251, %parallel_loop3A_252] {strides = array<i32>} : memref<32x128xi32, #tpu.memory_space<vmem>>, vector<16xi32>,
          %parallel_loop3A_254 = arith.index_cast %parallel_loop3A_192 : i32 to index
          %parallel_loop3A_255 = arith.constant 16 : index
          %parallel_loop3A_256 = tpu.vector_load %arg11[%parallel_loop3A_254, %parallel_loop3A_255] {strides = array<i32>} : memref<32x128xi32, #tpu.memory_space<vmem>>, vector<16xi32>,
          %parallel_loop3A_257 = tpu.vector_load_idx %arg6[%parallel_loop3A_253] : memref<16384xf32, #tpu.memory_space<vmem>>[vector<16xi32>], vector<16xf32>,
          %parallel_loop3A_258 = tpu.vector_load_idx %arg6[%parallel_loop3A_256] : memref<16384xf32, #tpu.memory_space<vmem>>[vector<16xi32>], vector<16xf32>,
          %parallel_loop3A_259 = arith.cmpf ogt, %parallel_loop3A_257, %parallel_loop3A_258 : vector<16xf32>
          %parallel_loop3A_260 = arith.constant 1.000000e+00 : f32
          %parallel_loop3A_261 = arith.constant 0.000000e+00 : f32
          %parallel_loop3A_262 = vector.broadcast %parallel_loop3A_260 : f32 to vector<16xf32>
          %parallel_loop3A_263 = vector.broadcast %parallel_loop3A_261 : f32 to vector<16xf32>
          %parallel_loop3A_264 = arith.select %parallel_loop3A_259, %parallel_loop3A_262, %parallel_loop3A_263 : vector<16xi1>, vector<16xf32>
          %parallel_loop3A_265 = arith.constant 0 : i32
          %parallel_loop3A_266 = arith.index_cast %parallel_loop3A_265 : i32 to index
          %parallel_loop3A_267 = arith.index_cast %parallel_loop3A_192 : i32 to index
          %parallel_loop3A_268 = arith.constant 16 : index
          %parallel_loop3A_269 = tpu.vector_load %arg14[%parallel_loop3A_266, %parallel_loop3A_267, %parallel_loop3A_268] {strides = array<i32>} : memref<4x32x128xf32, #tpu.memory_space<vmem>>, vector<16xf32>,
          tpu.vector_store %arg14[%parallel_loop3A_266, %parallel_loop3A_267, %parallel_loop3A_268], %parallel_loop3A_264 {strides = array<i32>} : memref<4x32x128xf32, #tpu.memory_space<vmem>>, vector<16xf32>,
          %parallel_loop3A_270 = tpu.vector_load_idx %arg7[%parallel_loop3A_253] : memref<16384xf32, #tpu.memory_space<vmem>>[vector<16xi32>], vector<16xf32>,
          %parallel_loop3A_271 = tpu.vector_load_idx %arg7[%parallel_loop3A_256] : memref<16384xf32, #tpu.memory_space<vmem>>[vector<16xi32>], vector<16xf32>,
          %parallel_loop3A_272 = arith.cmpf ogt, %parallel_loop3A_270, %parallel_loop3A_271 : vector<16xf32>
          %parallel_loop3A_273 = arith.constant 1.000000e+00 : f32
          %parallel_loop3A_274 = arith.constant 0.000000e+00 : f32
          %parallel_loop3A_275 = vector.broadcast %parallel_loop3A_273 : f32 to vector<16xf32>
          %parallel_loop3A_276 = vector.broadcast %parallel_loop3A_274 : f32 to vector<16xf32>
          %parallel_loop3A_277 = arith.select %parallel_loop3A_272, %parallel_loop3A_275, %parallel_loop3A_276 : vector<16xi1>, vector<16xf32>
          %parallel_loop3A_278 = arith.constant 1 : i32
          %parallel_loop3A_279 = arith.index_cast %parallel_loop3A_278 : i32 to index
          %parallel_loop3A_280 = arith.index_cast %parallel_loop3A_192 : i32 to index
          %parallel_loop3A_281 = arith.constant 16 : index
          %parallel_loop3A_282 = tpu.vector_load %arg14[%parallel_loop3A_279, %parallel_loop3A_280, %parallel_loop3A_281] {strides = array<i32>} : memref<4x32x128xf32, #tpu.memory_space<vmem>>, vector<16xf32>,
          tpu.vector_store %arg14[%parallel_loop3A_279, %parallel_loop3A_280, %parallel_loop3A_281], %parallel_loop3A_277 {strides = array<i32>} : memref<4x32x128xf32, #tpu.memory_space<vmem>>, vector<16xf32>,
          %parallel_loop3A_283 = tpu.vector_load_idx %arg8[%parallel_loop3A_253] : memref<16384xf32, #tpu.memory_space<vmem>>[vector<16xi32>], vector<16xf32>,
          %parallel_loop3A_284 = tpu.vector_load_idx %arg8[%parallel_loop3A_256] : memref<16384xf32, #tpu.memory_space<vmem>>[vector<16xi32>], vector<16xf32>,
          %parallel_loop3A_285 = arith.cmpf ogt, %parallel_loop3A_283, %parallel_loop3A_284 : vector<16xf32>
          %parallel_loop3A_286 = arith.constant 1.000000e+00 : f32
          %parallel_loop3A_287 = arith.constant 0.000000e+00 : f32
          %parallel_loop3A_288 = vector.broadcast %parallel_loop3A_286 : f32 to vector<16xf32>
          %parallel_loop3A_289 = vector.broadcast %parallel_loop3A_287 : f32 to vector<16xf32>
          %parallel_loop3A_290 = arith.select %parallel_loop3A_285, %parallel_loop3A_288, %parallel_loop3A_289 : vector<16xi1>, vector<16xf32>
          %parallel_loop3A_291 = arith.constant 2 : i32
          %parallel_loop3A_292 = arith.index_cast %parallel_loop3A_291 : i32 to index
          %parallel_loop3A_293 = arith.index_cast %parallel_loop3A_192 : i32 to index
          %parallel_loop3A_294 = arith.constant 16 : index
          %parallel_loop3A_295 = tpu.vector_load %arg14[%parallel_loop3A_292, %parallel_loop3A_293, %parallel_loop3A_294] {strides = array<i32>} : memref<4x32x128xf32, #tpu.memory_space<vmem>>, vector<16xf32>,
          tpu.vector_store %arg14[%parallel_loop3A_292, %parallel_loop3A_293, %parallel_loop3A_294], %parallel_loop3A_290 {strides = array<i32>} : memref<4x32x128xf32, #tpu.memory_space<vmem>>, vector<16xf32>,
          %parallel_loop3A_296 = tpu.vector_load_idx %arg9[%parallel_loop3A_253] : memref<16384xf32, #tpu.memory_space<vmem>>[vector<16xi32>], vector<16xf32>,
          %parallel_loop3A_297 = tpu.vector_load_idx %arg9[%parallel_loop3A_256] : memref<16384xf32, #tpu.memory_space<vmem>>[vector<16xi32>], vector<16xf32>,
          %parallel_loop3A_298 = arith.cmpf ogt, %parallel_loop3A_296, %parallel_loop3A_297 : vector<16xf32>
          %parallel_loop3A_299 = arith.constant 1.000000e+00 : f32
          %parallel_loop3A_300 = arith.constant 0.000000e+00 : f32
          %parallel_loop3A_301 = vector.broadcast %parallel_loop3A_299 : f32 to vector<16xf32>
          %parallel_loop3A_302 = vector.broadcast %parallel_loop3A_300 : f32 to vector<16xf32>
          %parallel_loop3A_303 = arith.select %parallel_loop3A_298, %parallel_loop3A_301, %parallel_loop3A_302 : vector<16xi1>, vector<16xf32>
          %parallel_loop3A_304 = arith.constant 3 : i32
          %parallel_loop3A_305 = arith.index_cast %parallel_loop3A_304 : i32 to index
          %parallel_loop3A_306 = arith.index_cast %parallel_loop3A_192 : i32 to index
          %parallel_loop3A_307 = arith.constant 16 : index
          %parallel_loop3A_308 = tpu.vector_load %arg14[%parallel_loop3A_305, %parallel_loop3A_306, %parallel_loop3A_307] {strides = array<i32>} : memref<4x32x128xf32, #tpu.memory_space<vmem>>, vector<16xf32>,
          tpu.vector_store %arg14[%parallel_loop3A_305, %parallel_loop3A_306, %parallel_loop3A_307], %parallel_loop3A_303 {strides = array<i32>} : memref<4x32x128xf32, #tpu.memory_space<vmem>>, vector<16xf32>,
          %parallel_loop3A_309 = arith.index_cast %parallel_loop3A_192 : i32 to index
          %parallel_loop3A_310 = arith.constant 32 : index
          %parallel_loop3A_311 = tpu.vector_load %arg10[%parallel_loop3A_309, %parallel_loop3A_310] {strides = array<i32>} : memref<32x128xi32, #tpu.memory_space<vmem>>, vector<16xi32>,
          %parallel_loop3A_312 = arith.index_cast %parallel_loop3A_192 : i32 to index
          %parallel_loop3A_313 = arith.constant 32 : index
          %parallel_loop3A_314 = tpu.vector_load %arg11[%parallel_loop3A_312, %parallel_loop3A_313] {strides = array<i32>} : memref<32x128xi32, #tpu.memory_space<vmem>>, vector<16xi32>,
          %parallel_loop3A_315 = tpu.vector_load_idx %arg6[%parallel_loop3A_311] : memref<16384xf32, #tpu.memory_space<vmem>>[vector<16xi32>], vector<16xf32>,
          %parallel_loop3A_316 = tpu.vector_load_idx %arg6[%parallel_loop3A_314] : memref<16384xf32, #tpu.memory_space<vmem>>[vector<16xi32>], vector<16xf32>,
          %parallel_loop3A_317 = arith.cmpf ogt, %parallel_loop3A_315, %parallel_loop3A_316 : vector<16xf32>
          %parallel_loop3A_318 = arith.constant 1.000000e+00 : f32
          %parallel_loop3A_319 = arith.constant 0.000000e+00 : f32
          %parallel_loop3A_320 = vector.broadcast %parallel_loop3A_318 : f32 to vector<16xf32>
          %parallel_loop3A_321 = vector.broadcast %parallel_loop3A_319 : f32 to vector<16xf32>
          %parallel_loop3A_322 = arith.select %parallel_loop3A_317, %parallel_loop3A_320, %parallel_loop3A_321 : vector<16xi1>, vector<16xf32>
          %parallel_loop3A_323 = arith.constant 0 : i32
          %parallel_loop3A_324 = arith.index_cast %parallel_loop3A_323 : i32 to index
          %parallel_loop3A_325 = arith.index_cast %parallel_loop3A_192 : i32 to index
          %parallel_loop3A_326 = arith.constant 32 : index
          %parallel_loop3A_327 = tpu.vector_load %arg14[%parallel_loop3A_324, %parallel_loop3A_325, %parallel_loop3A_326] {strides = array<i32>} : memref<4x32x128xf32, #tpu.memory_space<vmem>>, vector<16xf32>,
          tpu.vector_store %arg14[%parallel_loop3A_324, %parallel_loop3A_325, %parallel_loop3A_326], %parallel_loop3A_322 {strides = array<i32>} : memref<4x32x128xf32, #tpu.memory_space<vmem>>, vector<16xf32>,
          %parallel_loop3A_328 = tpu.vector_load_idx %arg7[%parallel_loop3A_311] : memref<16384xf32, #tpu.memory_space<vmem>>[vector<16xi32>], vector<16xf32>,
          %parallel_loop3A_329 = tpu.vector_load_idx %arg7[%parallel_loop3A_314] : memref<16384xf32, #tpu.memory_space<vmem>>[vector<16xi32>], vector<16xf32>,
          %parallel_loop3A_330 = arith.cmpf ogt, %parallel_loop3A_328, %parallel_loop3A_329 : vector<16xf32>
          %parallel_loop3A_331 = arith.constant 1.000000e+00 : f32
          %parallel_loop3A_332 = arith.constant 0.000000e+00 : f32
          %parallel_loop3A_333 = vector.broadcast %parallel_loop3A_331 : f32 to vector<16xf32>
          %parallel_loop3A_334 = vector.broadcast %parallel_loop3A_332 : f32 to vector<16xf32>
          %parallel_loop3A_335 = arith.select %parallel_loop3A_330, %parallel_loop3A_333, %parallel_loop3A_334 : vector<16xi1>, vector<16xf32>
          %parallel_loop3A_336 = arith.constant 1 : i32
          %parallel_loop3A_337 = arith.index_cast %parallel_loop3A_336 : i32 to index
          %parallel_loop3A_338 = arith.index_cast %parallel_loop3A_192 : i32 to index
          %parallel_loop3A_339 = arith.constant 32 : index
          %parallel_loop3A_340 = tpu.vector_load %arg14[%parallel_loop3A_337, %parallel_loop3A_338, %parallel_loop3A_339] {strides = array<i32>} : memref<4x32x128xf32, #tpu.memory_space<vmem>>, vector<16xf32>,
          tpu.vector_store %arg14[%parallel_loop3A_337, %parallel_loop3A_338, %parallel_loop3A_339], %parallel_loop3A_335 {strides = array<i32>} : memref<4x32x128xf32, #tpu.memory_space<vmem>>, vector<16xf32>,
          %parallel_loop3A_341 = tpu.vector_load_idx %arg8[%parallel_loop3A_311] : memref<16384xf32, #tpu.memory_space<vmem>>[vector<16xi32>], vector<16xf32>,
          %parallel_loop3A_342 = tpu.vector_load_idx %arg8[%parallel_loop3A_314] : memref<16384xf32, #tpu.memory_space<vmem>>[vector<16xi32>], vector<16xf32>,
          %parallel_loop3A_343 = arith.cmpf ogt, %parallel_loop3A_341, %parallel_loop3A_342 : vector<16xf32>
          %parallel_loop3A_344 = arith.constant 1.000000e+00 : f32
          %parallel_loop3A_345 = arith.constant 0.000000e+00 : f32
          %parallel_loop3A_346 = vector.broadcast %parallel_loop3A_344 : f32 to vector<16xf32>
          %parallel_loop3A_347 = vector.broadcast %parallel_loop3A_345 : f32 to vector<16xf32>
          %parallel_loop3A_348 = arith.select %parallel_loop3A_343, %parallel_loop3A_346, %parallel_loop3A_347 : vector<16xi1>, vector<16xf32>
          %parallel_loop3A_349 = arith.constant 2 : i32
          %parallel_loop3A_350 = arith.index_cast %parallel_loop3A_349 : i32 to index
          %parallel_loop3A_351 = arith.index_cast %parallel_loop3A_192 : i32 to index
          %parallel_loop3A_352 = arith.constant 32 : index
          %parallel_loop3A_353 = tpu.vector_load %arg14[%parallel_loop3A_350, %parallel_loop3A_351, %parallel_loop3A_352] {strides = array<i32>} : memref<4x32x128xf32, #tpu.memory_space<vmem>>, vector<16xf32>,
          tpu.vector_store %arg14[%parallel_loop3A_350, %parallel_loop3A_351, %parallel_loop3A_352], %parallel_loop3A_348 {strides = array<i32>} : memref<4x32x128xf32, #tpu.memory_space<vmem>>, vector<16xf32>,
          %parallel_loop3A_354 = tpu.vector_load_idx %arg9[%parallel_loop3A_311] : memref<16384xf32, #tpu.memory_space<vmem>>[vector<16xi32>], vector<16xf32>,
          %parallel_loop3A_355 = tpu.vector_load_idx %arg9[%parallel_loop3A_314] : memref<16384xf32, #tpu.memory_space<vmem>>[vector<16xi32>], vector<16xf32>,
          %parallel_loop3A_356 = arith.cmpf ogt, %parallel_loop3A_354, %parallel_loop3A_355 : vector<16xf32>
          %parallel_loop3A_357 = arith.constant 1.000000e+00 : f32
          %parallel_loop3A_358 = arith.constant 0.000000e+00 : f32
          %parallel_loop3A_359 = vector.broadcast %parallel_loop3A_357 : f32 to vector<16xf32>
          %parallel_loop3A_360 = vector.broadcast %parallel_loop3A_358 : f32 to vector<16xf32>
          %parallel_loop3A_361 = arith.select %parallel_loop3A_356, %parallel_loop3A_359, %parallel_loop3A_360 : vector<16xi1>, vector<16xf32>
          %parallel_loop3A_362 = arith.constant 3 : i32
          %parallel_loop3A_363 = arith.index_cast %parallel_loop3A_362 : i32 to index
          %parallel_loop3A_364 = arith.index_cast %parallel_loop3A_192 : i32 to index
          %parallel_loop3A_365 = arith.constant 32 : index
          %parallel_loop3A_366 = tpu.vector_load %arg14[%parallel_loop3A_363, %parallel_loop3A_364, %parallel_loop3A_365] {strides = array<i32>} : memref<4x32x128xf32, #tpu.memory_space<vmem>>, vector<16xf32>,
          tpu.vector_store %arg14[%parallel_loop3A_363, %parallel_loop3A_364, %parallel_loop3A_365], %parallel_loop3A_361 {strides = array<i32>} : memref<4x32x128xf32, #tpu.memory_space<vmem>>, vector<16xf32>,
          %parallel_loop3A_367 = arith.index_cast %parallel_loop3A_192 : i32 to index
          %parallel_loop3A_368 = arith.constant 48 : index
          %parallel_loop3A_369 = tpu.vector_load %arg10[%parallel_loop3A_367, %parallel_loop3A_368] {strides = array<i32>} : memref<32x128xi32, #tpu.memory_space<vmem>>, vector<16xi32>,
          %parallel_loop3A_370 = arith.index_cast %parallel_loop3A_192 : i32 to index
          %parallel_loop3A_371 = arith.constant 48 : index
          %parallel_loop3A_372 = tpu.vector_load %arg11[%parallel_loop3A_370, %parallel_loop3A_371] {strides = array<i32>} : memref<32x128xi32, #tpu.memory_space<vmem>>, vector<16xi32>,
          %parallel_loop3A_373 = tpu.vector_load_idx %arg6[%parallel_loop3A_369] : memref<16384xf32, #tpu.memory_space<vmem>>[vector<16xi32>], vector<16xf32>,
          %parallel_loop3A_374 = tpu.vector_load_idx %arg6[%parallel_loop3A_372] : memref<16384xf32, #tpu.memory_space<vmem>>[vector<16xi32>], vector<16xf32>,
          %parallel_loop3A_375 = arith.cmpf ogt, %parallel_loop3A_373, %parallel_loop3A_374 : vector<16xf32>
          %parallel_loop3A_376 = arith.constant 1.000000e+00 : f32
          %parallel_loop3A_377 = arith.constant 0.000000e+00 : f32
          %parallel_loop3A_378 = vector.broadcast %parallel_loop3A_376 : f32 to vector<16xf32>
          %parallel_loop3A_379 = vector.broadcast %parallel_loop3A_377 : f32 to vector<16xf32>
          %parallel_loop3A_380 = arith.select %parallel_loop3A_375, %parallel_loop3A_378, %parallel_loop3A_379 : vector<16xi1>, vector<16xf32>
          %parallel_loop3A_381 = arith.constant 0 : i32
          %parallel_loop3A_382 = arith.index_cast %parallel_loop3A_381 : i32 to index
          %parallel_loop3A_383 = arith.index_cast %parallel_loop3A_192 : i32 to index
          %parallel_loop3A_384 = arith.constant 48 : index
          %parallel_loop3A_385 = tpu.vector_load %arg14[%parallel_loop3A_382, %parallel_loop3A_383, %parallel_loop3A_384] {strides = array<i32>} : memref<4x32x128xf32, #tpu.memory_space<vmem>>, vector<16xf32>,
          tpu.vector_store %arg14[%parallel_loop3A_382, %parallel_loop3A_383, %parallel_loop3A_384], %parallel_loop3A_380 {strides = array<i32>} : memref<4x32x128xf32, #tpu.memory_space<vmem>>, vector<16xf32>,
          %parallel_loop3A_386 = tpu.vector_load_idx %arg7[%parallel_loop3A_369] : memref<16384xf32, #tpu.memory_space<vmem>>[vector<16xi32>], vector<16xf32>,
          %parallel_loop3A_387 = tpu.vector_load_idx %arg7[%parallel_loop3A_372] : memref<16384xf32, #tpu.memory_space<vmem>>[vector<16xi32>], vector<16xf32>,
          %parallel_loop3A_388 = arith.cmpf ogt, %parallel_loop3A_386, %parallel_loop3A_387 : vector<16xf32>
          %parallel_loop3A_389 = arith.constant 1.000000e+00 : f32
          %parallel_loop3A_390 = arith.constant 0.000000e+00 : f32
          %parallel_loop3A_391 = vector.broadcast %parallel_loop3A_389 : f32 to vector<16xf32>
          %parallel_loop3A_392 = vector.broadcast %parallel_loop3A_390 : f32 to vector<16xf32>
          %parallel_loop3A_393 = arith.select %parallel_loop3A_388, %parallel_loop3A_391, %parallel_loop3A_392 : vector<16xi1>, vector<16xf32>
          %parallel_loop3A_394 = arith.constant 1 : i32
          %parallel_loop3A_395 = arith.index_cast %parallel_loop3A_394 : i32 to index
          %parallel_loop3A_396 = arith.index_cast %parallel_loop3A_192 : i32 to index
          %parallel_loop3A_397 = arith.constant 48 : index
          %parallel_loop3A_398 = tpu.vector_load %arg14[%parallel_loop3A_395, %parallel_loop3A_396, %parallel_loop3A_397] {strides = array<i32>} : memref<4x32x128xf32, #tpu.memory_space<vmem>>, vector<16xf32>,
          tpu.vector_store %arg14[%parallel_loop3A_395, %parallel_loop3A_396, %parallel_loop3A_397], %parallel_loop3A_393 {strides = array<i32>} : memref<4x32x128xf32, #tpu.memory_space<vmem>>, vector<16xf32>,
          %parallel_loop3A_399 = tpu.vector_load_idx %arg8[%parallel_loop3A_369] : memref<16384xf32, #tpu.memory_space<vmem>>[vector<16xi32>], vector<16xf32>,
          %parallel_loop3A_400 = tpu.vector_load_idx %arg8[%parallel_loop3A_372] : memref<16384xf32, #tpu.memory_space<vmem>>[vector<16xi32>], vector<16xf32>,
          %parallel_loop3A_401 = arith.cmpf ogt, %parallel_loop3A_399, %parallel_loop3A_400 : vector<16xf32>
          %parallel_loop3A_402 = arith.constant 1.000000e+00 : f32
          %parallel_loop3A_403 = arith.constant 0.000000e+00 : f32
          %parallel_loop3A_404 = vector.broadcast %parallel_loop3A_402 : f32 to vector<16xf32>
          %parallel_loop3A_405 = vector.broadcast %parallel_loop3A_403 : f32 to vector<16xf32>
          %parallel_loop3A_406 = arith.select %parallel_loop3A_401, %parallel_loop3A_404, %parallel_loop3A_405 : vector<16xi1>, vector<16xf32>
          %parallel_loop3A_407 = arith.constant 2 : i32
          %parallel_loop3A_408 = arith.index_cast %parallel_loop3A_407 : i32 to index
          %parallel_loop3A_409 = arith.index_cast %parallel_loop3A_192 : i32 to index
          %parallel_loop3A_410 = arith.constant 48 : index
          %parallel_loop3A_411 = tpu.vector_load %arg14[%parallel_loop3A_408, %parallel_loop3A_409, %parallel_loop3A_410] {strides = array<i32>} : memref<4x32x128xf32, #tpu.memory_space<vmem>>, vector<16xf32>,
          tpu.vector_store %arg14[%parallel_loop3A_408, %parallel_loop3A_409, %parallel_loop3A_410], %parallel_loop3A_406 {strides = array<i32>} : memref<4x32x128xf32, #tpu.memory_space<vmem>>, vector<16xf32>,
          %parallel_loop3A_412 = tpu.vector_load_idx %arg9[%parallel_loop3A_369] : memref<16384xf32, #tpu.memory_space<vmem>>[vector<16xi32>], vector<16xf32>,
          %parallel_loop3A_413 = tpu.vector_load_idx %arg9[%parallel_loop3A_372] : memref<16384xf32, #tpu.memory_space<vmem>>[vector<16xi32>], vector<16xf32>,
          %parallel_loop3A_414 = arith.cmpf ogt, %parallel_loop3A_412, %parallel_loop3A_413 : vector<16xf32>
          %parallel_loop3A_415 = arith.constant 1.000000e+00 : f32
          %parallel_loop3A_416 = arith.constant 0.000000e+00 : f32
          %parallel_loop3A_417 = vector.broadcast %parallel_loop3A_415 : f32 to vector<16xf32>
          %parallel_loop3A_418 = vector.broadcast %parallel_loop3A_416 : f32 to vector<16xf32>
          %parallel_loop3A_419 = arith.select %parallel_loop3A_414, %parallel_loop3A_417, %parallel_loop3A_418 : vector<16xi1>, vector<16xf32>
          %parallel_loop3A_420 = arith.constant 3 : i32
          %parallel_loop3A_421 = arith.index_cast %parallel_loop3A_420 : i32 to index
          %parallel_loop3A_422 = arith.index_cast %parallel_loop3A_192 : i32 to index
          %parallel_loop3A_423 = arith.constant 48 : index
          %parallel_loop3A_424 = tpu.vector_load %arg14[%parallel_loop3A_421, %parallel_loop3A_422, %parallel_loop3A_423] {strides = array<i32>} : memref<4x32x128xf32, #tpu.memory_space<vmem>>, vector<16xf32>,
          tpu.vector_store %arg14[%parallel_loop3A_421, %parallel_loop3A_422, %parallel_loop3A_423], %parallel_loop3A_419 {strides = array<i32>} : memref<4x32x128xf32, #tpu.memory_space<vmem>>, vector<16xf32>,
          %parallel_loop3A_425 = arith.index_cast %parallel_loop3A_192 : i32 to index
          %parallel_loop3A_426 = arith.constant 64 : index
          %parallel_loop3A_427 = tpu.vector_load %arg10[%parallel_loop3A_425, %parallel_loop3A_426] {strides = array<i32>} : memref<32x128xi32, #tpu.memory_space<vmem>>, vector<16xi32>,
          %parallel_loop3A_428 = arith.index_cast %parallel_loop3A_192 : i32 to index
          %parallel_loop3A_429 = arith.constant 64 : index
          %parallel_loop3A_430 = tpu.vector_load %arg11[%parallel_loop3A_428, %parallel_loop3A_429] {strides = array<i32>} : memref<32x128xi32, #tpu.memory_space<vmem>>, vector<16xi32>,
          %parallel_loop3A_431 = tpu.vector_load_idx %arg6[%parallel_loop3A_427] : memref<16384xf32, #tpu.memory_space<vmem>>[vector<16xi32>], vector<16xf32>,
          %parallel_loop3A_432 = tpu.vector_load_idx %arg6[%parallel_loop3A_430] : memref<16384xf32, #tpu.memory_space<vmem>>[vector<16xi32>], vector<16xf32>,
          %parallel_loop3A_433 = arith.cmpf ogt, %parallel_loop3A_431, %parallel_loop3A_432 : vector<16xf32>
          %parallel_loop3A_434 = arith.constant 1.000000e+00 : f32
          %parallel_loop3A_435 = arith.constant 0.000000e+00 : f32
          %parallel_loop3A_436 = vector.broadcast %parallel_loop3A_434 : f32 to vector<16xf32>
          %parallel_loop3A_437 = vector.broadcast %parallel_loop3A_435 : f32 to vector<16xf32>
          %parallel_loop3A_438 = arith.select %parallel_loop3A_433, %parallel_loop3A_436, %parallel_loop3A_437 : vector<16xi1>, vector<16xf32>
          %parallel_loop3A_439 = arith.constant 0 : i32
          %parallel_loop3A_440 = arith.index_cast %parallel_loop3A_439 : i32 to index
          %parallel_loop3A_441 = arith.index_cast %parallel_loop3A_192 : i32 to index
          %parallel_loop3A_442 = arith.constant 64 : index
          %parallel_loop3A_443 = tpu.vector_load %arg14[%parallel_loop3A_440, %parallel_loop3A_441, %parallel_loop3A_442] {strides = array<i32>} : memref<4x32x128xf32, #tpu.memory_space<vmem>>, vector<16xf32>,
          tpu.vector_store %arg14[%parallel_loop3A_440, %parallel_loop3A_441, %parallel_loop3A_442], %parallel_loop3A_438 {strides = array<i32>} : memref<4x32x128xf32, #tpu.memory_space<vmem>>, vector<16xf32>,
          %parallel_loop3A_444 = tpu.vector_load_idx %arg7[%parallel_loop3A_427] : memref<16384xf32, #tpu.memory_space<vmem>>[vector<16xi32>], vector<16xf32>,
          %parallel_loop3A_445 = tpu.vector_load_idx %arg7[%parallel_loop3A_430] : memref<16384xf32, #tpu.memory_space<vmem>>[vector<16xi32>], vector<16xf32>,
          %parallel_loop3A_446 = arith.cmpf ogt, %parallel_loop3A_444, %parallel_loop3A_445 : vector<16xf32>
          %parallel_loop3A_447 = arith.constant 1.000000e+00 : f32
          %parallel_loop3A_448 = arith.constant 0.000000e+00 : f32
          %parallel_loop3A_449 = vector.broadcast %parallel_loop3A_447 : f32 to vector<16xf32>
          %parallel_loop3A_450 = vector.broadcast %parallel_loop3A_448 : f32 to vector<16xf32>
          %parallel_loop3A_451 = arith.select %parallel_loop3A_446, %parallel_loop3A_449, %parallel_loop3A_450 : vector<16xi1>, vector<16xf32>
          %parallel_loop3A_452 = arith.constant 1 : i32
          %parallel_loop3A_453 = arith.index_cast %parallel_loop3A_452 : i32 to index
          %parallel_loop3A_454 = arith.index_cast %parallel_loop3A_192 : i32 to index
          %parallel_loop3A_455 = arith.constant 64 : index
          %parallel_loop3A_456 = tpu.vector_load %arg14[%parallel_loop3A_453, %parallel_loop3A_454, %parallel_loop3A_455] {strides = array<i32>} : memref<4x32x128xf32, #tpu.memory_space<vmem>>, vector<16xf32>,
          tpu.vector_store %arg14[%parallel_loop3A_453, %parallel_loop3A_454, %parallel_loop3A_455], %parallel_loop3A_451 {strides = array<i32>} : memref<4x32x128xf32, #tpu.memory_space<vmem>>, vector<16xf32>,
          %parallel_loop3A_457 = tpu.vector_load_idx %arg8[%parallel_loop3A_427] : memref<16384xf32, #tpu.memory_space<vmem>>[vector<16xi32>], vector<16xf32>,
          %parallel_loop3A_458 = tpu.vector_load_idx %arg8[%parallel_loop3A_430] : memref<16384xf32, #tpu.memory_space<vmem>>[vector<16xi32>], vector<16xf32>,
          %parallel_loop3A_459 = arith.cmpf ogt, %parallel_loop3A_457, %parallel_loop3A_458 : vector<16xf32>
          %parallel_loop3A_460 = arith.constant 1.000000e+00 : f32
          %parallel_loop3A_461 = arith.constant 0.000000e+00 : f32
          %parallel_loop3A_462 = vector.broadcast %parallel_loop3A_460 : f32 to vector<16xf32>
          %parallel_loop3A_463 = vector.broadcast %parallel_loop3A_461 : f32 to vector<16xf32>
          %parallel_loop3A_464 = arith.select %parallel_loop3A_459, %parallel_loop3A_462, %parallel_loop3A_463 : vector<16xi1>, vector<16xf32>
          %parallel_loop3A_465 = arith.constant 2 : i32
          %parallel_loop3A_466 = arith.index_cast %parallel_loop3A_465 : i32 to index
          %parallel_loop3A_467 = arith.index_cast %parallel_loop3A_192 : i32 to index
          %parallel_loop3A_468 = arith.constant 64 : index
          %parallel_loop3A_469 = tpu.vector_load %arg14[%parallel_loop3A_466, %parallel_loop3A_467, %parallel_loop3A_468] {strides = array<i32>} : memref<4x32x128xf32, #tpu.memory_space<vmem>>, vector<16xf32>,
          tpu.vector_store %arg14[%parallel_loop3A_466, %parallel_loop3A_467, %parallel_loop3A_468], %parallel_loop3A_464 {strides = array<i32>} : memref<4x32x128xf32, #tpu.memory_space<vmem>>, vector<16xf32>,
          %parallel_loop3A_470 = tpu.vector_load_idx %arg9[%parallel_loop3A_427] : memref<16384xf32, #tpu.memory_space<vmem>>[vector<16xi32>], vector<16xf32>,
          %parallel_loop3A_471 = tpu.vector_load_idx %arg9[%parallel_loop3A_430] : memref<16384xf32, #tpu.memory_space<vmem>>[vector<16xi32>], vector<16xf32>,
          %parallel_loop3A_472 = arith.cmpf ogt, %parallel_loop3A_470, %parallel_loop3A_471 : vector<16xf32>
          %parallel_loop3A_473 = arith.constant 1.000000e+00 : f32
          %parallel_loop3A_474 = arith.constant 0.000000e+00 : f32
          %parallel_loop3A_475 = vector.broadcast %parallel_loop3A_473 : f32 to vector<16xf32>
          %parallel_loop3A_476 = vector.broadcast %parallel_loop3A_474 : f32 to vector<16xf32>
          %parallel_loop3A_477 = arith.select %parallel_loop3A_472, %parallel_loop3A_475, %parallel_loop3A_476 : vector<16xi1>, vector<16xf32>
          %parallel_loop3A_478 = arith.constant 3 : i32
          %parallel_loop3A_479 = arith.index_cast %parallel_loop3A_478 : i32 to index
          %parallel_loop3A_480 = arith.index_cast %parallel_loop3A_192 : i32 to index
          %parallel_loop3A_481 = arith.constant 64 : index
          %parallel_loop3A_482 = tpu.vector_load %arg14[%parallel_loop3A_479, %parallel_loop3A_480, %parallel_loop3A_481] {strides = array<i32>} : memref<4x32x128xf32, #tpu.memory_space<vmem>>, vector<16xf32>,
          tpu.vector_store %arg14[%parallel_loop3A_479, %parallel_loop3A_480, %parallel_loop3A_481], %parallel_loop3A_477 {strides = array<i32>} : memref<4x32x128xf32, #tpu.memory_space<vmem>>, vector<16xf32>,
          %parallel_loop3A_483 = arith.index_cast %parallel_loop3A_192 : i32 to index
          %parallel_loop3A_484 = arith.constant 80 : index
          %parallel_loop3A_485 = tpu.vector_load %arg10[%parallel_loop3A_483, %parallel_loop3A_484] {strides = array<i32>} : memref<32x128xi32, #tpu.memory_space<vmem>>, vector<16xi32>,
          %parallel_loop3A_486 = arith.index_cast %parallel_loop3A_192 : i32 to index
          %parallel_loop3A_487 = arith.constant 80 : index
          %parallel_loop3A_488 = tpu.vector_load %arg11[%parallel_loop3A_486, %parallel_loop3A_487] {strides = array<i32>} : memref<32x128xi32, #tpu.memory_space<vmem>>, vector<16xi32>,
          %parallel_loop3A_489 = tpu.vector_load_idx %arg6[%parallel_loop3A_485] : memref<16384xf32, #tpu.memory_space<vmem>>[vector<16xi32>], vector<16xf32>,
          %parallel_loop3A_490 = tpu.vector_load_idx %arg6[%parallel_loop3A_488] : memref<16384xf32, #tpu.memory_space<vmem>>[vector<16xi32>], vector<16xf32>,
          %parallel_loop3A_491 = arith.cmpf ogt, %parallel_loop3A_489, %parallel_loop3A_490 : vector<16xf32>
          %parallel_loop3A_492 = arith.constant 1.000000e+00 : f32
          %parallel_loop3A_493 = arith.constant 0.000000e+00 : f32
          %parallel_loop3A_494 = vector.broadcast %parallel_loop3A_492 : f32 to vector<16xf32>
          %parallel_loop3A_495 = vector.broadcast %parallel_loop3A_493 : f32 to vector<16xf32>
          %parallel_loop3A_496 = arith.select %parallel_loop3A_491, %parallel_loop3A_494, %parallel_loop3A_495 : vector<16xi1>, vector<16xf32>
          %parallel_loop3A_497 = arith.constant 0 : i32
          %parallel_loop3A_498 = arith.index_cast %parallel_loop3A_497 : i32 to index
          %parallel_loop3A_499 = arith.index_cast %parallel_loop3A_192 : i32 to index
          %parallel_loop3A_500 = arith.constant 80 : index
          %parallel_loop3A_501 = tpu.vector_load %arg14[%parallel_loop3A_498, %parallel_loop3A_499, %parallel_loop3A_500] {strides = array<i32>} : memref<4x32x128xf32, #tpu.memory_space<vmem>>, vector<16xf32>,
          tpu.vector_store %arg14[%parallel_loop3A_498, %parallel_loop3A_499, %parallel_loop3A_500], %parallel_loop3A_496 {strides = array<i32>} : memref<4x32x128xf32, #tpu.memory_space<vmem>>, vector<16xf32>,
          %parallel_loop3A_502 = tpu.vector_load_idx %arg7[%parallel_loop3A_485] : memref<16384xf32, #tpu.memory_space<vmem>>[vector<16xi32>], vector<16xf32>,
          %parallel_loop3A_503 = tpu.vector_load_idx %arg7[%parallel_loop3A_488] : memref<16384xf32, #tpu.memory_space<vmem>>[vector<16xi32>], vector<16xf32>,
          %parallel_loop3A_504 = arith.cmpf ogt, %parallel_loop3A_502, %parallel_loop3A_503 : vector<16xf32>
          %parallel_loop3A_505 = arith.constant 1.000000e+00 : f32
          %parallel_loop3A_506 = arith.constant 0.000000e+00 : f32
          %parallel_loop3A_507 = vector.broadcast %parallel_loop3A_505 : f32 to vector<16xf32>
          %parallel_loop3A_508 = vector.broadcast %parallel_loop3A_506 : f32 to vector<16xf32>
          %parallel_loop3A_509 = arith.select %parallel_loop3A_504, %parallel_loop3A_507, %parallel_loop3A_508 : vector<16xi1>, vector<16xf32>
          %parallel_loop3A_510 = arith.constant 1 : i32
          %parallel_loop3A_511 = arith.index_cast %parallel_loop3A_510 : i32 to index
          %parallel_loop3A_512 = arith.index_cast %parallel_loop3A_192 : i32 to index
          %parallel_loop3A_513 = arith.constant 80 : index
          %parallel_loop3A_514 = tpu.vector_load %arg14[%parallel_loop3A_511, %parallel_loop3A_512, %parallel_loop3A_513] {strides = array<i32>} : memref<4x32x128xf32, #tpu.memory_space<vmem>>, vector<16xf32>,
          tpu.vector_store %arg14[%parallel_loop3A_511, %parallel_loop3A_512, %parallel_loop3A_513], %parallel_loop3A_509 {strides = array<i32>} : memref<4x32x128xf32, #tpu.memory_space<vmem>>, vector<16xf32>,
          %parallel_loop3A_515 = tpu.vector_load_idx %arg8[%parallel_loop3A_485] : memref<16384xf32, #tpu.memory_space<vmem>>[vector<16xi32>], vector<16xf32>,
          %parallel_loop3A_516 = tpu.vector_load_idx %arg8[%parallel_loop3A_488] : memref<16384xf32, #tpu.memory_space<vmem>>[vector<16xi32>], vector<16xf32>,
          %parallel_loop3A_517 = arith.cmpf ogt, %parallel_loop3A_515, %parallel_loop3A_516 : vector<16xf32>
          %parallel_loop3A_518 = arith.constant 1.000000e+00 : f32
          %parallel_loop3A_519 = arith.constant 0.000000e+00 : f32
          %parallel_loop3A_520 = vector.broadcast %parallel_loop3A_518 : f32 to vector<16xf32>
          %parallel_loop3A_521 = vector.broadcast %parallel_loop3A_519 : f32 to vector<16xf32>
          %parallel_loop3A_522 = arith.select %parallel_loop3A_517, %parallel_loop3A_520, %parallel_loop3A_521 : vector<16xi1>, vector<16xf32>
          %parallel_loop3A_523 = arith.constant 2 : i32
          %parallel_loop3A_524 = arith.index_cast %parallel_loop3A_523 : i32 to index
          %parallel_loop3A_525 = arith.index_cast %parallel_loop3A_192 : i32 to index
          %parallel_loop3A_526 = arith.constant 80 : index
          %parallel_loop3A_527 = tpu.vector_load %arg14[%parallel_loop3A_524, %parallel_loop3A_525, %parallel_loop3A_526] {strides = array<i32>} : memref<4x32x128xf32, #tpu.memory_space<vmem>>, vector<16xf32>,
          tpu.vector_store %arg14[%parallel_loop3A_524, %parallel_loop3A_525, %parallel_loop3A_526], %parallel_loop3A_522 {strides = array<i32>} : memref<4x32x128xf32, #tpu.memory_space<vmem>>, vector<16xf32>,
          %parallel_loop3A_528 = tpu.vector_load_idx %arg9[%parallel_loop3A_485] : memref<16384xf32, #tpu.memory_space<vmem>>[vector<16xi32>], vector<16xf32>,
          %parallel_loop3A_529 = tpu.vector_load_idx %arg9[%parallel_loop3A_488] : memref<16384xf32, #tpu.memory_space<vmem>>[vector<16xi32>], vector<16xf32>,
          %parallel_loop3A_530 = arith.cmpf ogt, %parallel_loop3A_528, %parallel_loop3A_529 : vector<16xf32>
          %parallel_loop3A_531 = arith.constant 1.000000e+00 : f32
          %parallel_loop3A_532 = arith.constant 0.000000e+00 : f32
          %parallel_loop3A_533 = vector.broadcast %parallel_loop3A_531 : f32 to vector<16xf32>
          %parallel_loop3A_534 = vector.broadcast %parallel_loop3A_532 : f32 to vector<16xf32>
          %parallel_loop3A_535 = arith.select %parallel_loop3A_530, %parallel_loop3A_533, %parallel_loop3A_534 : vector<16xi1>, vector<16xf32>
          %parallel_loop3A_536 = arith.constant 3 : i32
          %parallel_loop3A_537 = arith.index_cast %parallel_loop3A_536 : i32 to index
          %parallel_loop3A_538 = arith.index_cast %parallel_loop3A_192 : i32 to index
          %parallel_loop3A_539 = arith.constant 80 : index
          %parallel_loop3A_540 = tpu.vector_load %arg14[%parallel_loop3A_537, %parallel_loop3A_538, %parallel_loop3A_539] {strides = array<i32>} : memref<4x32x128xf32, #tpu.memory_space<vmem>>, vector<16xf32>,
          tpu.vector_store %arg14[%parallel_loop3A_537, %parallel_loop3A_538, %parallel_loop3A_539], %parallel_loop3A_535 {strides = array<i32>} : memref<4x32x128xf32, #tpu.memory_space<vmem>>, vector<16xf32>,
          %parallel_loop3A_541 = arith.index_cast %parallel_loop3A_192 : i32 to index
          %parallel_loop3A_542 = arith.constant 96 : index
          %parallel_loop3A_543 = tpu.vector_load %arg10[%parallel_loop3A_541, %parallel_loop3A_542] {strides = array<i32>} : memref<32x128xi32, #tpu.memory_space<vmem>>, vector<16xi32>,
          %parallel_loop3A_544 = arith.index_cast %parallel_loop3A_192 : i32 to index
          %parallel_loop3A_545 = arith.constant 96 : index
          %parallel_loop3A_546 = tpu.vector_load %arg11[%parallel_loop3A_544, %parallel_loop3A_545] {strides = array<i32>} : memref<32x128xi32, #tpu.memory_space<vmem>>, vector<16xi32>,
          %parallel_loop3A_547 = tpu.vector_load_idx %arg6[%parallel_loop3A_543] : memref<16384xf32, #tpu.memory_space<vmem>>[vector<16xi32>], vector<16xf32>,
          %parallel_loop3A_548 = tpu.vector_load_idx %arg6[%parallel_loop3A_546] : memref<16384xf32, #tpu.memory_space<vmem>>[vector<16xi32>], vector<16xf32>,
          %parallel_loop3A_549 = arith.cmpf ogt, %parallel_loop3A_547, %parallel_loop3A_548 : vector<16xf32>
          %parallel_loop3A_550 = arith.constant 1.000000e+00 : f32
          %parallel_loop3A_551 = arith.constant 0.000000e+00 : f32
          %parallel_loop3A_552 = vector.broadcast %parallel_loop3A_550 : f32 to vector<16xf32>
          %parallel_loop3A_553 = vector.broadcast %parallel_loop3A_551 : f32 to vector<16xf32>
          %parallel_loop3A_554 = arith.select %parallel_loop3A_549, %parallel_loop3A_552, %parallel_loop3A_553 : vector<16xi1>, vector<16xf32>
          %parallel_loop3A_555 = arith.constant 0 : i32
          %parallel_loop3A_556 = arith.index_cast %parallel_loop3A_555 : i32 to index
          %parallel_loop3A_557 = arith.index_cast %parallel_loop3A_192 : i32 to index
          %parallel_loop3A_558 = arith.constant 96 : index
          %parallel_loop3A_559 = tpu.vector_load %arg14[%parallel_loop3A_556, %parallel_loop3A_557, %parallel_loop3A_558] {strides = array<i32>} : memref<4x32x128xf32, #tpu.memory_space<vmem>>, vector<16xf32>,
          tpu.vector_store %arg14[%parallel_loop3A_556, %parallel_loop3A_557, %parallel_loop3A_558], %parallel_loop3A_554 {strides = array<i32>} : memref<4x32x128xf32, #tpu.memory_space<vmem>>, vector<16xf32>,
          %parallel_loop3A_560 = tpu.vector_load_idx %arg7[%parallel_loop3A_543] : memref<16384xf32, #tpu.memory_space<vmem>>[vector<16xi32>], vector<16xf32>,
          %parallel_loop3A_561 = tpu.vector_load_idx %arg7[%parallel_loop3A_546] : memref<16384xf32, #tpu.memory_space<vmem>>[vector<16xi32>], vector<16xf32>,
          %parallel_loop3A_562 = arith.cmpf ogt, %parallel_loop3A_560, %parallel_loop3A_561 : vector<16xf32>
          %parallel_loop3A_563 = arith.constant 1.000000e+00 : f32
          %parallel_loop3A_564 = arith.constant 0.000000e+00 : f32
          %parallel_loop3A_565 = vector.broadcast %parallel_loop3A_563 : f32 to vector<16xf32>
          %parallel_loop3A_566 = vector.broadcast %parallel_loop3A_564 : f32 to vector<16xf32>
          %parallel_loop3A_567 = arith.select %parallel_loop3A_562, %parallel_loop3A_565, %parallel_loop3A_566 : vector<16xi1>, vector<16xf32>
          %parallel_loop3A_568 = arith.constant 1 : i32
          %parallel_loop3A_569 = arith.index_cast %parallel_loop3A_568 : i32 to index
          %parallel_loop3A_570 = arith.index_cast %parallel_loop3A_192 : i32 to index
          %parallel_loop3A_571 = arith.constant 96 : index
          %parallel_loop3A_572 = tpu.vector_load %arg14[%parallel_loop3A_569, %parallel_loop3A_570, %parallel_loop3A_571] {strides = array<i32>} : memref<4x32x128xf32, #tpu.memory_space<vmem>>, vector<16xf32>,
          tpu.vector_store %arg14[%parallel_loop3A_569, %parallel_loop3A_570, %parallel_loop3A_571], %parallel_loop3A_567 {strides = array<i32>} : memref<4x32x128xf32, #tpu.memory_space<vmem>>, vector<16xf32>,
          %parallel_loop3A_573 = tpu.vector_load_idx %arg8[%parallel_loop3A_543] : memref<16384xf32, #tpu.memory_space<vmem>>[vector<16xi32>], vector<16xf32>,
          %parallel_loop3A_574 = tpu.vector_load_idx %arg8[%parallel_loop3A_546] : memref<16384xf32, #tpu.memory_space<vmem>>[vector<16xi32>], vector<16xf32>,
          %parallel_loop3A_575 = arith.cmpf ogt, %parallel_loop3A_573, %parallel_loop3A_574 : vector<16xf32>
          %parallel_loop3A_576 = arith.constant 1.000000e+00 : f32
          %parallel_loop3A_577 = arith.constant 0.000000e+00 : f32
          %parallel_loop3A_578 = vector.broadcast %parallel_loop3A_576 : f32 to vector<16xf32>
          %parallel_loop3A_579 = vector.broadcast %parallel_loop3A_577 : f32 to vector<16xf32>
          %parallel_loop3A_580 = arith.select %parallel_loop3A_575, %parallel_loop3A_578, %parallel_loop3A_579 : vector<16xi1>, vector<16xf32>
          %parallel_loop3A_581 = arith.constant 2 : i32
          %parallel_loop3A_582 = arith.index_cast %parallel_loop3A_581 : i32 to index
          %parallel_loop3A_583 = arith.index_cast %parallel_loop3A_192 : i32 to index
          %parallel_loop3A_584 = arith.constant 96 : index
          %parallel_loop3A_585 = tpu.vector_load %arg14[%parallel_loop3A_582, %parallel_loop3A_583, %parallel_loop3A_584] {strides = array<i32>} : memref<4x32x128xf32, #tpu.memory_space<vmem>>, vector<16xf32>,
          tpu.vector_store %arg14[%parallel_loop3A_582, %parallel_loop3A_583, %parallel_loop3A_584], %parallel_loop3A_580 {strides = array<i32>} : memref<4x32x128xf32, #tpu.memory_space<vmem>>, vector<16xf32>,
          %parallel_loop3A_586 = tpu.vector_load_idx %arg9[%parallel_loop3A_543] : memref<16384xf32, #tpu.memory_space<vmem>>[vector<16xi32>], vector<16xf32>,
          %parallel_loop3A_587 = tpu.vector_load_idx %arg9[%parallel_loop3A_546] : memref<16384xf32, #tpu.memory_space<vmem>>[vector<16xi32>], vector<16xf32>,
          %parallel_loop3A_588 = arith.cmpf ogt, %parallel_loop3A_586, %parallel_loop3A_587 : vector<16xf32>
          %parallel_loop3A_589 = arith.constant 1.000000e+00 : f32
          %parallel_loop3A_590 = arith.constant 0.000000e+00 : f32
          %parallel_loop3A_591 = vector.broadcast %parallel_loop3A_589 : f32 to vector<16xf32>
          %parallel_loop3A_592 = vector.broadcast %parallel_loop3A_590 : f32 to vector<16xf32>
          %parallel_loop3A_593 = arith.select %parallel_loop3A_588, %parallel_loop3A_591, %parallel_loop3A_592 : vector<16xi1>, vector<16xf32>
          %parallel_loop3A_594 = arith.constant 3 : i32
          %parallel_loop3A_595 = arith.index_cast %parallel_loop3A_594 : i32 to index
          %parallel_loop3A_596 = arith.index_cast %parallel_loop3A_192 : i32 to index
          %parallel_loop3A_597 = arith.constant 96 : index
          %parallel_loop3A_598 = tpu.vector_load %arg14[%parallel_loop3A_595, %parallel_loop3A_596, %parallel_loop3A_597] {strides = array<i32>} : memref<4x32x128xf32, #tpu.memory_space<vmem>>, vector<16xf32>,
          tpu.vector_store %arg14[%parallel_loop3A_595, %parallel_loop3A_596, %parallel_loop3A_597], %parallel_loop3A_593 {strides = array<i32>} : memref<4x32x128xf32, #tpu.memory_space<vmem>>, vector<16xf32>,
          %parallel_loop3A_599 = arith.index_cast %parallel_loop3A_192 : i32 to index
          %parallel_loop3A_600 = arith.constant 112 : index
          %parallel_loop3A_601 = tpu.vector_load %arg10[%parallel_loop3A_599, %parallel_loop3A_600] {strides = array<i32>} : memref<32x128xi32, #tpu.memory_space<vmem>>, vector<16xi32>,
          %parallel_loop3A_602 = arith.index_cast %parallel_loop3A_192 : i32 to index
          %parallel_loop3A_603 = arith.constant 112 : index
          %parallel_loop3A_604 = tpu.vector_load %arg11[%parallel_loop3A_602, %parallel_loop3A_603] {strides = array<i32>} : memref<32x128xi32, #tpu.memory_space<vmem>>, vector<16xi32>,
          %parallel_loop3A_605 = tpu.vector_load_idx %arg6[%parallel_loop3A_601] : memref<16384xf32, #tpu.memory_space<vmem>>[vector<16xi32>], vector<16xf32>,
          %parallel_loop3A_606 = tpu.vector_load_idx %arg6[%parallel_loop3A_604] : memref<16384xf32, #tpu.memory_space<vmem>>[vector<16xi32>], vector<16xf32>,
          %parallel_loop3A_607 = arith.cmpf ogt, %parallel_loop3A_605, %parallel_loop3A_606 : vector<16xf32>
          %parallel_loop3A_608 = arith.constant 1.000000e+00 : f32
          %parallel_loop3A_609 = arith.constant 0.000000e+00 : f32
          %parallel_loop3A_610 = vector.broadcast %parallel_loop3A_608 : f32 to vector<16xf32>
          %parallel_loop3A_611 = vector.broadcast %parallel_loop3A_609 : f32 to vector<16xf32>
          %parallel_loop3A_612 = arith.select %parallel_loop3A_607, %parallel_loop3A_610, %parallel_loop3A_611 : vector<16xi1>, vector<16xf32>
          %parallel_loop3A_613 = arith.constant 0 : i32
          %parallel_loop3A_614 = arith.index_cast %parallel_loop3A_613 : i32 to index
          %parallel_loop3A_615 = arith.index_cast %parallel_loop3A_192 : i32 to index
          %parallel_loop3A_616 = arith.constant 112 : index
          %parallel_loop3A_617 = tpu.vector_load %arg14[%parallel_loop3A_614, %parallel_loop3A_615, %parallel_loop3A_616] {strides = array<i32>} : memref<4x32x128xf32, #tpu.memory_space<vmem>>, vector<16xf32>,
          tpu.vector_store %arg14[%parallel_loop3A_614, %parallel_loop3A_615, %parallel_loop3A_616], %parallel_loop3A_612 {strides = array<i32>} : memref<4x32x128xf32, #tpu.memory_space<vmem>>, vector<16xf32>,
          %parallel_loop3A_618 = tpu.vector_load_idx %arg7[%parallel_loop3A_601] : memref<16384xf32, #tpu.memory_space<vmem>>[vector<16xi32>], vector<16xf32>,
          %parallel_loop3A_619 = tpu.vector_load_idx %arg7[%parallel_loop3A_604] : memref<16384xf32, #tpu.memory_space<vmem>>[vector<16xi32>], vector<16xf32>,
          %parallel_loop3A_620 = arith.cmpf ogt, %parallel_loop3A_618, %parallel_loop3A_619 : vector<16xf32>
          %parallel_loop3A_621 = arith.constant 1.000000e+00 : f32
          %parallel_loop3A_622 = arith.constant 0.000000e+00 : f32
          %parallel_loop3A_623 = vector.broadcast %parallel_loop3A_621 : f32 to vector<16xf32>
          %parallel_loop3A_624 = vector.broadcast %parallel_loop3A_622 : f32 to vector<16xf32>
          %parallel_loop3A_625 = arith.select %parallel_loop3A_620, %parallel_loop3A_623, %parallel_loop3A_624 : vector<16xi1>, vector<16xf32>
          %parallel_loop3A_626 = arith.constant 1 : i32
          %parallel_loop3A_627 = arith.index_cast %parallel_loop3A_626 : i32 to index
          %parallel_loop3A_628 = arith.index_cast %parallel_loop3A_192 : i32 to index
          %parallel_loop3A_629 = arith.constant 112 : index
          %parallel_loop3A_630 = tpu.vector_load %arg14[%parallel_loop3A_627, %parallel_loop3A_628, %parallel_loop3A_629] {strides = array<i32>} : memref<4x32x128xf32, #tpu.memory_space<vmem>>, vector<16xf32>,
          tpu.vector_store %arg14[%parallel_loop3A_627, %parallel_loop3A_628, %parallel_loop3A_629], %parallel_loop3A_625 {strides = array<i32>} : memref<4x32x128xf32, #tpu.memory_space<vmem>>, vector<16xf32>,
          %parallel_loop3A_631 = tpu.vector_load_idx %arg8[%parallel_loop3A_601] : memref<16384xf32, #tpu.memory_space<vmem>>[vector<16xi32>], vector<16xf32>,
          %parallel_loop3A_632 = tpu.vector_load_idx %arg8[%parallel_loop3A_604] : memref<16384xf32, #tpu.memory_space<vmem>>[vector<16xi32>], vector<16xf32>,
          %parallel_loop3A_633 = arith.cmpf ogt, %parallel_loop3A_631, %parallel_loop3A_632 : vector<16xf32>
          %parallel_loop3A_634 = arith.constant 1.000000e+00 : f32
          %parallel_loop3A_635 = arith.constant 0.000000e+00 : f32
          %parallel_loop3A_636 = vector.broadcast %parallel_loop3A_634 : f32 to vector<16xf32>
          %parallel_loop3A_637 = vector.broadcast %parallel_loop3A_635 : f32 to vector<16xf32>
          %parallel_loop3A_638 = arith.select %parallel_loop3A_633, %parallel_loop3A_636, %parallel_loop3A_637 : vector<16xi1>, vector<16xf32>
          %parallel_loop3A_639 = arith.constant 2 : i32
          %parallel_loop3A_640 = arith.index_cast %parallel_loop3A_639 : i32 to index
          %parallel_loop3A_641 = arith.index_cast %parallel_loop3A_192 : i32 to index
          %parallel_loop3A_642 = arith.constant 112 : index
          %parallel_loop3A_643 = tpu.vector_load %arg14[%parallel_loop3A_640, %parallel_loop3A_641, %parallel_loop3A_642] {strides = array<i32>} : memref<4x32x128xf32, #tpu.memory_space<vmem>>, vector<16xf32>,
          tpu.vector_store %arg14[%parallel_loop3A_640, %parallel_loop3A_641, %parallel_loop3A_642], %parallel_loop3A_638 {strides = array<i32>} : memref<4x32x128xf32, #tpu.memory_space<vmem>>, vector<16xf32>,
          %parallel_loop3A_644 = tpu.vector_load_idx %arg9[%parallel_loop3A_601] : memref<16384xf32, #tpu.memory_space<vmem>>[vector<16xi32>], vector<16xf32>,
          %parallel_loop3A_645 = tpu.vector_load_idx %arg9[%parallel_loop3A_604] : memref<16384xf32, #tpu.memory_space<vmem>>[vector<16xi32>], vector<16xf32>,
          %parallel_loop3A_646 = arith.cmpf ogt, %parallel_loop3A_644, %parallel_loop3A_645 : vector<16xf32>
          %parallel_loop3A_647 = arith.constant 1.000000e+00 : f32
          %parallel_loop3A_648 = arith.constant 0.000000e+00 : f32
          %parallel_loop3A_649 = vector.broadcast %parallel_loop3A_647 : f32 to vector<16xf32>
          %parallel_loop3A_650 = vector.broadcast %parallel_loop3A_648 : f32 to vector<16xf32>
          %parallel_loop3A_651 = arith.select %parallel_loop3A_646, %parallel_loop3A_649, %parallel_loop3A_650 : vector<16xi1>, vector<16xf32>
          %parallel_loop3A_652 = arith.constant 3 : i32
          %parallel_loop3A_653 = arith.index_cast %parallel_loop3A_652 : i32 to index
          %parallel_loop3A_654 = arith.index_cast %parallel_loop3A_192 : i32 to index
          %parallel_loop3A_655 = arith.constant 112 : index
          %parallel_loop3A_656 = tpu.vector_load %arg14[%parallel_loop3A_653, %parallel_loop3A_654, %parallel_loop3A_655] {strides = array<i32>} : memref<4x32x128xf32, #tpu.memory_space<vmem>>, vector<16xf32>,
          tpu.vector_store %arg14[%parallel_loop3A_653, %parallel_loop3A_654, %parallel_loop3A_655], %parallel_loop3A_651 {strides = array<i32>} : memref<4x32x128xf32, #tpu.memory_space<vmem>>, vector<16xf32>,
        } {sc.loop_unroll_factor = 1 : i64, sc.parallel_access}
        %add3A_144 = arith.constant 0 : i32
        %add3A_145 = arith.addi %mul3A_123, %add3A_144 : i32
        %mul3A_146 = arith.constant 128 : i32
        %mul3A_147 = arith.muli %add3A_145, %mul3A_146 : i32
        %dma_start3A_148 = arith.constant 0 : i32
        %dma_start3A_149 = tpu.memref_slice %arg5[%add3A_68, %dma_start3A_148, %mul3A_147] : memref<1024x32x2048xf32, #tpu.memory_space<hbm>> -> memref<4x32x128xf32, #tpu.memory_space<hbm>>
        %dma_start3A_150 = arith.constant 0 : i32
        %dma_start3A_151 = tpu.memref_slice %arg5[%add3A_68, %dma_start3A_150, %mul3A_147] : memref<1024x32x2048xf32, #tpu.memory_space<hbm>> -> memref<4x32x128xf32, #tpu.memory_space<hbm>>
        tpu.enqueue_dma source(%arg14 : memref<4x32x128xf32, #tpu.memory_space<vmem>>) target(%dma_start3A_151 : memref<4x32x128xf32, #tpu.memory_space<hbm>>) target_semaphore(%arg21 : memref<!tpu.dma_semaphore, #tpu.memory_space<semaphore_mem>>)
        %lt3A_152 = arith.constant 7 : i32
        %lt3A_153 = arith.cmpi slt, %scan3A_121, %lt3A_152 : i32
        %convert_element_type3A_154 = arith.extui %lt3A_153 : i1 to i32
        %cond3A_155 = arith.constant 0 : i32
        %cond3A_156 = arith.cmpi ne, %convert_element_type3A_154, %cond3A_155 : i32
        scf.if %cond3A_156 {
          %add3A_192 = arith.constant 0 : i32
          %add3A_193 = arith.addi %mul3A_123, %add3A_192 : i32
          %add3A_194 = arith.constant 2 : i32
          %add3A_195 = arith.addi %add3A_193, %add3A_194 : i32
          %mul3A_196 = arith.constant 128 : i32
          %mul3A_197 = arith.muli %add3A_195, %mul3A_196 : i32
          %dma_start3A_198 = arith.constant 0 : i32
          %dma_start3A_199 = tpu.memref_slice %arg16[%dma_start3A_198, %mul3A_197] : memref<32x2048xi32, #tpu.memory_space<vmem_shared>> -> memref<32x128xi32, #tpu.memory_space<vmem_shared>>
          %dma_start3A_200 = arith.constant 0 : i32
          %dma_start3A_201 = tpu.memref_slice %arg16[%dma_start3A_200, %mul3A_197] : memref<32x2048xi32, #tpu.memory_space<vmem_shared>> -> memref<32x128xi32, #tpu.memory_space<vmem_shared>>
          tpu.enqueue_dma source(%dma_start3A_201 : memref<32x128xi32, #tpu.memory_space<vmem_shared>>) target(%arg10 : memref<32x128xi32, #tpu.memory_space<vmem>>) target_semaphore(%arg19 : memref<!tpu.dma_semaphore, #tpu.memory_space<semaphore_mem>>)
          %mul3A_202 = arith.constant 128 : i32
          %mul3A_203 = arith.muli %add3A_195, %mul3A_202 : i32
          %dma_start3A_204 = arith.constant 0 : i32
          %dma_start3A_205 = tpu.memref_slice %arg17[%dma_start3A_204, %mul3A_203] : memref<32x2048xi32, #tpu.memory_space<vmem_shared>> -> memref<32x128xi32, #tpu.memory_space<vmem_shared>>
          %dma_start3A_206 = arith.constant 0 : i32
          %dma_start3A_207 = tpu.memref_slice %arg17[%dma_start3A_206, %mul3A_203] : memref<32x2048xi32, #tpu.memory_space<vmem_shared>> -> memref<32x128xi32, #tpu.memory_space<vmem_shared>>
          tpu.enqueue_dma source(%dma_start3A_207 : memref<32x128xi32, #tpu.memory_space<vmem_shared>>) target(%arg11 : memref<32x128xi32, #tpu.memory_space<vmem>>) target_semaphore(%arg19 : memref<!tpu.dma_semaphore, #tpu.memory_space<semaphore_mem>>)
        } else {
        }
        %add3A_157 = arith.constant 1 : i32
        %add3A_158 = arith.addi %mul3A_123, %add3A_157 : i32
        %mul3A_159 = arith.constant 128 : i32
        %mul3A_160 = arith.muli %add3A_158, %mul3A_159 : i32
        %dma_wait3A_161 = arith.constant 0 : i32
        %dma_wait3A_162 = tpu.memref_slice %arg16[%dma_wait3A_161, %mul3A_160] : memref<32x2048xi32, #tpu.memory_space<vmem_shared>> -> memref<32x128xi32, #tpu.memory_space<vmem_shared>>
        %dma_wait3A_163 = arith.constant 0 : i32
        %dma_wait3A_164 = tpu.memref_slice %arg16[%dma_wait3A_163, %mul3A_160] : memref<32x2048xi32, #tpu.memory_space<vmem_shared>> -> memref<32x128xi32, #tpu.memory_space<vmem_shared>>
        tpu.wait_dma2 semaphore(%arg20 : memref<!tpu.dma_semaphore, #tpu.memory_space<semaphore_mem>>) src(%dma_wait3A_164 : memref<32x128xi32, #tpu.memory_space<vmem_shared>>) dst(%arg12 : memref<32x128xi32, #tpu.memory_space<vmem>>)
        %mul3A_165 = arith.constant 128 : i32
        %mul3A_166 = arith.muli %add3A_158, %mul3A_165 : i32
        %dma_wait3A_167 = arith.constant 0 : i32
        %dma_wait3A_168 = tpu.memref_slice %arg17[%dma_wait3A_167, %mul3A_166] : memref<32x2048xi32, #tpu.memory_space<vmem_shared>> -> memref<32x128xi32, #tpu.memory_space<vmem_shared>>
        %dma_wait3A_169 = arith.constant 0 : i32
        %dma_wait3A_170 = tpu.memref_slice %arg17[%dma_wait3A_169, %mul3A_166] : memref<32x2048xi32, #tpu.memory_space<vmem_shared>> -> memref<32x128xi32, #tpu.memory_space<vmem_shared>>
        tpu.wait_dma2 semaphore(%arg20 : memref<!tpu.dma_semaphore, #tpu.memory_space<semaphore_mem>>) src(%dma_wait3A_170 : memref<32x128xi32, #tpu.memory_space<vmem_shared>>) dst(%arg13 : memref<32x128xi32, #tpu.memory_space<vmem>>)
        %gt3A_171 = arith.constant 0 : i32
        %gt3A_172 = arith.cmpi sgt, %scan3A_121, %gt3A_171 : i32
        %convert_element_type3A_173 = arith.extui %gt3A_172 : i1 to i32
        %cond3A_174 = arith.constant 0 : i32
        %cond3A_175 = arith.cmpi ne, %convert_element_type3A_173, %cond3A_174 : i32
        scf.if %cond3A_175 {
          %add3A_192 = arith.constant 1 : i32
          %add3A_193 = arith.addi %mul3A_123, %add3A_192 : i32
          %sub3A = arith.constant 2 : i32
          %sub3A_194 = arith.subi %add3A_193, %sub3A : i32
          %mul3A_195 = arith.constant 128 : i32
          %mul3A_196 = arith.muli %sub3A_194, %mul3A_195 : i32
          %dma_wait3A_197 = arith.constant 0 : i32
          %dma_wait3A_198 = tpu.memref_slice %arg5[%add3A_68, %dma_wait3A_197, %mul3A_196] : memref<1024x32x2048xf32, #tpu.memory_space<hbm>> -> memref<4x32x128xf32, #tpu.memory_space<hbm>>
          %dma_wait3A_199 = arith.constant 0 : i32
          %dma_wait3A_200 = tpu.memref_slice %arg5[%add3A_68, %dma_wait3A_199, %mul3A_196] : memref<1024x32x2048xf32, #tpu.memory_space<hbm>> -> memref<4x32x128xf32, #tpu.memory_space<hbm>>
          tpu.wait_dma2 semaphore(%arg22 : memref<!tpu.dma_semaphore, #tpu.memory_space<semaphore_mem>>) src(%arg15 : memref<4x32x128xf32, #tpu.memory_space<vmem>>) dst(%dma_wait3A_200 : memref<4x32x128xf32, #tpu.memory_space<hbm>>)
        } else {
        }
        %parallel_loop3A_176 = arith.constant 0 : i32
        %parallel_loop3A_177 = arith.constant 32 : i32
        %parallel_loop3A_178 = arith.constant 1 : i32
        scf.for %parallel_loop3A_192 = %parallel_loop3A_176 to %parallel_loop3A_177 step %parallel_loop3A_178  : i32 {
          %parallel_loop3A_193 = arith.index_cast %parallel_loop3A_192 : i32 to index
          %parallel_loop3A_194 = arith.constant 0 : index
          %parallel_loop3A_195 = tpu.vector_load %arg12[%parallel_loop3A_193, %parallel_loop3A_194] {strides = array<i32>} : memref<32x128xi32, #tpu.memory_space<vmem>>, vector<16xi32>,
          %parallel_loop3A_196 = arith.index_cast %parallel_loop3A_192 : i32 to index
          %parallel_loop3A_197 = arith.constant 0 : index
          %parallel_loop3A_198 = tpu.vector_load %arg13[%parallel_loop3A_196, %parallel_loop3A_197] {strides = array<i32>} : memref<32x128xi32, #tpu.memory_space<vmem>>, vector<16xi32>,
          %parallel_loop3A_199 = tpu.vector_load_idx %arg6[%parallel_loop3A_195] : memref<16384xf32, #tpu.memory_space<vmem>>[vector<16xi32>], vector<16xf32>,
          %parallel_loop3A_200 = tpu.vector_load_idx %arg6[%parallel_loop3A_198] : memref<16384xf32, #tpu.memory_space<vmem>>[vector<16xi32>], vector<16xf32>,
          %parallel_loop3A_201 = arith.cmpf ogt, %parallel_loop3A_199, %parallel_loop3A_200 : vector<16xf32>
          %parallel_loop3A_202 = arith.constant 1.000000e+00 : f32
          %parallel_loop3A_203 = arith.constant 0.000000e+00 : f32
          %parallel_loop3A_204 = vector.broadcast %parallel_loop3A_202 : f32 to vector<16xf32>
          %parallel_loop3A_205 = vector.broadcast %parallel_loop3A_203 : f32 to vector<16xf32>
          %parallel_loop3A_206 = arith.select %parallel_loop3A_201, %parallel_loop3A_204, %parallel_loop3A_205 : vector<16xi1>, vector<16xf32>
          %parallel_loop3A_207 = arith.constant 0 : i32
          %parallel_loop3A_208 = arith.index_cast %parallel_loop3A_207 : i32 to index
          %parallel_loop3A_209 = arith.index_cast %parallel_loop3A_192 : i32 to index
          %parallel_loop3A_210 = arith.constant 0 : index
          %parallel_loop3A_211 = tpu.vector_load %arg15[%parallel_loop3A_208, %parallel_loop3A_209, %parallel_loop3A_210] {strides = array<i32>} : memref<4x32x128xf32, #tpu.memory_space<vmem>>, vector<16xf32>,
          tpu.vector_store %arg15[%parallel_loop3A_208, %parallel_loop3A_209, %parallel_loop3A_210], %parallel_loop3A_206 {strides = array<i32>} : memref<4x32x128xf32, #tpu.memory_space<vmem>>, vector<16xf32>,
          %parallel_loop3A_212 = tpu.vector_load_idx %arg7[%parallel_loop3A_195] : memref<16384xf32, #tpu.memory_space<vmem>>[vector<16xi32>], vector<16xf32>,
          %parallel_loop3A_213 = tpu.vector_load_idx %arg7[%parallel_loop3A_198] : memref<16384xf32, #tpu.memory_space<vmem>>[vector<16xi32>], vector<16xf32>,
          %parallel_loop3A_214 = arith.cmpf ogt, %parallel_loop3A_212, %parallel_loop3A_213 : vector<16xf32>
          %parallel_loop3A_215 = arith.constant 1.000000e+00 : f32
          %parallel_loop3A_216 = arith.constant 0.000000e+00 : f32
          %parallel_loop3A_217 = vector.broadcast %parallel_loop3A_215 : f32 to vector<16xf32>
          %parallel_loop3A_218 = vector.broadcast %parallel_loop3A_216 : f32 to vector<16xf32>
          %parallel_loop3A_219 = arith.select %parallel_loop3A_214, %parallel_loop3A_217, %parallel_loop3A_218 : vector<16xi1>, vector<16xf32>
          %parallel_loop3A_220 = arith.constant 1 : i32
          %parallel_loop3A_221 = arith.index_cast %parallel_loop3A_220 : i32 to index
          %parallel_loop3A_222 = arith.index_cast %parallel_loop3A_192 : i32 to index
          %parallel_loop3A_223 = arith.constant 0 : index
          %parallel_loop3A_224 = tpu.vector_load %arg15[%parallel_loop3A_221, %parallel_loop3A_222, %parallel_loop3A_223] {strides = array<i32>} : memref<4x32x128xf32, #tpu.memory_space<vmem>>, vector<16xf32>,
          tpu.vector_store %arg15[%parallel_loop3A_221, %parallel_loop3A_222, %parallel_loop3A_223], %parallel_loop3A_219 {strides = array<i32>} : memref<4x32x128xf32, #tpu.memory_space<vmem>>, vector<16xf32>,
          %parallel_loop3A_225 = tpu.vector_load_idx %arg8[%parallel_loop3A_195] : memref<16384xf32, #tpu.memory_space<vmem>>[vector<16xi32>], vector<16xf32>,
          %parallel_loop3A_226 = tpu.vector_load_idx %arg8[%parallel_loop3A_198] : memref<16384xf32, #tpu.memory_space<vmem>>[vector<16xi32>], vector<16xf32>,
          %parallel_loop3A_227 = arith.cmpf ogt, %parallel_loop3A_225, %parallel_loop3A_226 : vector<16xf32>
          %parallel_loop3A_228 = arith.constant 1.000000e+00 : f32
          %parallel_loop3A_229 = arith.constant 0.000000e+00 : f32
          %parallel_loop3A_230 = vector.broadcast %parallel_loop3A_228 : f32 to vector<16xf32>
          %parallel_loop3A_231 = vector.broadcast %parallel_loop3A_229 : f32 to vector<16xf32>
          %parallel_loop3A_232 = arith.select %parallel_loop3A_227, %parallel_loop3A_230, %parallel_loop3A_231 : vector<16xi1>, vector<16xf32>
          %parallel_loop3A_233 = arith.constant 2 : i32
          %parallel_loop3A_234 = arith.index_cast %parallel_loop3A_233 : i32 to index
          %parallel_loop3A_235 = arith.index_cast %parallel_loop3A_192 : i32 to index
          %parallel_loop3A_236 = arith.constant 0 : index
          %parallel_loop3A_237 = tpu.vector_load %arg15[%parallel_loop3A_234, %parallel_loop3A_235, %parallel_loop3A_236] {strides = array<i32>} : memref<4x32x128xf32, #tpu.memory_space<vmem>>, vector<16xf32>,
          tpu.vector_store %arg15[%parallel_loop3A_234, %parallel_loop3A_235, %parallel_loop3A_236], %parallel_loop3A_232 {strides = array<i32>} : memref<4x32x128xf32, #tpu.memory_space<vmem>>, vector<16xf32>,
          %parallel_loop3A_238 = tpu.vector_load_idx %arg9[%parallel_loop3A_195] : memref<16384xf32, #tpu.memory_space<vmem>>[vector<16xi32>], vector<16xf32>,
          %parallel_loop3A_239 = tpu.vector_load_idx %arg9[%parallel_loop3A_198] : memref<16384xf32, #tpu.memory_space<vmem>>[vector<16xi32>], vector<16xf32>,
          %parallel_loop3A_240 = arith.cmpf ogt, %parallel_loop3A_238, %parallel_loop3A_239 : vector<16xf32>
          %parallel_loop3A_241 = arith.constant 1.000000e+00 : f32
          %parallel_loop3A_242 = arith.constant 0.000000e+00 : f32
          %parallel_loop3A_243 = vector.broadcast %parallel_loop3A_241 : f32 to vector<16xf32>
          %parallel_loop3A_244 = vector.broadcast %parallel_loop3A_242 : f32 to vector<16xf32>
          %parallel_loop3A_245 = arith.select %parallel_loop3A_240, %parallel_loop3A_243, %parallel_loop3A_244 : vector<16xi1>, vector<16xf32>
          %parallel_loop3A_246 = arith.constant 3 : i32
          %parallel_loop3A_247 = arith.index_cast %parallel_loop3A_246 : i32 to index
          %parallel_loop3A_248 = arith.index_cast %parallel_loop3A_192 : i32 to index
          %parallel_loop3A_249 = arith.constant 0 : index
          %parallel_loop3A_250 = tpu.vector_load %arg15[%parallel_loop3A_247, %parallel_loop3A_248, %parallel_loop3A_249] {strides = array<i32>} : memref<4x32x128xf32, #tpu.memory_space<vmem>>, vector<16xf32>,
          tpu.vector_store %arg15[%parallel_loop3A_247, %parallel_loop3A_248, %parallel_loop3A_249], %parallel_loop3A_245 {strides = array<i32>} : memref<4x32x128xf32, #tpu.memory_space<vmem>>, vector<16xf32>,
          %parallel_loop3A_251 = arith.index_cast %parallel_loop3A_192 : i32 to index
          %parallel_loop3A_252 = arith.constant 16 : index
          %parallel_loop3A_253 = tpu.vector_load %arg12[%parallel_loop3A_251, %parallel_loop3A_252] {strides = array<i32>} : memref<32x128xi32, #tpu.memory_space<vmem>>, vector<16xi32>,
          %parallel_loop3A_254 = arith.index_cast %parallel_loop3A_192 : i32 to index
          %parallel_loop3A_255 = arith.constant 16 : index
          %parallel_loop3A_256 = tpu.vector_load %arg13[%parallel_loop3A_254, %parallel_loop3A_255] {strides = array<i32>} : memref<32x128xi32, #tpu.memory_space<vmem>>, vector<16xi32>,
          %parallel_loop3A_257 = tpu.vector_load_idx %arg6[%parallel_loop3A_253] : memref<16384xf32, #tpu.memory_space<vmem>>[vector<16xi32>], vector<16xf32>,
          %parallel_loop3A_258 = tpu.vector_load_idx %arg6[%parallel_loop3A_256] : memref<16384xf32, #tpu.memory_space<vmem>>[vector<16xi32>], vector<16xf32>,
          %parallel_loop3A_259 = arith.cmpf ogt, %parallel_loop3A_257, %parallel_loop3A_258 : vector<16xf32>
          %parallel_loop3A_260 = arith.constant 1.000000e+00 : f32
          %parallel_loop3A_261 = arith.constant 0.000000e+00 : f32
          %parallel_loop3A_262 = vector.broadcast %parallel_loop3A_260 : f32 to vector<16xf32>
          %parallel_loop3A_263 = vector.broadcast %parallel_loop3A_261 : f32 to vector<16xf32>
          %parallel_loop3A_264 = arith.select %parallel_loop3A_259, %parallel_loop3A_262, %parallel_loop3A_263 : vector<16xi1>, vector<16xf32>
          %parallel_loop3A_265 = arith.constant 0 : i32
          %parallel_loop3A_266 = arith.index_cast %parallel_loop3A_265 : i32 to index
          %parallel_loop3A_267 = arith.index_cast %parallel_loop3A_192 : i32 to index
          %parallel_loop3A_268 = arith.constant 16 : index
          %parallel_loop3A_269 = tpu.vector_load %arg15[%parallel_loop3A_266, %parallel_loop3A_267, %parallel_loop3A_268] {strides = array<i32>} : memref<4x32x128xf32, #tpu.memory_space<vmem>>, vector<16xf32>,
          tpu.vector_store %arg15[%parallel_loop3A_266, %parallel_loop3A_267, %parallel_loop3A_268], %parallel_loop3A_264 {strides = array<i32>} : memref<4x32x128xf32, #tpu.memory_space<vmem>>, vector<16xf32>,
          %parallel_loop3A_270 = tpu.vector_load_idx %arg7[%parallel_loop3A_253] : memref<16384xf32, #tpu.memory_space<vmem>>[vector<16xi32>], vector<16xf32>,
          %parallel_loop3A_271 = tpu.vector_load_idx %arg7[%parallel_loop3A_256] : memref<16384xf32, #tpu.memory_space<vmem>>[vector<16xi32>], vector<16xf32>,
          %parallel_loop3A_272 = arith.cmpf ogt, %parallel_loop3A_270, %parallel_loop3A_271 : vector<16xf32>
          %parallel_loop3A_273 = arith.constant 1.000000e+00 : f32
          %parallel_loop3A_274 = arith.constant 0.000000e+00 : f32
          %parallel_loop3A_275 = vector.broadcast %parallel_loop3A_273 : f32 to vector<16xf32>
          %parallel_loop3A_276 = vector.broadcast %parallel_loop3A_274 : f32 to vector<16xf32>
          %parallel_loop3A_277 = arith.select %parallel_loop3A_272, %parallel_loop3A_275, %parallel_loop3A_276 : vector<16xi1>, vector<16xf32>
          %parallel_loop3A_278 = arith.constant 1 : i32
          %parallel_loop3A_279 = arith.index_cast %parallel_loop3A_278 : i32 to index
          %parallel_loop3A_280 = arith.index_cast %parallel_loop3A_192 : i32 to index
          %parallel_loop3A_281 = arith.constant 16 : index
          %parallel_loop3A_282 = tpu.vector_load %arg15[%parallel_loop3A_279, %parallel_loop3A_280, %parallel_loop3A_281] {strides = array<i32>} : memref<4x32x128xf32, #tpu.memory_space<vmem>>, vector<16xf32>,
          tpu.vector_store %arg15[%parallel_loop3A_279, %parallel_loop3A_280, %parallel_loop3A_281], %parallel_loop3A_277 {strides = array<i32>} : memref<4x32x128xf32, #tpu.memory_space<vmem>>, vector<16xf32>,
          %parallel_loop3A_283 = tpu.vector_load_idx %arg8[%parallel_loop3A_253] : memref<16384xf32, #tpu.memory_space<vmem>>[vector<16xi32>], vector<16xf32>,
          %parallel_loop3A_284 = tpu.vector_load_idx %arg8[%parallel_loop3A_256] : memref<16384xf32, #tpu.memory_space<vmem>>[vector<16xi32>], vector<16xf32>,
          %parallel_loop3A_285 = arith.cmpf ogt, %parallel_loop3A_283, %parallel_loop3A_284 : vector<16xf32>
          %parallel_loop3A_286 = arith.constant 1.000000e+00 : f32
          %parallel_loop3A_287 = arith.constant 0.000000e+00 : f32
          %parallel_loop3A_288 = vector.broadcast %parallel_loop3A_286 : f32 to vector<16xf32>
          %parallel_loop3A_289 = vector.broadcast %parallel_loop3A_287 : f32 to vector<16xf32>
          %parallel_loop3A_290 = arith.select %parallel_loop3A_285, %parallel_loop3A_288, %parallel_loop3A_289 : vector<16xi1>, vector<16xf32>
          %parallel_loop3A_291 = arith.constant 2 : i32
          %parallel_loop3A_292 = arith.index_cast %parallel_loop3A_291 : i32 to index
          %parallel_loop3A_293 = arith.index_cast %parallel_loop3A_192 : i32 to index
          %parallel_loop3A_294 = arith.constant 16 : index
          %parallel_loop3A_295 = tpu.vector_load %arg15[%parallel_loop3A_292, %parallel_loop3A_293, %parallel_loop3A_294] {strides = array<i32>} : memref<4x32x128xf32, #tpu.memory_space<vmem>>, vector<16xf32>,
          tpu.vector_store %arg15[%parallel_loop3A_292, %parallel_loop3A_293, %parallel_loop3A_294], %parallel_loop3A_290 {strides = array<i32>} : memref<4x32x128xf32, #tpu.memory_space<vmem>>, vector<16xf32>,
          %parallel_loop3A_296 = tpu.vector_load_idx %arg9[%parallel_loop3A_253] : memref<16384xf32, #tpu.memory_space<vmem>>[vector<16xi32>], vector<16xf32>,
          %parallel_loop3A_297 = tpu.vector_load_idx %arg9[%parallel_loop3A_256] : memref<16384xf32, #tpu.memory_space<vmem>>[vector<16xi32>], vector<16xf32>,
          %parallel_loop3A_298 = arith.cmpf ogt, %parallel_loop3A_296, %parallel_loop3A_297 : vector<16xf32>
          %parallel_loop3A_299 = arith.constant 1.000000e+00 : f32
          %parallel_loop3A_300 = arith.constant 0.000000e+00 : f32
          %parallel_loop3A_301 = vector.broadcast %parallel_loop3A_299 : f32 to vector<16xf32>
          %parallel_loop3A_302 = vector.broadcast %parallel_loop3A_300 : f32 to vector<16xf32>
          %parallel_loop3A_303 = arith.select %parallel_loop3A_298, %parallel_loop3A_301, %parallel_loop3A_302 : vector<16xi1>, vector<16xf32>
          %parallel_loop3A_304 = arith.constant 3 : i32
          %parallel_loop3A_305 = arith.index_cast %parallel_loop3A_304 : i32 to index
          %parallel_loop3A_306 = arith.index_cast %parallel_loop3A_192 : i32 to index
          %parallel_loop3A_307 = arith.constant 16 : index
          %parallel_loop3A_308 = tpu.vector_load %arg15[%parallel_loop3A_305, %parallel_loop3A_306, %parallel_loop3A_307] {strides = array<i32>} : memref<4x32x128xf32, #tpu.memory_space<vmem>>, vector<16xf32>,
          tpu.vector_store %arg15[%parallel_loop3A_305, %parallel_loop3A_306, %parallel_loop3A_307], %parallel_loop3A_303 {strides = array<i32>} : memref<4x32x128xf32, #tpu.memory_space<vmem>>, vector<16xf32>,
          %parallel_loop3A_309 = arith.index_cast %parallel_loop3A_192 : i32 to index
          %parallel_loop3A_310 = arith.constant 32 : index
          %parallel_loop3A_311 = tpu.vector_load %arg12[%parallel_loop3A_309, %parallel_loop3A_310] {strides = array<i32>} : memref<32x128xi32, #tpu.memory_space<vmem>>, vector<16xi32>,
          %parallel_loop3A_312 = arith.index_cast %parallel_loop3A_192 : i32 to index
          %parallel_loop3A_313 = arith.constant 32 : index
          %parallel_loop3A_314 = tpu.vector_load %arg13[%parallel_loop3A_312, %parallel_loop3A_313] {strides = array<i32>} : memref<32x128xi32, #tpu.memory_space<vmem>>, vector<16xi32>,
          %parallel_loop3A_315 = tpu.vector_load_idx %arg6[%parallel_loop3A_311] : memref<16384xf32, #tpu.memory_space<vmem>>[vector<16xi32>], vector<16xf32>,
          %parallel_loop3A_316 = tpu.vector_load_idx %arg6[%parallel_loop3A_314] : memref<16384xf32, #tpu.memory_space<vmem>>[vector<16xi32>], vector<16xf32>,
          %parallel_loop3A_317 = arith.cmpf ogt, %parallel_loop3A_315, %parallel_loop3A_316 : vector<16xf32>
          %parallel_loop3A_318 = arith.constant 1.000000e+00 : f32
          %parallel_loop3A_319 = arith.constant 0.000000e+00 : f32
          %parallel_loop3A_320 = vector.broadcast %parallel_loop3A_318 : f32 to vector<16xf32>
          %parallel_loop3A_321 = vector.broadcast %parallel_loop3A_319 : f32 to vector<16xf32>
          %parallel_loop3A_322 = arith.select %parallel_loop3A_317, %parallel_loop3A_320, %parallel_loop3A_321 : vector<16xi1>, vector<16xf32>
          %parallel_loop3A_323 = arith.constant 0 : i32
          %parallel_loop3A_324 = arith.index_cast %parallel_loop3A_323 : i32 to index
          %parallel_loop3A_325 = arith.index_cast %parallel_loop3A_192 : i32 to index
          %parallel_loop3A_326 = arith.constant 32 : index
          %parallel_loop3A_327 = tpu.vector_load %arg15[%parallel_loop3A_324, %parallel_loop3A_325, %parallel_loop3A_326] {strides = array<i32>} : memref<4x32x128xf32, #tpu.memory_space<vmem>>, vector<16xf32>,
          tpu.vector_store %arg15[%parallel_loop3A_324, %parallel_loop3A_325, %parallel_loop3A_326], %parallel_loop3A_322 {strides = array<i32>} : memref<4x32x128xf32, #tpu.memory_space<vmem>>, vector<16xf32>,
          %parallel_loop3A_328 = tpu.vector_load_idx %arg7[%parallel_loop3A_311] : memref<16384xf32, #tpu.memory_space<vmem>>[vector<16xi32>], vector<16xf32>,
          %parallel_loop3A_329 = tpu.vector_load_idx %arg7[%parallel_loop3A_314] : memref<16384xf32, #tpu.memory_space<vmem>>[vector<16xi32>], vector<16xf32>,
          %parallel_loop3A_330 = arith.cmpf ogt, %parallel_loop3A_328, %parallel_loop3A_329 : vector<16xf32>
          %parallel_loop3A_331 = arith.constant 1.000000e+00 : f32
          %parallel_loop3A_332 = arith.constant 0.000000e+00 : f32
          %parallel_loop3A_333 = vector.broadcast %parallel_loop3A_331 : f32 to vector<16xf32>
          %parallel_loop3A_334 = vector.broadcast %parallel_loop3A_332 : f32 to vector<16xf32>
          %parallel_loop3A_335 = arith.select %parallel_loop3A_330, %parallel_loop3A_333, %parallel_loop3A_334 : vector<16xi1>, vector<16xf32>
          %parallel_loop3A_336 = arith.constant 1 : i32
          %parallel_loop3A_337 = arith.index_cast %parallel_loop3A_336 : i32 to index
          %parallel_loop3A_338 = arith.index_cast %parallel_loop3A_192 : i32 to index
          %parallel_loop3A_339 = arith.constant 32 : index
          %parallel_loop3A_340 = tpu.vector_load %arg15[%parallel_loop3A_337, %parallel_loop3A_338, %parallel_loop3A_339] {strides = array<i32>} : memref<4x32x128xf32, #tpu.memory_space<vmem>>, vector<16xf32>,
          tpu.vector_store %arg15[%parallel_loop3A_337, %parallel_loop3A_338, %parallel_loop3A_339], %parallel_loop3A_335 {strides = array<i32>} : memref<4x32x128xf32, #tpu.memory_space<vmem>>, vector<16xf32>,
          %parallel_loop3A_341 = tpu.vector_load_idx %arg8[%parallel_loop3A_311] : memref<16384xf32, #tpu.memory_space<vmem>>[vector<16xi32>], vector<16xf32>,
          %parallel_loop3A_342 = tpu.vector_load_idx %arg8[%parallel_loop3A_314] : memref<16384xf32, #tpu.memory_space<vmem>>[vector<16xi32>], vector<16xf32>,
          %parallel_loop3A_343 = arith.cmpf ogt, %parallel_loop3A_341, %parallel_loop3A_342 : vector<16xf32>
          %parallel_loop3A_344 = arith.constant 1.000000e+00 : f32
          %parallel_loop3A_345 = arith.constant 0.000000e+00 : f32
          %parallel_loop3A_346 = vector.broadcast %parallel_loop3A_344 : f32 to vector<16xf32>
          %parallel_loop3A_347 = vector.broadcast %parallel_loop3A_345 : f32 to vector<16xf32>
          %parallel_loop3A_348 = arith.select %parallel_loop3A_343, %parallel_loop3A_346, %parallel_loop3A_347 : vector<16xi1>, vector<16xf32>
          %parallel_loop3A_349 = arith.constant 2 : i32
          %parallel_loop3A_350 = arith.index_cast %parallel_loop3A_349 : i32 to index
          %parallel_loop3A_351 = arith.index_cast %parallel_loop3A_192 : i32 to index
          %parallel_loop3A_352 = arith.constant 32 : index
          %parallel_loop3A_353 = tpu.vector_load %arg15[%parallel_loop3A_350, %parallel_loop3A_351, %parallel_loop3A_352] {strides = array<i32>} : memref<4x32x128xf32, #tpu.memory_space<vmem>>, vector<16xf32>,
          tpu.vector_store %arg15[%parallel_loop3A_350, %parallel_loop3A_351, %parallel_loop3A_352], %parallel_loop3A_348 {strides = array<i32>} : memref<4x32x128xf32, #tpu.memory_space<vmem>>, vector<16xf32>,
          %parallel_loop3A_354 = tpu.vector_load_idx %arg9[%parallel_loop3A_311] : memref<16384xf32, #tpu.memory_space<vmem>>[vector<16xi32>], vector<16xf32>,
          %parallel_loop3A_355 = tpu.vector_load_idx %arg9[%parallel_loop3A_314] : memref<16384xf32, #tpu.memory_space<vmem>>[vector<16xi32>], vector<16xf32>,
          %parallel_loop3A_356 = arith.cmpf ogt, %parallel_loop3A_354, %parallel_loop3A_355 : vector<16xf32>
          %parallel_loop3A_357 = arith.constant 1.000000e+00 : f32
          %parallel_loop3A_358 = arith.constant 0.000000e+00 : f32
          %parallel_loop3A_359 = vector.broadcast %parallel_loop3A_357 : f32 to vector<16xf32>
          %parallel_loop3A_360 = vector.broadcast %parallel_loop3A_358 : f32 to vector<16xf32>
          %parallel_loop3A_361 = arith.select %parallel_loop3A_356, %parallel_loop3A_359, %parallel_loop3A_360 : vector<16xi1>, vector<16xf32>
          %parallel_loop3A_362 = arith.constant 3 : i32
          %parallel_loop3A_363 = arith.index_cast %parallel_loop3A_362 : i32 to index
          %parallel_loop3A_364 = arith.index_cast %parallel_loop3A_192 : i32 to index
          %parallel_loop3A_365 = arith.constant 32 : index
          %parallel_loop3A_366 = tpu.vector_load %arg15[%parallel_loop3A_363, %parallel_loop3A_364, %parallel_loop3A_365] {strides = array<i32>} : memref<4x32x128xf32, #tpu.memory_space<vmem>>, vector<16xf32>,
          tpu.vector_store %arg15[%parallel_loop3A_363, %parallel_loop3A_364, %parallel_loop3A_365], %parallel_loop3A_361 {strides = array<i32>} : memref<4x32x128xf32, #tpu.memory_space<vmem>>, vector<16xf32>,
          %parallel_loop3A_367 = arith.index_cast %parallel_loop3A_192 : i32 to index
          %parallel_loop3A_368 = arith.constant 48 : index
          %parallel_loop3A_369 = tpu.vector_load %arg12[%parallel_loop3A_367, %parallel_loop3A_368] {strides = array<i32>} : memref<32x128xi32, #tpu.memory_space<vmem>>, vector<16xi32>,
          %parallel_loop3A_370 = arith.index_cast %parallel_loop3A_192 : i32 to index
          %parallel_loop3A_371 = arith.constant 48 : index
          %parallel_loop3A_372 = tpu.vector_load %arg13[%parallel_loop3A_370, %parallel_loop3A_371] {strides = array<i32>} : memref<32x128xi32, #tpu.memory_space<vmem>>, vector<16xi32>,
          %parallel_loop3A_373 = tpu.vector_load_idx %arg6[%parallel_loop3A_369] : memref<16384xf32, #tpu.memory_space<vmem>>[vector<16xi32>], vector<16xf32>,
          %parallel_loop3A_374 = tpu.vector_load_idx %arg6[%parallel_loop3A_372] : memref<16384xf32, #tpu.memory_space<vmem>>[vector<16xi32>], vector<16xf32>,
          %parallel_loop3A_375 = arith.cmpf ogt, %parallel_loop3A_373, %parallel_loop3A_374 : vector<16xf32>
          %parallel_loop3A_376 = arith.constant 1.000000e+00 : f32
          %parallel_loop3A_377 = arith.constant 0.000000e+00 : f32
          %parallel_loop3A_378 = vector.broadcast %parallel_loop3A_376 : f32 to vector<16xf32>
          %parallel_loop3A_379 = vector.broadcast %parallel_loop3A_377 : f32 to vector<16xf32>
          %parallel_loop3A_380 = arith.select %parallel_loop3A_375, %parallel_loop3A_378, %parallel_loop3A_379 : vector<16xi1>, vector<16xf32>
          %parallel_loop3A_381 = arith.constant 0 : i32
          %parallel_loop3A_382 = arith.index_cast %parallel_loop3A_381 : i32 to index
          %parallel_loop3A_383 = arith.index_cast %parallel_loop3A_192 : i32 to index
          %parallel_loop3A_384 = arith.constant 48 : index
          %parallel_loop3A_385 = tpu.vector_load %arg15[%parallel_loop3A_382, %parallel_loop3A_383, %parallel_loop3A_384] {strides = array<i32>} : memref<4x32x128xf32, #tpu.memory_space<vmem>>, vector<16xf32>,
          tpu.vector_store %arg15[%parallel_loop3A_382, %parallel_loop3A_383, %parallel_loop3A_384], %parallel_loop3A_380 {strides = array<i32>} : memref<4x32x128xf32, #tpu.memory_space<vmem>>, vector<16xf32>,
          %parallel_loop3A_386 = tpu.vector_load_idx %arg7[%parallel_loop3A_369] : memref<16384xf32, #tpu.memory_space<vmem>>[vector<16xi32>], vector<16xf32>,
          %parallel_loop3A_387 = tpu.vector_load_idx %arg7[%parallel_loop3A_372] : memref<16384xf32, #tpu.memory_space<vmem>>[vector<16xi32>], vector<16xf32>,
          %parallel_loop3A_388 = arith.cmpf ogt, %parallel_loop3A_386, %parallel_loop3A_387 : vector<16xf32>
          %parallel_loop3A_389 = arith.constant 1.000000e+00 : f32
          %parallel_loop3A_390 = arith.constant 0.000000e+00 : f32
          %parallel_loop3A_391 = vector.broadcast %parallel_loop3A_389 : f32 to vector<16xf32>
          %parallel_loop3A_392 = vector.broadcast %parallel_loop3A_390 : f32 to vector<16xf32>
          %parallel_loop3A_393 = arith.select %parallel_loop3A_388, %parallel_loop3A_391, %parallel_loop3A_392 : vector<16xi1>, vector<16xf32>
          %parallel_loop3A_394 = arith.constant 1 : i32
          %parallel_loop3A_395 = arith.index_cast %parallel_loop3A_394 : i32 to index
          %parallel_loop3A_396 = arith.index_cast %parallel_loop3A_192 : i32 to index
          %parallel_loop3A_397 = arith.constant 48 : index
          %parallel_loop3A_398 = tpu.vector_load %arg15[%parallel_loop3A_395, %parallel_loop3A_396, %parallel_loop3A_397] {strides = array<i32>} : memref<4x32x128xf32, #tpu.memory_space<vmem>>, vector<16xf32>,
          tpu.vector_store %arg15[%parallel_loop3A_395, %parallel_loop3A_396, %parallel_loop3A_397], %parallel_loop3A_393 {strides = array<i32>} : memref<4x32x128xf32, #tpu.memory_space<vmem>>, vector<16xf32>,
          %parallel_loop3A_399 = tpu.vector_load_idx %arg8[%parallel_loop3A_369] : memref<16384xf32, #tpu.memory_space<vmem>>[vector<16xi32>], vector<16xf32>,
          %parallel_loop3A_400 = tpu.vector_load_idx %arg8[%parallel_loop3A_372] : memref<16384xf32, #tpu.memory_space<vmem>>[vector<16xi32>], vector<16xf32>,
          %parallel_loop3A_401 = arith.cmpf ogt, %parallel_loop3A_399, %parallel_loop3A_400 : vector<16xf32>
          %parallel_loop3A_402 = arith.constant 1.000000e+00 : f32
          %parallel_loop3A_403 = arith.constant 0.000000e+00 : f32
          %parallel_loop3A_404 = vector.broadcast %parallel_loop3A_402 : f32 to vector<16xf32>
          %parallel_loop3A_405 = vector.broadcast %parallel_loop3A_403 : f32 to vector<16xf32>
          %parallel_loop3A_406 = arith.select %parallel_loop3A_401, %parallel_loop3A_404, %parallel_loop3A_405 : vector<16xi1>, vector<16xf32>
          %parallel_loop3A_407 = arith.constant 2 : i32
          %parallel_loop3A_408 = arith.index_cast %parallel_loop3A_407 : i32 to index
          %parallel_loop3A_409 = arith.index_cast %parallel_loop3A_192 : i32 to index
          %parallel_loop3A_410 = arith.constant 48 : index
          %parallel_loop3A_411 = tpu.vector_load %arg15[%parallel_loop3A_408, %parallel_loop3A_409, %parallel_loop3A_410] {strides = array<i32>} : memref<4x32x128xf32, #tpu.memory_space<vmem>>, vector<16xf32>,
          tpu.vector_store %arg15[%parallel_loop3A_408, %parallel_loop3A_409, %parallel_loop3A_410], %parallel_loop3A_406 {strides = array<i32>} : memref<4x32x128xf32, #tpu.memory_space<vmem>>, vector<16xf32>,
          %parallel_loop3A_412 = tpu.vector_load_idx %arg9[%parallel_loop3A_369] : memref<16384xf32, #tpu.memory_space<vmem>>[vector<16xi32>], vector<16xf32>,
          %parallel_loop3A_413 = tpu.vector_load_idx %arg9[%parallel_loop3A_372] : memref<16384xf32, #tpu.memory_space<vmem>>[vector<16xi32>], vector<16xf32>,
          %parallel_loop3A_414 = arith.cmpf ogt, %parallel_loop3A_412, %parallel_loop3A_413 : vector<16xf32>
          %parallel_loop3A_415 = arith.constant 1.000000e+00 : f32
          %parallel_loop3A_416 = arith.constant 0.000000e+00 : f32
          %parallel_loop3A_417 = vector.broadcast %parallel_loop3A_415 : f32 to vector<16xf32>
          %parallel_loop3A_418 = vector.broadcast %parallel_loop3A_416 : f32 to vector<16xf32>
          %parallel_loop3A_419 = arith.select %parallel_loop3A_414, %parallel_loop3A_417, %parallel_loop3A_418 : vector<16xi1>, vector<16xf32>
          %parallel_loop3A_420 = arith.constant 3 : i32
          %parallel_loop3A_421 = arith.index_cast %parallel_loop3A_420 : i32 to index
          %parallel_loop3A_422 = arith.index_cast %parallel_loop3A_192 : i32 to index
          %parallel_loop3A_423 = arith.constant 48 : index
          %parallel_loop3A_424 = tpu.vector_load %arg15[%parallel_loop3A_421, %parallel_loop3A_422, %parallel_loop3A_423] {strides = array<i32>} : memref<4x32x128xf32, #tpu.memory_space<vmem>>, vector<16xf32>,
          tpu.vector_store %arg15[%parallel_loop3A_421, %parallel_loop3A_422, %parallel_loop3A_423], %parallel_loop3A_419 {strides = array<i32>} : memref<4x32x128xf32, #tpu.memory_space<vmem>>, vector<16xf32>,
          %parallel_loop3A_425 = arith.index_cast %parallel_loop3A_192 : i32 to index
          %parallel_loop3A_426 = arith.constant 64 : index
          %parallel_loop3A_427 = tpu.vector_load %arg12[%parallel_loop3A_425, %parallel_loop3A_426] {strides = array<i32>} : memref<32x128xi32, #tpu.memory_space<vmem>>, vector<16xi32>,
          %parallel_loop3A_428 = arith.index_cast %parallel_loop3A_192 : i32 to index
          %parallel_loop3A_429 = arith.constant 64 : index
          %parallel_loop3A_430 = tpu.vector_load %arg13[%parallel_loop3A_428, %parallel_loop3A_429] {strides = array<i32>} : memref<32x128xi32, #tpu.memory_space<vmem>>, vector<16xi32>,
          %parallel_loop3A_431 = tpu.vector_load_idx %arg6[%parallel_loop3A_427] : memref<16384xf32, #tpu.memory_space<vmem>>[vector<16xi32>], vector<16xf32>,
          %parallel_loop3A_432 = tpu.vector_load_idx %arg6[%parallel_loop3A_430] : memref<16384xf32, #tpu.memory_space<vmem>>[vector<16xi32>], vector<16xf32>,
          %parallel_loop3A_433 = arith.cmpf ogt, %parallel_loop3A_431, %parallel_loop3A_432 : vector<16xf32>
          %parallel_loop3A_434 = arith.constant 1.000000e+00 : f32
          %parallel_loop3A_435 = arith.constant 0.000000e+00 : f32
          %parallel_loop3A_436 = vector.broadcast %parallel_loop3A_434 : f32 to vector<16xf32>
          %parallel_loop3A_437 = vector.broadcast %parallel_loop3A_435 : f32 to vector<16xf32>
          %parallel_loop3A_438 = arith.select %parallel_loop3A_433, %parallel_loop3A_436, %parallel_loop3A_437 : vector<16xi1>, vector<16xf32>
          %parallel_loop3A_439 = arith.constant 0 : i32
          %parallel_loop3A_440 = arith.index_cast %parallel_loop3A_439 : i32 to index
          %parallel_loop3A_441 = arith.index_cast %parallel_loop3A_192 : i32 to index
          %parallel_loop3A_442 = arith.constant 64 : index
          %parallel_loop3A_443 = tpu.vector_load %arg15[%parallel_loop3A_440, %parallel_loop3A_441, %parallel_loop3A_442] {strides = array<i32>} : memref<4x32x128xf32, #tpu.memory_space<vmem>>, vector<16xf32>,
          tpu.vector_store %arg15[%parallel_loop3A_440, %parallel_loop3A_441, %parallel_loop3A_442], %parallel_loop3A_438 {strides = array<i32>} : memref<4x32x128xf32, #tpu.memory_space<vmem>>, vector<16xf32>,
          %parallel_loop3A_444 = tpu.vector_load_idx %arg7[%parallel_loop3A_427] : memref<16384xf32, #tpu.memory_space<vmem>>[vector<16xi32>], vector<16xf32>,
          %parallel_loop3A_445 = tpu.vector_load_idx %arg7[%parallel_loop3A_430] : memref<16384xf32, #tpu.memory_space<vmem>>[vector<16xi32>], vector<16xf32>,
          %parallel_loop3A_446 = arith.cmpf ogt, %parallel_loop3A_444, %parallel_loop3A_445 : vector<16xf32>
          %parallel_loop3A_447 = arith.constant 1.000000e+00 : f32
          %parallel_loop3A_448 = arith.constant 0.000000e+00 : f32
          %parallel_loop3A_449 = vector.broadcast %parallel_loop3A_447 : f32 to vector<16xf32>
          %parallel_loop3A_450 = vector.broadcast %parallel_loop3A_448 : f32 to vector<16xf32>
          %parallel_loop3A_451 = arith.select %parallel_loop3A_446, %parallel_loop3A_449, %parallel_loop3A_450 : vector<16xi1>, vector<16xf32>
          %parallel_loop3A_452 = arith.constant 1 : i32
          %parallel_loop3A_453 = arith.index_cast %parallel_loop3A_452 : i32 to index
          %parallel_loop3A_454 = arith.index_cast %parallel_loop3A_192 : i32 to index
          %parallel_loop3A_455 = arith.constant 64 : index
          %parallel_loop3A_456 = tpu.vector_load %arg15[%parallel_loop3A_453, %parallel_loop3A_454, %parallel_loop3A_455] {strides = array<i32>} : memref<4x32x128xf32, #tpu.memory_space<vmem>>, vector<16xf32>,
          tpu.vector_store %arg15[%parallel_loop3A_453, %parallel_loop3A_454, %parallel_loop3A_455], %parallel_loop3A_451 {strides = array<i32>} : memref<4x32x128xf32, #tpu.memory_space<vmem>>, vector<16xf32>,
          %parallel_loop3A_457 = tpu.vector_load_idx %arg8[%parallel_loop3A_427] : memref<16384xf32, #tpu.memory_space<vmem>>[vector<16xi32>], vector<16xf32>,
          %parallel_loop3A_458 = tpu.vector_load_idx %arg8[%parallel_loop3A_430] : memref<16384xf32, #tpu.memory_space<vmem>>[vector<16xi32>], vector<16xf32>,
          %parallel_loop3A_459 = arith.cmpf ogt, %parallel_loop3A_457, %parallel_loop3A_458 : vector<16xf32>
          %parallel_loop3A_460 = arith.constant 1.000000e+00 : f32
          %parallel_loop3A_461 = arith.constant 0.000000e+00 : f32
          %parallel_loop3A_462 = vector.broadcast %parallel_loop3A_460 : f32 to vector<16xf32>
          %parallel_loop3A_463 = vector.broadcast %parallel_loop3A_461 : f32 to vector<16xf32>
          %parallel_loop3A_464 = arith.select %parallel_loop3A_459, %parallel_loop3A_462, %parallel_loop3A_463 : vector<16xi1>, vector<16xf32>
          %parallel_loop3A_465 = arith.constant 2 : i32
          %parallel_loop3A_466 = arith.index_cast %parallel_loop3A_465 : i32 to index
          %parallel_loop3A_467 = arith.index_cast %parallel_loop3A_192 : i32 to index
          %parallel_loop3A_468 = arith.constant 64 : index
          %parallel_loop3A_469 = tpu.vector_load %arg15[%parallel_loop3A_466, %parallel_loop3A_467, %parallel_loop3A_468] {strides = array<i32>} : memref<4x32x128xf32, #tpu.memory_space<vmem>>, vector<16xf32>,
          tpu.vector_store %arg15[%parallel_loop3A_466, %parallel_loop3A_467, %parallel_loop3A_468], %parallel_loop3A_464 {strides = array<i32>} : memref<4x32x128xf32, #tpu.memory_space<vmem>>, vector<16xf32>,
          %parallel_loop3A_470 = tpu.vector_load_idx %arg9[%parallel_loop3A_427] : memref<16384xf32, #tpu.memory_space<vmem>>[vector<16xi32>], vector<16xf32>,
          %parallel_loop3A_471 = tpu.vector_load_idx %arg9[%parallel_loop3A_430] : memref<16384xf32, #tpu.memory_space<vmem>>[vector<16xi32>], vector<16xf32>,
          %parallel_loop3A_472 = arith.cmpf ogt, %parallel_loop3A_470, %parallel_loop3A_471 : vector<16xf32>
          %parallel_loop3A_473 = arith.constant 1.000000e+00 : f32
          %parallel_loop3A_474 = arith.constant 0.000000e+00 : f32
          %parallel_loop3A_475 = vector.broadcast %parallel_loop3A_473 : f32 to vector<16xf32>
          %parallel_loop3A_476 = vector.broadcast %parallel_loop3A_474 : f32 to vector<16xf32>
          %parallel_loop3A_477 = arith.select %parallel_loop3A_472, %parallel_loop3A_475, %parallel_loop3A_476 : vector<16xi1>, vector<16xf32>
          %parallel_loop3A_478 = arith.constant 3 : i32
          %parallel_loop3A_479 = arith.index_cast %parallel_loop3A_478 : i32 to index
          %parallel_loop3A_480 = arith.index_cast %parallel_loop3A_192 : i32 to index
          %parallel_loop3A_481 = arith.constant 64 : index
          %parallel_loop3A_482 = tpu.vector_load %arg15[%parallel_loop3A_479, %parallel_loop3A_480, %parallel_loop3A_481] {strides = array<i32>} : memref<4x32x128xf32, #tpu.memory_space<vmem>>, vector<16xf32>,
          tpu.vector_store %arg15[%parallel_loop3A_479, %parallel_loop3A_480, %parallel_loop3A_481], %parallel_loop3A_477 {strides = array<i32>} : memref<4x32x128xf32, #tpu.memory_space<vmem>>, vector<16xf32>,
          %parallel_loop3A_483 = arith.index_cast %parallel_loop3A_192 : i32 to index
          %parallel_loop3A_484 = arith.constant 80 : index
          %parallel_loop3A_485 = tpu.vector_load %arg12[%parallel_loop3A_483, %parallel_loop3A_484] {strides = array<i32>} : memref<32x128xi32, #tpu.memory_space<vmem>>, vector<16xi32>,
          %parallel_loop3A_486 = arith.index_cast %parallel_loop3A_192 : i32 to index
          %parallel_loop3A_487 = arith.constant 80 : index
          %parallel_loop3A_488 = tpu.vector_load %arg13[%parallel_loop3A_486, %parallel_loop3A_487] {strides = array<i32>} : memref<32x128xi32, #tpu.memory_space<vmem>>, vector<16xi32>,
          %parallel_loop3A_489 = tpu.vector_load_idx %arg6[%parallel_loop3A_485] : memref<16384xf32, #tpu.memory_space<vmem>>[vector<16xi32>], vector<16xf32>,
          %parallel_loop3A_490 = tpu.vector_load_idx %arg6[%parallel_loop3A_488] : memref<16384xf32, #tpu.memory_space<vmem>>[vector<16xi32>], vector<16xf32>,
          %parallel_loop3A_491 = arith.cmpf ogt, %parallel_loop3A_489, %parallel_loop3A_490 : vector<16xf32>
          %parallel_loop3A_492 = arith.constant 1.000000e+00 : f32
          %parallel_loop3A_493 = arith.constant 0.000000e+00 : f32
          %parallel_loop3A_494 = vector.broadcast %parallel_loop3A_492 : f32 to vector<16xf32>
          %parallel_loop3A_495 = vector.broadcast %parallel_loop3A_493 : f32 to vector<16xf32>
          %parallel_loop3A_496 = arith.select %parallel_loop3A_491, %parallel_loop3A_494, %parallel_loop3A_495 : vector<16xi1>, vector<16xf32>
          %parallel_loop3A_497 = arith.constant 0 : i32
          %parallel_loop3A_498 = arith.index_cast %parallel_loop3A_497 : i32 to index
          %parallel_loop3A_499 = arith.index_cast %parallel_loop3A_192 : i32 to index
          %parallel_loop3A_500 = arith.constant 80 : index
          %parallel_loop3A_501 = tpu.vector_load %arg15[%parallel_loop3A_498, %parallel_loop3A_499, %parallel_loop3A_500] {strides = array<i32>} : memref<4x32x128xf32, #tpu.memory_space<vmem>>, vector<16xf32>,
          tpu.vector_store %arg15[%parallel_loop3A_498, %parallel_loop3A_499, %parallel_loop3A_500], %parallel_loop3A_496 {strides = array<i32>} : memref<4x32x128xf32, #tpu.memory_space<vmem>>, vector<16xf32>,
          %parallel_loop3A_502 = tpu.vector_load_idx %arg7[%parallel_loop3A_485] : memref<16384xf32, #tpu.memory_space<vmem>>[vector<16xi32>], vector<16xf32>,
          %parallel_loop3A_503 = tpu.vector_load_idx %arg7[%parallel_loop3A_488] : memref<16384xf32, #tpu.memory_space<vmem>>[vector<16xi32>], vector<16xf32>,
          %parallel_loop3A_504 = arith.cmpf ogt, %parallel_loop3A_502, %parallel_loop3A_503 : vector<16xf32>
          %parallel_loop3A_505 = arith.constant 1.000000e+00 : f32
          %parallel_loop3A_506 = arith.constant 0.000000e+00 : f32
          %parallel_loop3A_507 = vector.broadcast %parallel_loop3A_505 : f32 to vector<16xf32>
          %parallel_loop3A_508 = vector.broadcast %parallel_loop3A_506 : f32 to vector<16xf32>
          %parallel_loop3A_509 = arith.select %parallel_loop3A_504, %parallel_loop3A_507, %parallel_loop3A_508 : vector<16xi1>, vector<16xf32>
          %parallel_loop3A_510 = arith.constant 1 : i32
          %parallel_loop3A_511 = arith.index_cast %parallel_loop3A_510 : i32 to index
          %parallel_loop3A_512 = arith.index_cast %parallel_loop3A_192 : i32 to index
          %parallel_loop3A_513 = arith.constant 80 : index
          %parallel_loop3A_514 = tpu.vector_load %arg15[%parallel_loop3A_511, %parallel_loop3A_512, %parallel_loop3A_513] {strides = array<i32>} : memref<4x32x128xf32, #tpu.memory_space<vmem>>, vector<16xf32>,
          tpu.vector_store %arg15[%parallel_loop3A_511, %parallel_loop3A_512, %parallel_loop3A_513], %parallel_loop3A_509 {strides = array<i32>} : memref<4x32x128xf32, #tpu.memory_space<vmem>>, vector<16xf32>,
          %parallel_loop3A_515 = tpu.vector_load_idx %arg8[%parallel_loop3A_485] : memref<16384xf32, #tpu.memory_space<vmem>>[vector<16xi32>], vector<16xf32>,
          %parallel_loop3A_516 = tpu.vector_load_idx %arg8[%parallel_loop3A_488] : memref<16384xf32, #tpu.memory_space<vmem>>[vector<16xi32>], vector<16xf32>,
          %parallel_loop3A_517 = arith.cmpf ogt, %parallel_loop3A_515, %parallel_loop3A_516 : vector<16xf32>
          %parallel_loop3A_518 = arith.constant 1.000000e+00 : f32
          %parallel_loop3A_519 = arith.constant 0.000000e+00 : f32
          %parallel_loop3A_520 = vector.broadcast %parallel_loop3A_518 : f32 to vector<16xf32>
          %parallel_loop3A_521 = vector.broadcast %parallel_loop3A_519 : f32 to vector<16xf32>
          %parallel_loop3A_522 = arith.select %parallel_loop3A_517, %parallel_loop3A_520, %parallel_loop3A_521 : vector<16xi1>, vector<16xf32>
          %parallel_loop3A_523 = arith.constant 2 : i32
          %parallel_loop3A_524 = arith.index_cast %parallel_loop3A_523 : i32 to index
          %parallel_loop3A_525 = arith.index_cast %parallel_loop3A_192 : i32 to index
          %parallel_loop3A_526 = arith.constant 80 : index
          %parallel_loop3A_527 = tpu.vector_load %arg15[%parallel_loop3A_524, %parallel_loop3A_525, %parallel_loop3A_526] {strides = array<i32>} : memref<4x32x128xf32, #tpu.memory_space<vmem>>, vector<16xf32>,
          tpu.vector_store %arg15[%parallel_loop3A_524, %parallel_loop3A_525, %parallel_loop3A_526], %parallel_loop3A_522 {strides = array<i32>} : memref<4x32x128xf32, #tpu.memory_space<vmem>>, vector<16xf32>,
          %parallel_loop3A_528 = tpu.vector_load_idx %arg9[%parallel_loop3A_485] : memref<16384xf32, #tpu.memory_space<vmem>>[vector<16xi32>], vector<16xf32>,
          %parallel_loop3A_529 = tpu.vector_load_idx %arg9[%parallel_loop3A_488] : memref<16384xf32, #tpu.memory_space<vmem>>[vector<16xi32>], vector<16xf32>,
          %parallel_loop3A_530 = arith.cmpf ogt, %parallel_loop3A_528, %parallel_loop3A_529 : vector<16xf32>
          %parallel_loop3A_531 = arith.constant 1.000000e+00 : f32
          %parallel_loop3A_532 = arith.constant 0.000000e+00 : f32
          %parallel_loop3A_533 = vector.broadcast %parallel_loop3A_531 : f32 to vector<16xf32>
          %parallel_loop3A_534 = vector.broadcast %parallel_loop3A_532 : f32 to vector<16xf32>
          %parallel_loop3A_535 = arith.select %parallel_loop3A_530, %parallel_loop3A_533, %parallel_loop3A_534 : vector<16xi1>, vector<16xf32>
          %parallel_loop3A_536 = arith.constant 3 : i32
          %parallel_loop3A_537 = arith.index_cast %parallel_loop3A_536 : i32 to index
          %parallel_loop3A_538 = arith.index_cast %parallel_loop3A_192 : i32 to index
          %parallel_loop3A_539 = arith.constant 80 : index
          %parallel_loop3A_540 = tpu.vector_load %arg15[%parallel_loop3A_537, %parallel_loop3A_538, %parallel_loop3A_539] {strides = array<i32>} : memref<4x32x128xf32, #tpu.memory_space<vmem>>, vector<16xf32>,
          tpu.vector_store %arg15[%parallel_loop3A_537, %parallel_loop3A_538, %parallel_loop3A_539], %parallel_loop3A_535 {strides = array<i32>} : memref<4x32x128xf32, #tpu.memory_space<vmem>>, vector<16xf32>,
          %parallel_loop3A_541 = arith.index_cast %parallel_loop3A_192 : i32 to index
          %parallel_loop3A_542 = arith.constant 96 : index
          %parallel_loop3A_543 = tpu.vector_load %arg12[%parallel_loop3A_541, %parallel_loop3A_542] {strides = array<i32>} : memref<32x128xi32, #tpu.memory_space<vmem>>, vector<16xi32>,
          %parallel_loop3A_544 = arith.index_cast %parallel_loop3A_192 : i32 to index
          %parallel_loop3A_545 = arith.constant 96 : index
          %parallel_loop3A_546 = tpu.vector_load %arg13[%parallel_loop3A_544, %parallel_loop3A_545] {strides = array<i32>} : memref<32x128xi32, #tpu.memory_space<vmem>>, vector<16xi32>,
          %parallel_loop3A_547 = tpu.vector_load_idx %arg6[%parallel_loop3A_543] : memref<16384xf32, #tpu.memory_space<vmem>>[vector<16xi32>], vector<16xf32>,
          %parallel_loop3A_548 = tpu.vector_load_idx %arg6[%parallel_loop3A_546] : memref<16384xf32, #tpu.memory_space<vmem>>[vector<16xi32>], vector<16xf32>,
          %parallel_loop3A_549 = arith.cmpf ogt, %parallel_loop3A_547, %parallel_loop3A_548 : vector<16xf32>
          %parallel_loop3A_550 = arith.constant 1.000000e+00 : f32
          %parallel_loop3A_551 = arith.constant 0.000000e+00 : f32
          %parallel_loop3A_552 = vector.broadcast %parallel_loop3A_550 : f32 to vector<16xf32>
          %parallel_loop3A_553 = vector.broadcast %parallel_loop3A_551 : f32 to vector<16xf32>
          %parallel_loop3A_554 = arith.select %parallel_loop3A_549, %parallel_loop3A_552, %parallel_loop3A_553 : vector<16xi1>, vector<16xf32>
          %parallel_loop3A_555 = arith.constant 0 : i32
          %parallel_loop3A_556 = arith.index_cast %parallel_loop3A_555 : i32 to index
          %parallel_loop3A_557 = arith.index_cast %parallel_loop3A_192 : i32 to index
          %parallel_loop3A_558 = arith.constant 96 : index
          %parallel_loop3A_559 = tpu.vector_load %arg15[%parallel_loop3A_556, %parallel_loop3A_557, %parallel_loop3A_558] {strides = array<i32>} : memref<4x32x128xf32, #tpu.memory_space<vmem>>, vector<16xf32>,
          tpu.vector_store %arg15[%parallel_loop3A_556, %parallel_loop3A_557, %parallel_loop3A_558], %parallel_loop3A_554 {strides = array<i32>} : memref<4x32x128xf32, #tpu.memory_space<vmem>>, vector<16xf32>,
          %parallel_loop3A_560 = tpu.vector_load_idx %arg7[%parallel_loop3A_543] : memref<16384xf32, #tpu.memory_space<vmem>>[vector<16xi32>], vector<16xf32>,
          %parallel_loop3A_561 = tpu.vector_load_idx %arg7[%parallel_loop3A_546] : memref<16384xf32, #tpu.memory_space<vmem>>[vector<16xi32>], vector<16xf32>,
          %parallel_loop3A_562 = arith.cmpf ogt, %parallel_loop3A_560, %parallel_loop3A_561 : vector<16xf32>
          %parallel_loop3A_563 = arith.constant 1.000000e+00 : f32
          %parallel_loop3A_564 = arith.constant 0.000000e+00 : f32
          %parallel_loop3A_565 = vector.broadcast %parallel_loop3A_563 : f32 to vector<16xf32>
          %parallel_loop3A_566 = vector.broadcast %parallel_loop3A_564 : f32 to vector<16xf32>
          %parallel_loop3A_567 = arith.select %parallel_loop3A_562, %parallel_loop3A_565, %parallel_loop3A_566 : vector<16xi1>, vector<16xf32>
          %parallel_loop3A_568 = arith.constant 1 : i32
          %parallel_loop3A_569 = arith.index_cast %parallel_loop3A_568 : i32 to index
          %parallel_loop3A_570 = arith.index_cast %parallel_loop3A_192 : i32 to index
          %parallel_loop3A_571 = arith.constant 96 : index
          %parallel_loop3A_572 = tpu.vector_load %arg15[%parallel_loop3A_569, %parallel_loop3A_570, %parallel_loop3A_571] {strides = array<i32>} : memref<4x32x128xf32, #tpu.memory_space<vmem>>, vector<16xf32>,
          tpu.vector_store %arg15[%parallel_loop3A_569, %parallel_loop3A_570, %parallel_loop3A_571], %parallel_loop3A_567 {strides = array<i32>} : memref<4x32x128xf32, #tpu.memory_space<vmem>>, vector<16xf32>,
          %parallel_loop3A_573 = tpu.vector_load_idx %arg8[%parallel_loop3A_543] : memref<16384xf32, #tpu.memory_space<vmem>>[vector<16xi32>], vector<16xf32>,
          %parallel_loop3A_574 = tpu.vector_load_idx %arg8[%parallel_loop3A_546] : memref<16384xf32, #tpu.memory_space<vmem>>[vector<16xi32>], vector<16xf32>,
          %parallel_loop3A_575 = arith.cmpf ogt, %parallel_loop3A_573, %parallel_loop3A_574 : vector<16xf32>
          %parallel_loop3A_576 = arith.constant 1.000000e+00 : f32
          %parallel_loop3A_577 = arith.constant 0.000000e+00 : f32
          %parallel_loop3A_578 = vector.broadcast %parallel_loop3A_576 : f32 to vector<16xf32>
          %parallel_loop3A_579 = vector.broadcast %parallel_loop3A_577 : f32 to vector<16xf32>
          %parallel_loop3A_580 = arith.select %parallel_loop3A_575, %parallel_loop3A_578, %parallel_loop3A_579 : vector<16xi1>, vector<16xf32>
          %parallel_loop3A_581 = arith.constant 2 : i32
          %parallel_loop3A_582 = arith.index_cast %parallel_loop3A_581 : i32 to index
          %parallel_loop3A_583 = arith.index_cast %parallel_loop3A_192 : i32 to index
          %parallel_loop3A_584 = arith.constant 96 : index
          %parallel_loop3A_585 = tpu.vector_load %arg15[%parallel_loop3A_582, %parallel_loop3A_583, %parallel_loop3A_584] {strides = array<i32>} : memref<4x32x128xf32, #tpu.memory_space<vmem>>, vector<16xf32>,
          tpu.vector_store %arg15[%parallel_loop3A_582, %parallel_loop3A_583, %parallel_loop3A_584], %parallel_loop3A_580 {strides = array<i32>} : memref<4x32x128xf32, #tpu.memory_space<vmem>>, vector<16xf32>,
          %parallel_loop3A_586 = tpu.vector_load_idx %arg9[%parallel_loop3A_543] : memref<16384xf32, #tpu.memory_space<vmem>>[vector<16xi32>], vector<16xf32>,
          %parallel_loop3A_587 = tpu.vector_load_idx %arg9[%parallel_loop3A_546] : memref<16384xf32, #tpu.memory_space<vmem>>[vector<16xi32>], vector<16xf32>,
          %parallel_loop3A_588 = arith.cmpf ogt, %parallel_loop3A_586, %parallel_loop3A_587 : vector<16xf32>
          %parallel_loop3A_589 = arith.constant 1.000000e+00 : f32
          %parallel_loop3A_590 = arith.constant 0.000000e+00 : f32
          %parallel_loop3A_591 = vector.broadcast %parallel_loop3A_589 : f32 to vector<16xf32>
          %parallel_loop3A_592 = vector.broadcast %parallel_loop3A_590 : f32 to vector<16xf32>
          %parallel_loop3A_593 = arith.select %parallel_loop3A_588, %parallel_loop3A_591, %parallel_loop3A_592 : vector<16xi1>, vector<16xf32>
          %parallel_loop3A_594 = arith.constant 3 : i32
          %parallel_loop3A_595 = arith.index_cast %parallel_loop3A_594 : i32 to index
          %parallel_loop3A_596 = arith.index_cast %parallel_loop3A_192 : i32 to index
          %parallel_loop3A_597 = arith.constant 96 : index
          %parallel_loop3A_598 = tpu.vector_load %arg15[%parallel_loop3A_595, %parallel_loop3A_596, %parallel_loop3A_597] {strides = array<i32>} : memref<4x32x128xf32, #tpu.memory_space<vmem>>, vector<16xf32>,
          tpu.vector_store %arg15[%parallel_loop3A_595, %parallel_loop3A_596, %parallel_loop3A_597], %parallel_loop3A_593 {strides = array<i32>} : memref<4x32x128xf32, #tpu.memory_space<vmem>>, vector<16xf32>,
          %parallel_loop3A_599 = arith.index_cast %parallel_loop3A_192 : i32 to index
          %parallel_loop3A_600 = arith.constant 112 : index
          %parallel_loop3A_601 = tpu.vector_load %arg12[%parallel_loop3A_599, %parallel_loop3A_600] {strides = array<i32>} : memref<32x128xi32, #tpu.memory_space<vmem>>, vector<16xi32>,
          %parallel_loop3A_602 = arith.index_cast %parallel_loop3A_192 : i32 to index
          %parallel_loop3A_603 = arith.constant 112 : index
          %parallel_loop3A_604 = tpu.vector_load %arg13[%parallel_loop3A_602, %parallel_loop3A_603] {strides = array<i32>} : memref<32x128xi32, #tpu.memory_space<vmem>>, vector<16xi32>,
          %parallel_loop3A_605 = tpu.vector_load_idx %arg6[%parallel_loop3A_601] : memref<16384xf32, #tpu.memory_space<vmem>>[vector<16xi32>], vector<16xf32>,
          %parallel_loop3A_606 = tpu.vector_load_idx %arg6[%parallel_loop3A_604] : memref<16384xf32, #tpu.memory_space<vmem>>[vector<16xi32>], vector<16xf32>,
          %parallel_loop3A_607 = arith.cmpf ogt, %parallel_loop3A_605, %parallel_loop3A_606 : vector<16xf32>
          %parallel_loop3A_608 = arith.constant 1.000000e+00 : f32
          %parallel_loop3A_609 = arith.constant 0.000000e+00 : f32
          %parallel_loop3A_610 = vector.broadcast %parallel_loop3A_608 : f32 to vector<16xf32>
          %parallel_loop3A_611 = vector.broadcast %parallel_loop3A_609 : f32 to vector<16xf32>
          %parallel_loop3A_612 = arith.select %parallel_loop3A_607, %parallel_loop3A_610, %parallel_loop3A_611 : vector<16xi1>, vector<16xf32>
          %parallel_loop3A_613 = arith.constant 0 : i32
          %parallel_loop3A_614 = arith.index_cast %parallel_loop3A_613 : i32 to index
          %parallel_loop3A_615 = arith.index_cast %parallel_loop3A_192 : i32 to index
          %parallel_loop3A_616 = arith.constant 112 : index
          %parallel_loop3A_617 = tpu.vector_load %arg15[%parallel_loop3A_614, %parallel_loop3A_615, %parallel_loop3A_616] {strides = array<i32>} : memref<4x32x128xf32, #tpu.memory_space<vmem>>, vector<16xf32>,
          tpu.vector_store %arg15[%parallel_loop3A_614, %parallel_loop3A_615, %parallel_loop3A_616], %parallel_loop3A_612 {strides = array<i32>} : memref<4x32x128xf32, #tpu.memory_space<vmem>>, vector<16xf32>,
          %parallel_loop3A_618 = tpu.vector_load_idx %arg7[%parallel_loop3A_601] : memref<16384xf32, #tpu.memory_space<vmem>>[vector<16xi32>], vector<16xf32>,
          %parallel_loop3A_619 = tpu.vector_load_idx %arg7[%parallel_loop3A_604] : memref<16384xf32, #tpu.memory_space<vmem>>[vector<16xi32>], vector<16xf32>,
          %parallel_loop3A_620 = arith.cmpf ogt, %parallel_loop3A_618, %parallel_loop3A_619 : vector<16xf32>
          %parallel_loop3A_621 = arith.constant 1.000000e+00 : f32
          %parallel_loop3A_622 = arith.constant 0.000000e+00 : f32
          %parallel_loop3A_623 = vector.broadcast %parallel_loop3A_621 : f32 to vector<16xf32>
          %parallel_loop3A_624 = vector.broadcast %parallel_loop3A_622 : f32 to vector<16xf32>
          %parallel_loop3A_625 = arith.select %parallel_loop3A_620, %parallel_loop3A_623, %parallel_loop3A_624 : vector<16xi1>, vector<16xf32>
          %parallel_loop3A_626 = arith.constant 1 : i32
          %parallel_loop3A_627 = arith.index_cast %parallel_loop3A_626 : i32 to index
          %parallel_loop3A_628 = arith.index_cast %parallel_loop3A_192 : i32 to index
          %parallel_loop3A_629 = arith.constant 112 : index
          %parallel_loop3A_630 = tpu.vector_load %arg15[%parallel_loop3A_627, %parallel_loop3A_628, %parallel_loop3A_629] {strides = array<i32>} : memref<4x32x128xf32, #tpu.memory_space<vmem>>, vector<16xf32>,
          tpu.vector_store %arg15[%parallel_loop3A_627, %parallel_loop3A_628, %parallel_loop3A_629], %parallel_loop3A_625 {strides = array<i32>} : memref<4x32x128xf32, #tpu.memory_space<vmem>>, vector<16xf32>,
          %parallel_loop3A_631 = tpu.vector_load_idx %arg8[%parallel_loop3A_601] : memref<16384xf32, #tpu.memory_space<vmem>>[vector<16xi32>], vector<16xf32>,
          %parallel_loop3A_632 = tpu.vector_load_idx %arg8[%parallel_loop3A_604] : memref<16384xf32, #tpu.memory_space<vmem>>[vector<16xi32>], vector<16xf32>,
          %parallel_loop3A_633 = arith.cmpf ogt, %parallel_loop3A_631, %parallel_loop3A_632 : vector<16xf32>
          %parallel_loop3A_634 = arith.constant 1.000000e+00 : f32
          %parallel_loop3A_635 = arith.constant 0.000000e+00 : f32
          %parallel_loop3A_636 = vector.broadcast %parallel_loop3A_634 : f32 to vector<16xf32>
          %parallel_loop3A_637 = vector.broadcast %parallel_loop3A_635 : f32 to vector<16xf32>
          %parallel_loop3A_638 = arith.select %parallel_loop3A_633, %parallel_loop3A_636, %parallel_loop3A_637 : vector<16xi1>, vector<16xf32>
          %parallel_loop3A_639 = arith.constant 2 : i32
          %parallel_loop3A_640 = arith.index_cast %parallel_loop3A_639 : i32 to index
          %parallel_loop3A_641 = arith.index_cast %parallel_loop3A_192 : i32 to index
          %parallel_loop3A_642 = arith.constant 112 : index
          %parallel_loop3A_643 = tpu.vector_load %arg15[%parallel_loop3A_640, %parallel_loop3A_641, %parallel_loop3A_642] {strides = array<i32>} : memref<4x32x128xf32, #tpu.memory_space<vmem>>, vector<16xf32>,
          tpu.vector_store %arg15[%parallel_loop3A_640, %parallel_loop3A_641, %parallel_loop3A_642], %parallel_loop3A_638 {strides = array<i32>} : memref<4x32x128xf32, #tpu.memory_space<vmem>>, vector<16xf32>,
          %parallel_loop3A_644 = tpu.vector_load_idx %arg9[%parallel_loop3A_601] : memref<16384xf32, #tpu.memory_space<vmem>>[vector<16xi32>], vector<16xf32>,
          %parallel_loop3A_645 = tpu.vector_load_idx %arg9[%parallel_loop3A_604] : memref<16384xf32, #tpu.memory_space<vmem>>[vector<16xi32>], vector<16xf32>,
          %parallel_loop3A_646 = arith.cmpf ogt, %parallel_loop3A_644, %parallel_loop3A_645 : vector<16xf32>
          %parallel_loop3A_647 = arith.constant 1.000000e+00 : f32
          %parallel_loop3A_648 = arith.constant 0.000000e+00 : f32
          %parallel_loop3A_649 = vector.broadcast %parallel_loop3A_647 : f32 to vector<16xf32>
          %parallel_loop3A_650 = vector.broadcast %parallel_loop3A_648 : f32 to vector<16xf32>
          %parallel_loop3A_651 = arith.select %parallel_loop3A_646, %parallel_loop3A_649, %parallel_loop3A_650 : vector<16xi1>, vector<16xf32>
          %parallel_loop3A_652 = arith.constant 3 : i32
          %parallel_loop3A_653 = arith.index_cast %parallel_loop3A_652 : i32 to index
          %parallel_loop3A_654 = arith.index_cast %parallel_loop3A_192 : i32 to index
          %parallel_loop3A_655 = arith.constant 112 : index
          %parallel_loop3A_656 = tpu.vector_load %arg15[%parallel_loop3A_653, %parallel_loop3A_654, %parallel_loop3A_655] {strides = array<i32>} : memref<4x32x128xf32, #tpu.memory_space<vmem>>, vector<16xf32>,
          tpu.vector_store %arg15[%parallel_loop3A_653, %parallel_loop3A_654, %parallel_loop3A_655], %parallel_loop3A_651 {strides = array<i32>} : memref<4x32x128xf32, #tpu.memory_space<vmem>>, vector<16xf32>,
        } {sc.loop_unroll_factor = 1 : i64, sc.parallel_access}
        %add3A_179 = arith.constant 1 : i32
        %add3A_180 = arith.addi %mul3A_123, %add3A_179 : i32
        %mul3A_181 = arith.constant 128 : i32
        %mul3A_182 = arith.muli %add3A_180, %mul3A_181 : i32
        %dma_start3A_183 = arith.constant 0 : i32
        %dma_start3A_184 = tpu.memref_slice %arg5[%add3A_68, %dma_start3A_183, %mul3A_182] : memref<1024x32x2048xf32, #tpu.memory_space<hbm>> -> memref<4x32x128xf32, #tpu.memory_space<hbm>>
        %dma_start3A_185 = arith.constant 0 : i32
        %dma_start3A_186 = tpu.memref_slice %arg5[%add3A_68, %dma_start3A_185, %mul3A_182] : memref<1024x32x2048xf32, #tpu.memory_space<hbm>> -> memref<4x32x128xf32, #tpu.memory_space<hbm>>
        tpu.enqueue_dma source(%arg15 : memref<4x32x128xf32, #tpu.memory_space<vmem>>) target(%dma_start3A_186 : memref<4x32x128xf32, #tpu.memory_space<hbm>>) target_semaphore(%arg22 : memref<!tpu.dma_semaphore, #tpu.memory_space<semaphore_mem>>)
        %lt3A_187 = arith.constant 7 : i32
        %lt3A_188 = arith.cmpi slt, %scan3A_121, %lt3A_187 : i32
        %convert_element_type3A_189 = arith.extui %lt3A_188 : i1 to i32
        %cond3A_190 = arith.constant 0 : i32
        %cond3A_191 = arith.cmpi ne, %convert_element_type3A_189, %cond3A_190 : i32
        scf.if %cond3A_191 {
          %add3A_192 = arith.constant 1 : i32
          %add3A_193 = arith.addi %mul3A_123, %add3A_192 : i32
          %add3A_194 = arith.constant 2 : i32
          %add3A_195 = arith.addi %add3A_193, %add3A_194 : i32
          %mul3A_196 = arith.constant 128 : i32
          %mul3A_197 = arith.muli %add3A_195, %mul3A_196 : i32
          %dma_start3A_198 = arith.constant 0 : i32
          %dma_start3A_199 = tpu.memref_slice %arg16[%dma_start3A_198, %mul3A_197] : memref<32x2048xi32, #tpu.memory_space<vmem_shared>> -> memref<32x128xi32, #tpu.memory_space<vmem_shared>>
          %dma_start3A_200 = arith.constant 0 : i32
          %dma_start3A_201 = tpu.memref_slice %arg16[%dma_start3A_200, %mul3A_197] : memref<32x2048xi32, #tpu.memory_space<vmem_shared>> -> memref<32x128xi32, #tpu.memory_space<vmem_shared>>
          tpu.enqueue_dma source(%dma_start3A_201 : memref<32x128xi32, #tpu.memory_space<vmem_shared>>) target(%arg12 : memref<32x128xi32, #tpu.memory_space<vmem>>) target_semaphore(%arg20 : memref<!tpu.dma_semaphore, #tpu.memory_space<semaphore_mem>>)
          %mul3A_202 = arith.constant 128 : i32
          %mul3A_203 = arith.muli %add3A_195, %mul3A_202 : i32
          %dma_start3A_204 = arith.constant 0 : i32
          %dma_start3A_205 = tpu.memref_slice %arg17[%dma_start3A_204, %mul3A_203] : memref<32x2048xi32, #tpu.memory_space<vmem_shared>> -> memref<32x128xi32, #tpu.memory_space<vmem_shared>>
          %dma_start3A_206 = arith.constant 0 : i32
          %dma_start3A_207 = tpu.memref_slice %arg17[%dma_start3A_206, %mul3A_203] : memref<32x2048xi32, #tpu.memory_space<vmem_shared>> -> memref<32x128xi32, #tpu.memory_space<vmem_shared>>
          tpu.enqueue_dma source(%dma_start3A_207 : memref<32x128xi32, #tpu.memory_space<vmem_shared>>) target(%arg13 : memref<32x128xi32, #tpu.memory_space<vmem>>) target_semaphore(%arg20 : memref<!tpu.dma_semaphore, #tpu.memory_space<semaphore_mem>>)
        } else {
        }
      }
      %scan3A_104 = arith.constant 8 : i32
      %lt3A = arith.constant 7 : i32
      %lt3A_105 = arith.cmpi slt, %scan3A_65, %lt3A : i32
      %convert_element_type3A_106 = arith.extui %lt3A_105 : i1 to i32
      %cond3A_107 = arith.constant 0 : i32
      %cond3A_108 = arith.cmpi ne, %convert_element_type3A_106, %cond3A_107 : i32
      scf.if %cond3A_108 {
        %add3A_121 = arith.constant 4 : i32
        %add3A_122 = arith.addi %add3A_68, %add3A_121 : i32
        %add3A_123 = arith.constant 0 : i32
        %add3A_124 = arith.addi %add3A_122, %add3A_123 : i32
        %dma_start3A_125 = arith.constant 0 : i32
        %dma_start3A_126 = tpu.memref_slice %arg2[%add3A_124, %dma_start3A_125] : memref<1024x16384xf32, #tpu.memory_space<hbm>> -> memref<1x16384xf32, #tpu.memory_space<hbm>>
        %dma_start3A_127 = tpu.memref_squeeze %dma_start3A_126 : memref<1x16384xf32, #tpu.memory_space<hbm>> -> memref<16384xf32, #tpu.memory_space<hbm>>
        %dma_start3A_128 = arith.constant 0 : i32
        %dma_start3A_129 = tpu.memref_slice %arg2[%add3A_124, %dma_start3A_128] : memref<1024x16384xf32, #tpu.memory_space<hbm>> -> memref<1x16384xf32, #tpu.memory_space<hbm>>
        %dma_start3A_130 = tpu.memref_squeeze %dma_start3A_129 : memref<1x16384xf32, #tpu.memory_space<hbm>> -> memref<16384xf32, #tpu.memory_space<hbm>>
        tpu.enqueue_dma source(%dma_start3A_130 : memref<16384xf32, #tpu.memory_space<hbm>>) target(%arg6 : memref<16384xf32, #tpu.memory_space<vmem>>) target_semaphore(%arg18 : memref<!tpu.dma_semaphore, #tpu.memory_space<semaphore_mem>>)
        %add3A_131 = arith.constant 1 : i32
        %add3A_132 = arith.addi %add3A_122, %add3A_131 : i32
        %dma_start3A_133 = arith.constant 0 : i32
        %dma_start3A_134 = tpu.memref_slice %arg2[%add3A_132, %dma_start3A_133] : memref<1024x16384xf32, #tpu.memory_space<hbm>> -> memref<1x16384xf32, #tpu.memory_space<hbm>>
        %dma_start3A_135 = tpu.memref_squeeze %dma_start3A_134 : memref<1x16384xf32, #tpu.memory_space<hbm>> -> memref<16384xf32, #tpu.memory_space<hbm>>
        %dma_start3A_136 = arith.constant 0 : i32
        %dma_start3A_137 = tpu.memref_slice %arg2[%add3A_132, %dma_start3A_136] : memref<1024x16384xf32, #tpu.memory_space<hbm>> -> memref<1x16384xf32, #tpu.memory_space<hbm>>
        %dma_start3A_138 = tpu.memref_squeeze %dma_start3A_137 : memref<1x16384xf32, #tpu.memory_space<hbm>> -> memref<16384xf32, #tpu.memory_space<hbm>>
        tpu.enqueue_dma source(%dma_start3A_138 : memref<16384xf32, #tpu.memory_space<hbm>>) target(%arg7 : memref<16384xf32, #tpu.memory_space<vmem>>) target_semaphore(%arg18 : memref<!tpu.dma_semaphore, #tpu.memory_space<semaphore_mem>>)
        %add3A_139 = arith.constant 2 : i32
        %add3A_140 = arith.addi %add3A_122, %add3A_139 : i32
        %dma_start3A_141 = arith.constant 0 : i32
        %dma_start3A_142 = tpu.memref_slice %arg2[%add3A_140, %dma_start3A_141] : memref<1024x16384xf32, #tpu.memory_space<hbm>> -> memref<1x16384xf32, #tpu.memory_space<hbm>>
        %dma_start3A_143 = tpu.memref_squeeze %dma_start3A_142 : memref<1x16384xf32, #tpu.memory_space<hbm>> -> memref<16384xf32, #tpu.memory_space<hbm>>
        %dma_start3A_144 = arith.constant 0 : i32
        %dma_start3A_145 = tpu.memref_slice %arg2[%add3A_140, %dma_start3A_144] : memref<1024x16384xf32, #tpu.memory_space<hbm>> -> memref<1x16384xf32, #tpu.memory_space<hbm>>
        %dma_start3A_146 = tpu.memref_squeeze %dma_start3A_145 : memref<1x16384xf32, #tpu.memory_space<hbm>> -> memref<16384xf32, #tpu.memory_space<hbm>>
        tpu.enqueue_dma source(%dma_start3A_146 : memref<16384xf32, #tpu.memory_space<hbm>>) target(%arg8 : memref<16384xf32, #tpu.memory_space<vmem>>) target_semaphore(%arg18 : memref<!tpu.dma_semaphore, #tpu.memory_space<semaphore_mem>>)
        %add3A_147 = arith.constant 3 : i32
        %add3A_148 = arith.addi %add3A_122, %add3A_147 : i32
        %dma_start3A_149 = arith.constant 0 : i32
        %dma_start3A_150 = tpu.memref_slice %arg2[%add3A_148, %dma_start3A_149] : memref<1024x16384xf32, #tpu.memory_space<hbm>> -> memref<1x16384xf32, #tpu.memory_space<hbm>>
        %dma_start3A_151 = tpu.memref_squeeze %dma_start3A_150 : memref<1x16384xf32, #tpu.memory_space<hbm>> -> memref<16384xf32, #tpu.memory_space<hbm>>
        %dma_start3A_152 = arith.constant 0 : i32
        %dma_start3A_153 = tpu.memref_slice %arg2[%add3A_148, %dma_start3A_152] : memref<1024x16384xf32, #tpu.memory_space<hbm>> -> memref<1x16384xf32, #tpu.memory_space<hbm>>
        %dma_start3A_154 = tpu.memref_squeeze %dma_start3A_153 : memref<1x16384xf32, #tpu.memory_space<hbm>> -> memref<16384xf32, #tpu.memory_space<hbm>>
        tpu.enqueue_dma source(%dma_start3A_154 : memref<16384xf32, #tpu.memory_space<hbm>>) target(%arg9 : memref<16384xf32, #tpu.memory_space<vmem>>) target_semaphore(%arg18 : memref<!tpu.dma_semaphore, #tpu.memory_space<semaphore_mem>>)
        %dma_start3A_155 = arith.constant 0 : i32
        %dma_start3A_156 = arith.constant 0 : i32
        %dma_start3A_157 = tpu.memref_slice %arg16[%dma_start3A_155, %dma_start3A_156] : memref<32x2048xi32, #tpu.memory_space<vmem_shared>> -> memref<32x128xi32, #tpu.memory_space<vmem_shared>>
        %dma_start3A_158 = arith.constant 0 : i32
        %dma_start3A_159 = arith.constant 0 : i32
        %dma_start3A_160 = tpu.memref_slice %arg16[%dma_start3A_158, %dma_start3A_159] : memref<32x2048xi32, #tpu.memory_space<vmem_shared>> -> memref<32x128xi32, #tpu.memory_space<vmem_shared>>
        tpu.enqueue_dma source(%dma_start3A_160 : memref<32x128xi32, #tpu.memory_space<vmem_shared>>) target(%arg10 : memref<32x128xi32, #tpu.memory_space<vmem>>) target_semaphore(%arg19 : memref<!tpu.dma_semaphore, #tpu.memory_space<semaphore_mem>>)
        %dma_start3A_161 = arith.constant 0 : i32
        %dma_start3A_162 = arith.constant 0 : i32
        %dma_start3A_163 = tpu.memref_slice %arg17[%dma_start3A_161, %dma_start3A_162] : memref<32x2048xi32, #tpu.memory_space<vmem_shared>> -> memref<32x128xi32, #tpu.memory_space<vmem_shared>>
        %dma_start3A_164 = arith.constant 0 : i32
        %dma_start3A_165 = arith.constant 0 : i32
        %dma_start3A_166 = tpu.memref_slice %arg17[%dma_start3A_164, %dma_start3A_165] : memref<32x2048xi32, #tpu.memory_space<vmem_shared>> -> memref<32x128xi32, #tpu.memory_space<vmem_shared>>
        tpu.enqueue_dma source(%dma_start3A_166 : memref<32x128xi32, #tpu.memory_space<vmem_shared>>) target(%arg11 : memref<32x128xi32, #tpu.memory_space<vmem>>) target_semaphore(%arg19 : memref<!tpu.dma_semaphore, #tpu.memory_space<semaphore_mem>>)
        %dma_start3A_167 = arith.constant 0 : i32
        %dma_start3A_168 = arith.constant 128 : i32
        %dma_start3A_169 = tpu.memref_slice %arg16[%dma_start3A_167, %dma_start3A_168] : memref<32x2048xi32, #tpu.memory_space<vmem_shared>> -> memref<32x128xi32, #tpu.memory_space<vmem_shared>>
        %dma_start3A_170 = arith.constant 0 : i32
        %dma_start3A_171 = arith.constant 128 : i32
        %dma_start3A_172 = tpu.memref_slice %arg16[%dma_start3A_170, %dma_start3A_171] : memref<32x2048xi32, #tpu.memory_space<vmem_shared>> -> memref<32x128xi32, #tpu.memory_space<vmem_shared>>
        tpu.enqueue_dma source(%dma_start3A_172 : memref<32x128xi32, #tpu.memory_space<vmem_shared>>) target(%arg12 : memref<32x128xi32, #tpu.memory_space<vmem>>) target_semaphore(%arg20 : memref<!tpu.dma_semaphore, #tpu.memory_space<semaphore_mem>>)
        %dma_start3A_173 = arith.constant 0 : i32
        %dma_start3A_174 = arith.constant 128 : i32
        %dma_start3A_175 = tpu.memref_slice %arg17[%dma_start3A_173, %dma_start3A_174] : memref<32x2048xi32, #tpu.memory_space<vmem_shared>> -> memref<32x128xi32, #tpu.memory_space<vmem_shared>>
        %dma_start3A_176 = arith.constant 0 : i32
        %dma_start3A_177 = arith.constant 128 : i32
        %dma_start3A_178 = tpu.memref_slice %arg17[%dma_start3A_176, %dma_start3A_177] : memref<32x2048xi32, #tpu.memory_space<vmem_shared>> -> memref<32x128xi32, #tpu.memory_space<vmem_shared>>
        tpu.enqueue_dma source(%dma_start3A_178 : memref<32x128xi32, #tpu.memory_space<vmem_shared>>) target(%arg13 : memref<32x128xi32, #tpu.memory_space<vmem>>) target_semaphore(%arg20 : memref<!tpu.dma_semaphore, #tpu.memory_space<semaphore_mem>>)
      } else {
      }
      %dma_wait3A_109 = arith.constant 0 : i32
      %dma_wait3A_110 = arith.constant 1792 : i32
      %dma_wait3A_111 = tpu.memref_slice %arg5[%add3A_68, %dma_wait3A_109, %dma_wait3A_110] : memref<1024x32x2048xf32, #tpu.memory_space<hbm>> -> memref<4x32x128xf32, #tpu.memory_space<hbm>>
      %dma_wait3A_112 = arith.constant 0 : i32
      %dma_wait3A_113 = arith.constant 1792 : i32
      %dma_wait3A_114 = tpu.memref_slice %arg5[%add3A_68, %dma_wait3A_112, %dma_wait3A_113] : memref<1024x32x2048xf32, #tpu.memory_space<hbm>> -> memref<4x32x128xf32, #tpu.memory_space<hbm>>
      tpu.wait_dma2 semaphore(%arg21 : memref<!tpu.dma_semaphore, #tpu.memory_space<semaphore_mem>>) src(%arg14 : memref<4x32x128xf32, #tpu.memory_space<vmem>>) dst(%dma_wait3A_114 : memref<4x32x128xf32, #tpu.memory_space<hbm>>)
      %dma_wait3A_115 = arith.constant 0 : i32
      %dma_wait3A_116 = arith.constant 1920 : i32
      %dma_wait3A_117 = tpu.memref_slice %arg5[%add3A_68, %dma_wait3A_115, %dma_wait3A_116] : memref<1024x32x2048xf32, #tpu.memory_space<hbm>> -> memref<4x32x128xf32, #tpu.memory_space<hbm>>
      %dma_wait3A_118 = arith.constant 0 : i32
      %dma_wait3A_119 = arith.constant 1920 : i32
      %dma_wait3A_120 = tpu.memref_slice %arg5[%add3A_68, %dma_wait3A_118, %dma_wait3A_119] : memref<1024x32x2048xf32, #tpu.memory_space<hbm>> -> memref<4x32x128xf32, #tpu.memory_space<hbm>>
      tpu.wait_dma2 semaphore(%arg22 : memref<!tpu.dma_semaphore, #tpu.memory_space<semaphore_mem>>) src(%arg15 : memref<4x32x128xf32, #tpu.memory_space<vmem>>) dst(%dma_wait3A_120 : memref<4x32x128xf32, #tpu.memory_space<hbm>>)
    }
    %scan3A_64 = arith.constant 8 : i32
    return
  }
}

</mosaic_0001>

<sc_bundles>
// kernel: kernel.3.cloned.1.call-start
scs
__scs_entry_jumppad:
0x0: {  	(pc) =	sbr.rel $0x88, $3  }
0x1: {  	(tag) =	ssettag $0x0;
	lr =	simm.s32 $0x1  }
0x2: {  	[smem:$0x3F9E] =	sst lr;
	_ =	strace $0xD0000000  }
0x3: {  	_ = 	snop  }
0x4: {  	_ = 	snop  }
0x5: {  	_ = 	snop  }
0x6: {  	_ = 	snop  }
0x7: {  	_ = 	snop  }
__scs_overlays_trampoline_lowered:
0x8: {  	[smem:$0x3FAD] =	sst s0  }
0x9: {  	[smem:$0x3FAE] =	sst s1  }
0xa: {  	[smem:$0x3FAF] =	sst s2  }
0xb: {  	[smem:$0x3FB0] =	sst s3  }
0xc: {  	[smem:$0x3FB1] =	sst s4  }
0xd: {  	[smem:$0x3FB2] =	sst s5  }
0xe: {  	[smem:$0x3FB3] =	sst s6  }
0xf: {  	[smem:$0x3FB4] =	sst s7  }
0x10: {  	[smem:$0x3FB5] =	sst s8  }
0x11: {  	[smem:$0x3FB6] =	sst s9;
	s0 =	simm.s32 @!p0 $0x0  }
0x12: {  	s1 =	sld [smem:$0x3F9C];
	s0 =	simm.s32 @p0 $0x1  }
0x13: {  	[smem:$0x3FB7] =	sst s0;
	s0 =	simm.s32 @!p1 $0x0  }
0x14: {  	s2 =	sld [smem:$0x3F9B];
	s0 =	simm.s32 @p1 $0x1  }
0x15: {  	[smem:$0x3FB8] =	sst s0;
	s0 =	simm.s32 @!p2 $0x0  }
0x16: {  	s3 =	sld [smem:$0x3FDB];
	s0 =	simm.s32 @p2 $0x1  }
0x17: {  	s4 =	simm.s32 $0x1BF5;
	[smem:$0x3FBA] =	sst s0  }
0x18: {  	s0 =	sld [smem:$0x3F9D];
	_ =	swait.ge [sflag:s4], $0x0  }
0x19: {  	s7 =	sld [smem:$0x3F9E]  }
0x1a: {  	s8 =	sadd.s32 $0xFFFFE003, lr  }
0x1b: {  	s9 =	sadd.s32 $0xFFFFFEF7, lr;
	s5 =	simm.s32 $0xFFFFFFFF;
	p2 =	slt.u32 s8, $0xFFFFF086  }
0x1c: {  	p1 =	slt.u32 s9, $0xF7A;
	s5 =	simm.s32 @!p2 $0x0  }
0x1d: {  	s5 =	simm.s32 @p1 $0x1;
	p0 =	seq.s32 s7, s2  }
0x1e: {  	s7 =	smul.u32 @!p0 $0xF7A, s2;
	p2 =	seq.s32 @!p0 s5, $0x0  }
0x1f: {  	s9 =	smul.u32 $0xF7A, s1;
	s8 =	simm.s32 @!p0 $0x1BF5;
	p2 =	por !p2, p0  }
0x20: {  	[sflag:s8] =	ssyncset.s32 @!p0 $0xFFFFF086;
	s6 =	sadd.s32 @!p0 s3, s7;
	s7 =	simm.s32 @!p0 $0x108  }
0x21: {  	s3 =	sadd.s32 s3, s9;
	s6 =	sadd.s32 @!p0 $0x88, s6;
	s7 =	simm.s32 @p2 $0x1082  }
0x22: {  	[simem:s7], [sflag:s8] =	dma.local @!p0 [hbm:s6], $0xF7A  }
0x23: {  	s9 =	sor.u32 $0xD0000000, s2;
	s6 =	simm.s32 $0x108;
	_ =	swait.ge @!p0 [sflag:s8], $0x0  }
0x24: {  	s3 =	sadd.s32 $0x88, s3;
	s6 =	simm.s32 @!p1 $0x1082;
	[sflag:s4] =	ssyncset.s32 $0xFFFFF086  }
0x25: {  	[simem:s6], [sflag:s4] =	dma.local [hbm:s3], $0xF7A  }
0x26: {  	[smem:$0x3F9E] =	sst s1;
	(tag) =	ssettag s2;
	_ =	strace s9  }
0x27: {  	s1 =	sld [smem:$0x3FAE]  }
0x28: {  	s2 =	sld [smem:$0x3FAF]  }
0x29: {  	s4 =	sld [smem:$0x3FB1]  }
0x2a: {  	p0 =	seq.s32 s5, $0x0;
	s5 =	sld [smem:$0x3FB2]  }
0x2b: {  	s6 =	sld [smem:$0x3FB3]  }
0x2c: {  	s7 =	sld [smem:$0x3FB4]  }
0x2d: {  	s3 =	simm.s32 $0x108;
	s8 =	sld [smem:$0x3FB5]  }
0x2e: {  	s3 =	simm.s32 @!p0 $0x1082;
	s9 =	sld [smem:$0x3FB6]  }
0x2f: {  	lr =	sadd.s32 s0, s3;
	s0 =	sld [smem:$0x3FAD]  }
0x30: {  	s3 =	sld [smem:$0x3FB0]  }
0x31: {  	[smem:$0x3FB9] =	sst s10  }
0x32: {  	s10 =	sld [smem:$0x3FB7];
	_ =	sdelay $0x3  }
0x33: {  	p0 =	seq.s32 s10, $0x1;
	s10 =	sld [smem:$0x3FB9];
	_ =	sdelay $0x3  }
0x34: {  	[smem:$0x3FB9] =	sst s10  }
0x35: {  	s10 =	sld [smem:$0x3FB8];
	_ =	sdelay $0x3  }
0x36: {  	p1 =	seq.s32 s10, $0x1;
	s10 =	sld [smem:$0x3FB9];
	_ =	sdelay $0x3  }
0x37: {  	[smem:$0x3FB9] =	sst s10  }
0x38: {  	s10 =	sld [smem:$0x3FBA]  }
0x39: {  	_ = 	snop;
	(pc) =	sbr.ind lr, $3  }
0x3a: {  	_ = 	snop  }
0x3b: {  	_ = 	snop  }
0x3c: {  	p2 =	seq.s32 s10, $0x1;
	s10 =	sld [smem:$0x3FB9]  }
0x3d: {  	_ =	shalt  }
0x3e: {  	_ =	shalt  }
0x3f: {  	_ =	shalt  }
0x40: {  	_ =	shalt  }
0x41: {  	_ =	shalt  }
0x42: {  	_ =	shalt  }
0x43: {  	_ =	shalt  }
0x44: {  	_ =	shalt  }
0x45: {  	_ =	shalt  }
0x46: {  	_ =	shalt  }
0x47: {  	_ =	shalt  }
0x48: {  	_ =	shalt  }
0x49: {  	_ =	shalt  }
0x4a: {  	_ =	shalt  }
0x4b: {  	_ =	shalt  }
0x4c: {  	_ =	shalt  }
0x4d: {  	_ =	shalt  }
0x4e: {  	_ =	shalt  }
0x4f: {  	_ =	shalt  }
0x50: {  	_ =	shalt  }
0x51: {  	_ =	shalt  }
0x52: {  	_ =	shalt  }
0x53: {  	_ =	shalt  }
0x54: {  	_ =	shalt  }
0x55: {  	_ =	shalt  }
0x56: {  	_ =	shalt  }
0x57: {  	_ =	shalt  }
0x58: {  	_ =	shalt  }
0x59: {  	_ =	shalt  }
0x5a: {  	_ =	shalt  }
0x5b: {  	_ =	shalt  }
0x5c: {  	_ =	shalt  }
0x5d: {  	_ =	shalt  }
0x5e: {  	_ =	shalt  }
0x5f: {  	_ =	shalt  }
0x60: {  	_ =	shalt  }
0x61: {  	_ =	shalt  }
0x62: {  	_ =	shalt  }
0x63: {  	_ =	shalt  }
0x64: {  	_ =	shalt  }
0x65: {  	_ =	shalt  }
0x66: {  	_ =	shalt  }
0x67: {  	_ =	shalt  }
0x68: {  	_ =	shalt  }
0x69: {  	_ =	shalt  }
0x6a: {  	_ =	shalt  }
0x6b: {  	_ =	shalt  }
0x6c: {  	_ =	shalt  }
0x6d: {  	_ =	shalt  }
0x6e: {  	_ =	shalt  }
0x6f: {  	_ =	shalt  }
0x70: {  	_ =	shalt  }
0x71: {  	_ =	shalt  }
0x72: {  	_ =	shalt  }
0x73: {  	_ =	shalt  }
0x74: {  	_ =	shalt  }
0x75: {  	_ =	shalt  }
0x76: {  	_ =	shalt  }
0x77: {  	_ =	shalt  }
0x78: {  	_ =	shalt  }
0x79: {  	_ =	shalt  }
0x7a: {  	_ =	shalt  }
0x7b: {  	_ =	shalt  }
0x7c: {  	_ =	shalt  }
0x7d: {  	_ =	shalt  }
0x7e: {  	_ =	shalt  }
0x7f: {  	_ =	shalt  }
0x80: {  	_ =	shalt  }
0x81: {  	_ =	shalt  }
0x82: {  	_ =	shalt  }
0x83: {  	_ =	shalt  }
0x84: {  	_ =	shalt  }
0x85: {  	_ =	shalt  }
0x86: {  	_ =	shalt  }
0x87: {  	_ =	shalt  }
.Lfunc_end0:
.L_simem_size_0:
called_computation_lowered:
.L_overlay_start_0:
0x88: {  	s2 =	sld [smem:$0x3FD9]  }
0x89: {  	s3 =	sld [smem:$0x3FFE];
	_ =	sdelay $0x1  }
0x8a: {  	s1 =	srdreg.scid  }
0x8b: {  	s0 =	sand.u32 $0x1, s1  }
0x8c: {  	s18 =	sshll.u32 s0, $0xA;
	s2 =	sadd.s32 s3, s2  }
0x8d: {  	s2 =	sadd.s32 s2, s18  }
0x8e: {  	[smem:$0x3FC5] =	sst s2  }
0x8f: {  	_ = 	snop  }
0x90: {  	s2 =	sld [smem:$0x3FC9]  }
0x91: {  	s19 =	sld [smem:$0x3FC8]  }
0x92: {  	s4 =	sld [smem:$0x3FC7]  }
0x93: {  	s5 =	sld [smem:$0x3FD0];
	(tm) =	ssettm $0x1  }
0x94: {  	s6 =	sld [smem:$0x3FFB];
	_ =	sdelay $0x3  }
0x95: {  	_ =	strace s6  }
0x96: {  	s6 =	sld [smem:$0x3FFC];
	_ =	sdelay $0x3  }
0x97: {  	_ =	strace s6  }
0x98: {  	s6 =	sld [smem:$0x3FFD];
	_ =	sdelay $0x3  }
0x99: {  	_ =	strace s6  }
0x9a: {  	_ =	strace $0x8FFFFFFF  }
0x9b: {  	s20 =	sld [smem:$0x3FDB];
	_ =	sdelay $0x1  }
0x9c: {  	s7 =	simm.s32 $_scs_section_size  }
0x9d: {  	s8 =	simm.s32 $_size__tile_overlayer_lowered;
	s9 =	simm.s32 $_tile_overlayer_lowered  }
0x9e: {  	s23 =	simm.s32 $0x1BFF;
	s22 =	sshll.u32 s9, $0x1;
	s6 =	sadd.s32 s7, s20  }
0x9f: {  	s10 =	simm.s32 $0x0;
	s21 =	sshll.u32 s8, $0x1;
	s8 =	sadd.s32 s22, s6  }
0xa0: {  	[timem:s10], [sflag:s23] =	dma.local [hbm:s8], s21  }
0xa1: {  	_ =	swait.ge [sflag:s23], s21  }
0xa2: {  	s7 =	ssub.s32 $0x0, s21;
	[sflag:s23] =	ssyncset.done $0x0  }
0xa3: {  	[sflag:s23] =	ssyncadd.s32 s7;
	_ =	sdelay $0x1  }
0xa4: {  	s24 =	simm.s32 $0x1B8B  }
0xa5: {  	_ =	swait.ge [sflag:s24], $0x1  }
0xa6: {  	[sflag:s24] =	ssyncset.done $0x0  }
0xa7: {  	s25 =	simm.s32 $0x1B8E;
	[sflag:s24] =	ssyncadd.s32 $0xFFFFFFFF  }
0xa8: {  	s26 =	simm.s32 $execute0_lowered;
	[smem:$0x3FD2] =	sst s25  }
0xa9: {  	s7 =	sshll.u32 s26, $0x1;
	_ =	strace $0x80000046;
	[dreg:$0x1] =	wrdreg $0xFFFFFFFF  }
0xaa: {  	s28 =	simm.s32 $_size_execute0_lowered;
	s6 =	sadd.s32 s6, s7;
	[dreg:$0x0] =	wrdreg $0x0  }
0xab: {  	s7 =	sshll.u32 s28, $0x1;
	[dreg:$0x2] =	wrdreg s6  }
0xac: {  	[dreg:$0x3] =	wrdreg s7  }
0xad: {  	[dreg:$0x4] =	wrdreg $0xC0  }
0xae: {  	_ =	task [dreg:s10], $0x5FFFF  }
0xaf: {  	[dreg:$0x1] =	wrdreg $0xFFFFFFFF  }
0xb0: {  	[dreg:$0x0] =	wrdreg $0x60  }
0xb1: {  	[dreg:$0x2] =	wrdreg s2  }
0xb2: {  	[dreg:$0x3] =	wrdreg s19  }
0xb3: {  	[dreg:$0x4] =	wrdreg s4  }
0xb4: {  	[dreg:$0x5] =	wrdreg s5  }
0xb5: {  	[dreg:$0x6] =	wrdreg $0x1C0000  }
0xb6: {  	[dreg:$0x7] =	wrdreg $0x1D0000  }
0xb7: {  	[dreg:$0x8] =	wrdreg $0x9  }
0xb8: {  	_ =	task.clear_ibuf [dreg:s10], $0x9FFFF;
	_ =	strace $0x90000046  }
0xb9: {  	s29 =	simm.s32 $0x9;
	_ =	strace $0x80000048  }
0xba: {  	_ =	swait.ge [sflag:s29], $0x1  }
0xbb: {  	[sflag:s29] =	ssyncadd.s32 $0xFFFFFFFF  }
0xbc: {  	_ =	strace $0x90000048  }
0xbd: {  	_ =	sfence  }
0xbe: {  	s30 =	sld [smem:$0x0];
	_ =	sdelay $0x2  }
0xbf: {  	s31 =	sshll.u32 s1, $0xD;
	s1 =	sshrl.u32 s1, $0x2  }
0xc0: {  	s3 =	sand.u32 $0x4000, s31;
	s1 =	sadd.s32 s1, s30  }
0xc1: {  	s0 =	sor.u32 s3, s0;
	s1 =	sshll.u32 s1, $0x11  }
0xc2: {  	s0 =	sor.u32 s1, s0  }
0xc3: {  	s0 =	sadd.s32 $0x8F2B, s0  }
0xc4: {  	[sflag:s0] =	ssyncadd.remote.s32 $0x1  }
0xc5: {  	_ =	sfence.sel $0xFFFF  }
0xc6: {  	[dreg:$0x0] =	wrdreg $0xFFFFFFFF;
	(pc) =	sbr.abs _section_cstart, $3  }
0xc7: {  	[dreg:$0x1] =	wrdreg $0xFFFFFFFF  }
0xc8: {  	_ =	task.clear_ibuf [dreg:s10], $0x2FFFF;
	_ =	strace $0x9FFFFFFF  }
0xc9: {  	(tm) =	ssettm $0x7FFFFFFF  }
tec
execute0_lowered:
.L_overlay_start_1:
0x0: {  	(tag) =	ssettag $0x1  }
0x1: {  	s0 =	rddreg [dreg:$0x0]  }
0x2: {  	s3 =	rddreg [dreg:$0x3]  }
0x3: {  	s1 =	srdreg.scid;
	s4 =	rddreg [dreg:$0x4]  }
0x4: {  	s2 =	stileid.u32;
	s6 =	rddreg [dreg:$0x5]  }
0x5: {  	s7 =	simm.s32 $0x0;
	s19 =	simm.s32 $0x400;
	s20 =	simm.s32 $0x4000  }
0x6: {  	s21 =	simm.s32 $0x8000;
	s22 =	simm.s32 $0xC000;
	s28 =	simm.s32 $0x1  }
0x7: {  	s29 =	simm.s32 $0x2;
	s30 =	simm.s32 $0x14000;
	s31 =	simm.s32 $0x3  }
0x8: {  	s9 =	simm.s32 $0x0;
	s1 =	sand.u32 $0x1, s1;
	s5 =	sshll.u32 s2, $0x6  }
0x9: {  	[smem:$0x7FF] =	sst s7;
	s8 =	sshll.u32 s1, $0x5;
	s1 =	ssub.s32 $0x2, s1  }
0xa: {  	s26 =	sadd.s32 $0x400, s4;
	s5 =	sor.u32 s8, s5;
	s23 =	sshrl.u32 s1, $0x1  }
0xb: {  	[dreg:$0x7] =	wrdreg s5;
	s5 =	sshll.u32 s5, $0xB;
	s1 =	ssub.s32 s1, s23  }
0xc: {  	_ =	strace $0x80000047;
	s5 =	sadd.s32 s0, s5;
	[dreg:$0xc] =	wrdreg s26  }
0xd: {  	p0 =	sne.s32 s2, $0x0;
	s1 =	smax.u32 s1, $0x1;
	[dreg:$0x8] =	wrdreg s5  }
0xe: {  	s14 =	sadd.s32 $0x400, s6;
	s24 =	sadd.s32 $0x10, s5;
	[dreg:$0xd] =	wrdreg s1  }
.Ltmp0:
0xf: {  	s25 =	sadd.s32 $0x20, s5;
	[dreg:$0x9] =	wrdreg s24;
	(pc) =	sbr.rel .LBB2_1-.Ltmp0, $4  }
0x10: {  	s2 =	simm.s32 $0x5;
	s5 =	sadd.s32 $0x30, s5;
	[dreg:$0xa] =	wrdreg s25  }
0x11: {  	s26 =	simm.s32 $0x13000;
	s1 =	sshrl.u32 @!p0 s4, $0x3;
	[dreg:$0xb] =	wrdreg s5  }
0x12: {  	[dreg:$0xe] =	wrdreg s1;
	s1 =	sshrl.u32 @!p0 s6, $0x3;
	s25 =	simm.s32 $0x12000  }
0x13: {  	v0 =	vimm.f32 $0.0e+00;
	s5 =	simm.s32 $0x18000;
	[dreg:$0xf] =	wrdreg s1;
	s1 =	simm.s32 $0x4  }
.LBB2_10:
0x14: {  	s9 =	rddreg [dreg:$0x10]  }
0x15: {  	s8 =	rddreg [dreg:$0xd];
	s9 =	sadd.s32 $0x1, s9  }
0x16: {  	p1 =	sne.s32 s9, s8  }
.Ltmp1:
0x17: {  	_ = 	snop;
	(pc) =	sbr.rel @!p1 .LBB2_11-.Ltmp1, $1  }
0x18: {  	_ =	sdelay $0x3  }
.LBB2_1:
0x19: {  	[dreg:$0x10] =	wrdreg s9  }
0x1a: {  	s9 =	rddreg [dreg:$0x1]  }
0x1b: {  	s8 =	simm.s32 @!p0 $0x1C06;
	s10 =	rddreg [dreg:$0xe]  }
0x1c: {  	[spmem:s10], [sflag:s8] =	dma.local @!p0 [hbm:s9], $0x2000  }
0x1d: {  	s9 =	simm.s32 @!p0 $0x6  }
0x1e: {  	_ =	swait.ge @!p0 [sflag:s9], $0x2000  }
0x1f: {  	[sflag:s9] =	ssyncset.done @!p0 $0x0  }
0x20: {  	s11 =	rddreg [dreg:$0xf];
	[sflag:s9] =	ssyncadd.s32 @!p0 $0xFFFFE000  }
0x21: {  	s10 =	rddreg [dreg:$0x2]  }
0x22: {  	[spmem:s11], [sflag:s8] =	dma.local @!p0 [hbm:s10], $0x2000  }
0x23: {  	_ =	swait.ge @!p0 [sflag:s9], $0x2000  }
0x24: {  	[sflag:s9] =	ssyncset.done @!p0 $0x0  }
0x25: {  	[sflag:s9] =	ssyncadd.s32 @!p0 $0xFFFFE000  }
0x26: {  	[bflag:$0x0] =	sbarrier.arrive $0xFFFF  }
0x27: {  	s13 =	simm.s32 $0x80;
	s12 =	rddreg [dreg:$0x8]  }
0x28: {  	[tilespmem:s7], [sflag:$0x1] =	stream.strided.gather [hbm4b:s12+s13], $0x4000, s19, s13, $0x38;
	[tilespmem:$0x1E000] =	vst v63  }
0x29: {  	s15 =	rddreg [dreg:$0x9]  }
0x2a: {  	[tilespmem:s20], [sflag:$0x1] =	stream.strided.gather [hbm4b:s15+s13], $0x4000, s19, s13, $0x38;
	[tilespmem:$0x1E000] =	vst v63  }
0x2b: {  	s16 =	rddreg [dreg:$0xa]  }
0x2c: {  	[tilespmem:s21], [sflag:$0x1] =	stream.strided.gather [hbm4b:s16+s13], $0x4000, s19, s13, $0x38;
	[tilespmem:$0x1E000] =	vst v63  }
0x2d: {  	s17 =	rddreg [dreg:$0xb]  }
0x2e: {  	[tilespmem:s22], [sflag:$0x1] =	stream.strided.gather [hbm4b:s17+s13], $0x4000, s19, s13, $0x38;
	[tilespmem:$0x1E000] =	vst v63  }
0x2f: {  	s18 =	simm.s32 $0x10000  }
0x30: {  	[tilespmem:s18], [sflag:$0x2] =	stream.strided.gather [spmem:s4], $0x1000, s20, s19, $0x38;
	[tilespmem:$0x1E000] =	vst v63  }
0x31: {  	s23 =	simm.s32 $0x11000  }
0x32: {  	[tilespmem:s23], [sflag:$0x2] =	stream.strided.gather [spmem:s6], $0x1000, s20, s19, $0x38;
	[tilespmem:$0x1E000] =	vst v63  }
.Ltmp2:
0x33: {  	_ = 	snop;
	(pc) =	sbr.rel .LBB2_2-.Ltmp2, $4  }
0x34: {  	s24 =	rddreg [dreg:$0xc]  }
0x35: {  	[tilespmem:s25], [sflag:$0x3] =	stream.strided.gather [spmem:s24], $0x1000, s20, s19, $0x38;
	[tilespmem:$0x1E000] =	vst v63  }
0x36: {  	s24 =	simm.s32 $0x0  }
0x37: {  	[tilespmem:s26], [sflag:$0x3] =	stream.strided.gather [spmem:s14], $0x1000, s20, s19, $0x38;
	[tilespmem:$0x1E000] =	vst v63  }
.LBB2_9:
0x38: {  	p1 =	seq.s32 s24, $0x7  }
0x39: {  	s8 =	sadd.s32 @!p1 $0x4, s10  }
0x3a: {  	s9 =	sshll.u32 @!p1 s8, $0x4  }
0x3b: {  	s8 =	sshll.u32 @!p1 s8, $0xB;
	s9 =	sand.u32 @!p1 $0x40, s9  }
0x3c: {  	s11 =	simm.s32 @!p1 $0x400;
	s8 =	sand.u32 @!p1 $0xFFFC000, s8;
	s9 =	sadd.s32 @!p1 s0, s9  }
0x3d: {  	s12 =	simm.s32 @!p1 $0x0;
	s8 =	sadd.s32 @!p1 s8, s9;
	s9 =	simm.s32 @!p1 $0x80  }
0x3e: {  	[tilespmem:s12], [sflag:$0x1] =	stream.strided.gather @!p1 [hbm4b:s8+s9], $0x4000, s11, s9, $0x38;
	[tilespmem:$0x1E000] =	vst v63  }
0x3f: {  	s8 =	sadd.s32 @!p1 $0x5, s10  }
0x40: {  	s12 =	sshll.u32 @!p1 s8, $0x4  }
0x41: {  	s8 =	sshll.u32 @!p1 s8, $0xB;
	s12 =	sand.u32 @!p1 $0x50, s12  }
0x42: {  	s8 =	sand.u32 @!p1 $0xFFFC000, s8;
	s12 =	sadd.s32 @!p1 s0, s12  }
0x43: {  	s8 =	sadd.s32 @!p1 s8, s12;
	s12 =	simm.s32 @!p1 $0x4000  }
0x44: {  	[tilespmem:s12], [sflag:$0x1] =	stream.strided.gather @!p1 [hbm4b:s8+s9], $0x4000, s11, s9, $0x38;
	[tilespmem:$0x1E000] =	vst v63  }
0x45: {  	s8 =	sadd.s32 @!p1 $0x6, s10  }
0x46: {  	s13 =	sshll.u32 @!p1 s8, $0x4  }
0x47: {  	s8 =	sshll.u32 @!p1 s8, $0xB;
	s13 =	sand.u32 @!p1 $0x60, s13  }
0x48: {  	s8 =	sand.u32 @!p1 $0xFFFC000, s8;
	s13 =	sadd.s32 @!p1 s0, s13  }
0x49: {  	s8 =	sadd.s32 @!p1 s8, s13;
	s13 =	simm.s32 @!p1 $0x8000  }
0x4a: {  	[tilespmem:s13], [sflag:$0x1] =	stream.strided.gather @!p1 [hbm4b:s8+s9], $0x4000, s11, s9, $0x38;
	[tilespmem:$0x1E000] =	vst v63  }
0x4b: {  	s8 =	sadd.s32 @!p1 $0x7, s10  }
0x4c: {  	s10 =	sshll.u32 @!p1 s8, $0x4  }
0x4d: {  	s8 =	sshll.u32 @!p1 s8, $0xB;
	s10 =	sand.u32 @!p1 $0x70, s10  }
0x4e: {  	s8 =	sand.u32 @!p1 $0xFFFC000, s8;
	s10 =	sadd.s32 @!p1 s0, s10  }
0x4f: {  	s8 =	sadd.s32 @!p1 s8, s10;
	s10 =	simm.s32 @!p1 $0xC000  }
0x50: {  	[tilespmem:s10], [sflag:$0x1] =	stream.strided.gather @!p1 [hbm4b:s8+s9], $0x4000, s11, s9, $0x38;
	[tilespmem:$0x1E000] =	vst v63  }
0x51: {  	s8 =	simm.s32 @!p1 $0x10000  }
0x52: {  	[tilespmem:s8], [sflag:$0x2] =	stream.strided.gather @!p1 [spmem:s4], $0x1000, s12, s11, $0x38;
	[tilespmem:$0x1E000] =	vst v63  }
0x53: {  	s8 =	simm.s32 @!p1 $0x11000  }
0x54: {  	[tilespmem:s8], [sflag:$0x2] =	stream.strided.gather @!p1 [spmem:s6], $0x1000, s12, s11, $0x38;
	[tilespmem:$0x1E000] =	vst v63  }
0x55: {  	s9 =	rddreg [dreg:$0xc];
	s8 =	simm.s32 @!p1 $0x12000  }
0x56: {  	[tilespmem:s8], [sflag:$0x3] =	stream.strided.gather @!p1 [spmem:s9], $0x1000, s12, s11, $0x38;
	[tilespmem:$0x1E000] =	vst v63  }
0x57: {  	s24 =	sadd.s32 $0x1, s24;
	s8 =	simm.s32 @!p1 $0x13000  }
0x58: {  	[tilespmem:s8], [sflag:$0x3] =	stream.strided.gather @!p1 [spmem:s14], $0x1000, s12, s11, $0x38;
	[tilespmem:$0x1E000] =	vst v63  }
0x59: {  	p1 =	sne.s32 s24, $0x8;
	_ =	swait.ge [sflag:s1], $0x4000  }
.Ltmp3:
0x5a: {  	[sflag:s1] =	ssyncset.done $0x0;
	(pc) =	sbr.rel @!p1 .LBB2_10-.Ltmp3, $4  }
0x5b: {  	[sflag:s1] =	ssyncadd.s32 $0xFFFFC000  }
0x5c: {  	_ =	swait.ge [sflag:s2], $0x4000  }
0x5d: {  	[sflag:s2] =	ssyncset.done $0x0  }
0x5e: {  	[sflag:s2] =	ssyncadd.s32 $0xFFFFC000  }
.LBB2_2:
0x5f: {  	_ =	swait.ge [sflag:s28], $0x4000  }
0x60: {  	[sflag:s28] =	ssyncset.done $0x0  }
0x61: {  	[sflag:s28] =	ssyncadd.s32 $0xFFFFC000  }
0x62: {  	_ =	swait.ge [sflag:s28], $0x4000  }
0x63: {  	[sflag:s28] =	ssyncset.done $0x0  }
0x64: {  	[sflag:s28] =	ssyncadd.s32 $0xFFFFC000  }
0x65: {  	_ =	swait.ge [sflag:s28], $0x4000  }
0x66: {  	[sflag:s28] =	ssyncset.done $0x0  }
0x67: {  	[sflag:s28] =	ssyncadd.s32 $0xFFFFC000  }
0x68: {  	_ =	swait.ge [sflag:s28], $0x4000  }
0x69: {  	s8 =	sshll.u32 s24, $0x2;
	s9 =	rddreg [dreg:$0x7]  }
0x6a: {  	[sflag:s28] =	ssyncset.done $0x0;
	s10 =	sadd.s32 s9, s8  }
0x6b: {  	s12 =	simm.s32 $0x0;
	[sflag:s28] =	ssyncadd.s32 $0xFFFFC000;
	s11 =	sshll.u32 s10, $0x10  }
.LBB2_3:
0x6c: {  	_ =	swait.ge [sflag:s29], $0x1000  }
0x6d: {  	[sflag:s29] =	ssyncset.done $0x0  }
0x6e: {  	[sflag:s29] =	ssyncadd.s32 $0xFFFFF000  }
0x6f: {  	_ =	swait.ge [sflag:s29], $0x1000  }
0x70: {  	p1 =	seq.s32 s12, $0x0;
	[sflag:s29] =	ssyncset.done $0x0  }
0x71: {  	s8 =	simm.s32 @!p1 $0x4;
	[sflag:s29] =	ssyncadd.s32 $0xFFFFF000  }
0x72: {  	_ =	swait.ge @!p1 [sflag:s8], $0x4000  }
0x73: {  	[sflag:s8] =	ssyncset.done @!p1 $0x0  }
0x74: {  	s16 =	simm.s32 $0x0;
	[sflag:s8] =	ssyncadd.s32 @!p1 $0xFFFFC000  }
0x75: {  	v1 =	vld [tilespmem:s16+$0x10000]  }
0x76: {  	v2 =	vld [tilespmem:s16+$0x11000];
	_ =	sdelay $0x6  }
0x77: {  	v3 =	vld.idx.msk [tilespmem:v1+s7+$0x0], $0xffff  }
0x78: {  	v4 =	vld.idx.msk [tilespmem:v2+s7+$0x0], $0xffff;
	_ =	sdelay $0x4  }
0x79: {  	vm0 =	vgt.f32 v3, v4  }
0x7a: {  	v3 =	vsel vm0, $0x3F800000, v0  }
0x7b: {  	[tilespmem:s16+$0x14000] =	vst v3  }
0x7c: {  	v3 =	vld.idx.msk [tilespmem:v1+s20+$0x0], $0xffff  }
0x7d: {  	v4 =	vld.idx.msk [tilespmem:v2+s20+$0x0], $0xffff;
	_ =	sdelay $0x4  }
0x7e: {  	vm0 =	vgt.f32 v3, v4  }
0x7f: {  	v3 =	vsel vm0, $0x3F800000, v0  }
0x80: {  	[tilespmem:s16+$0x15000] =	vst v3  }
0x81: {  	v3 =	vld.idx.msk [tilespmem:v1+s21+$0x0], $0xffff  }
0x82: {  	v4 =	vld.idx.msk [tilespmem:v2+s21+$0x0], $0xffff;
	_ =	sdelay $0x4  }
0x83: {  	vm0 =	vgt.f32 v3, v4  }
0x84: {  	v3 =	vsel vm0, $0x3F800000, v0  }
0x85: {  	v4 =	vld [tilespmem:s16+$0x10010];
	[tilespmem:s16+$0x16000] =	vst v3  }
0x86: {  	v1 =	vld.idx.msk [tilespmem:v1+s22+$0x0], $0xffff  }
0x87: {  	v2 =	vld.idx.msk [tilespmem:v2+s22+$0x0], $0xffff  }
0x88: {  	v3 =	vld [tilespmem:s16+$0x11010];
	_ =	sdelay $0x3  }
0x89: {  	vm0 =	vgt.f32 v1, v2  }
0x8a: {  	v1 =	vsel vm0, $0x3F800000, v0  }
0x8b: {  	[tilespmem:s16+$0x17000] =	vst v1  }
0x8c: {  	v1 =	vld.idx.msk [tilespmem:v4+s7+$0x0], $0xffff  }
0x8d: {  	v2 =	vld.idx.msk [tilespmem:v3+s7+$0x0], $0xffff;
	_ =	sdelay $0x4  }
0x8e: {  	vm0 =	vgt.f32 v1, v2  }
0x8f: {  	v1 =	vsel vm0, $0x3F800000, v0  }
0x90: {  	[tilespmem:s16+$0x14010] =	vst v1  }
0x91: {  	v1 =	vld.idx.msk [tilespmem:v4+s20+$0x0], $0xffff  }
0x92: {  	v2 =	vld.idx.msk [tilespmem:v3+s20+$0x0], $0xffff;
	_ =	sdelay $0x4  }
0x93: {  	vm0 =	vgt.f32 v1, v2  }
0x94: {  	v1 =	vsel vm0, $0x3F800000, v0  }
0x95: {  	[tilespmem:s16+$0x15010] =	vst v1  }
0x96: {  	v1 =	vld.idx.msk [tilespmem:v4+s21+$0x0], $0xffff  }
0x97: {  	v5 =	vld.idx.msk [tilespmem:v3+s21+$0x0], $0xffff;
	_ =	sdelay $0x3  }
0x98: {  	s17 =	simm.s32 $0x80  }
0x99: {  	v7 =	vld [tilespmem:s17+$0x11000];
	vm0 =	vgt.f32 v1, v5  }
0x9a: {  	v2 =	vld [tilespmem:s16+$0x10020];
	v5 =	vsel vm0, $0x3F800000, v0  }
0x9b: {  	v1 =	vld [tilespmem:s17+$0x10000];
	[tilespmem:s16+$0x16010] =	vst v5  }
0x9c: {  	v4 =	vld.idx.msk [tilespmem:v4+s22+$0x0], $0xffff  }
0x9d: {  	v3 =	vld.idx.msk [tilespmem:v3+s22+$0x0], $0xffff  }
0x9e: {  	v6 =	vld [tilespmem:s16+$0x11020];
	_ =	sdelay $0x3  }
0x9f: {  	v5 =	vld.idx.msk [tilespmem:v7+s7+$0x0], $0xffff;
	vm0 =	vgt.f32 v4, v3  }
0xa0: {  	v3 =	vld.idx.msk [tilespmem:v1+s7+$0x0], $0xffff;
	v4 =	vsel vm0, $0x3F800000, v0  }
0xa1: {  	[tilespmem:s16+$0x17010] =	vst v4  }
0xa2: {  	v4 =	vld.idx.msk [tilespmem:v2+s7+$0x0], $0xffff  }
0xa3: {  	v8 =	vld.idx.msk [tilespmem:v6+s7+$0x0], $0xffff;
	_ =	sdelay $0x1  }
0xa4: {  	vm0 =	vgt.f32 v3, v5  }
0xa5: {  	v3 =	vsel vm0, $0x3F800000, v0  }
0xa6: {  	[tilespmem:s17+$0x14000] =	vst v3  }
0xa7: {  	vm0 =	vgt.f32 v4, v8;
	v3 =	vld.idx.msk [tilespmem:v1+s20+$0x0], $0xffff  }
0xa8: {  	v5 =	vld.idx.msk [tilespmem:v7+s20+$0x0], $0xffff;
	v4 =	vsel vm0, $0x3F800000, v0  }
0xa9: {  	[tilespmem:s16+$0x14020] =	vst v4  }
0xaa: {  	v4 =	vld.idx.msk [tilespmem:v2+s20+$0x0], $0xffff  }
0xab: {  	v8 =	vld.idx.msk [tilespmem:v6+s20+$0x0], $0xffff;
	_ =	sdelay $0x1  }
0xac: {  	vm0 =	vgt.f32 v3, v5  }
0xad: {  	v3 =	vsel vm0, $0x3F800000, v0  }
0xae: {  	[tilespmem:s17+$0x15000] =	vst v3  }
0xaf: {  	vm0 =	vgt.f32 v4, v8;
	v4 =	vld.idx.msk [tilespmem:v1+s21+$0x0], $0xffff  }
0xb0: {  	v9 =	vld.idx.msk [tilespmem:v7+s21+$0x0], $0xffff;
	v8 =	vsel vm0, $0x3F800000, v0  }
0xb1: {  	[tilespmem:s16+$0x15020] =	vst v8  }
0xb2: {  	v8 =	vld.idx.msk [tilespmem:v2+s21+$0x0], $0xffff  }
0xb3: {  	v10 =	vld.idx.msk [tilespmem:v6+s21+$0x0], $0xffff;
	_ =	sdelay $0x1  }
0xb4: {  	vm0 =	vgt.f32 v4, v9  }
0xb5: {  	v5 =	vld [tilespmem:s16+$0x10030];
	v4 =	vsel vm0, $0x3F800000, v0  }
0xb6: {  	v9 =	vld [tilespmem:s17+$0x10010];
	[tilespmem:s17+$0x16000] =	vst v4  }
0xb7: {  	vm0 =	vgt.f32 v8, v10;
	v1 =	vld.idx.msk [tilespmem:v1+s22+$0x0], $0xffff  }
0xb8: {  	v7 =	vld.idx.msk [tilespmem:v7+s22+$0x0], $0xffff;
	v8 =	vsel vm0, $0x3F800000, v0  }
0xb9: {  	v4 =	vld [tilespmem:s17+$0x11010];
	[tilespmem:s16+$0x16020] =	vst v8  }
0xba: {  	v2 =	vld.idx.msk [tilespmem:v2+s22+$0x0], $0xffff  }
0xbb: {  	v6 =	vld.idx.msk [tilespmem:v6+s22+$0x0], $0xffff  }
0xbc: {  	v3 =	vld [tilespmem:s16+$0x11030]  }
0xbd: {  	vm0 =	vgt.f32 v1, v7  }
0xbe: {  	v1 =	vsel vm0, $0x3F800000, v0  }
0xbf: {  	[tilespmem:s17+$0x17000] =	vst v1  }
0xc0: {  	vm0 =	vgt.f32 v2, v6;
	v1 =	vld.idx.msk [tilespmem:v9+s7+$0x0], $0xffff  }
0xc1: {  	v6 =	vld.idx.msk [tilespmem:v4+s7+$0x0], $0xffff;
	v2 =	vsel vm0, $0x3F800000, v0  }
0xc2: {  	[tilespmem:s16+$0x17020] =	vst v2  }
0xc3: {  	v2 =	vld.idx.msk [tilespmem:v5+s7+$0x0], $0xffff  }
0xc4: {  	v7 =	vld.idx.msk [tilespmem:v3+s7+$0x0], $0xffff;
	_ =	sdelay $0x1  }
0xc5: {  	vm0 =	vgt.f32 v1, v6  }
0xc6: {  	v1 =	vsel vm0, $0x3F800000, v0  }
0xc7: {  	[tilespmem:s17+$0x14010] =	vst v1  }
0xc8: {  	vm0 =	vgt.f32 v2, v7;
	v2 =	vld.idx.msk [tilespmem:v9+s20+$0x0], $0xffff  }
0xc9: {  	v8 =	vld.idx.msk [tilespmem:v4+s20+$0x0], $0xffff;
	v7 =	vsel vm0, $0x3F800000, v0  }
0xca: {  	[tilespmem:s16+$0x14030] =	vst v7  }
0xcb: {  	v7 =	vld.idx.msk [tilespmem:v5+s20+$0x0], $0xffff  }
0xcc: {  	v10 =	vld.idx.msk [tilespmem:v3+s20+$0x0], $0xffff;
	_ =	sdelay $0x1  }
0xcd: {  	vm0 =	vgt.f32 v2, v8  }
0xce: {  	v2 =	vsel vm0, $0x3F800000, v0  }
0xcf: {  	[tilespmem:s17+$0x15010] =	vst v2  }
0xd0: {  	vm0 =	vgt.f32 v7, v10;
	v2 =	vld.idx.msk [tilespmem:v9+s21+$0x0], $0xffff  }
0xd1: {  	v10 =	vld.idx.msk [tilespmem:v4+s21+$0x0], $0xffff;
	v7 =	vsel vm0, $0x3F800000, v0  }
0xd2: {  	[tilespmem:s16+$0x15030] =	vst v7  }
0xd3: {  	v7 =	vld.idx.msk [tilespmem:v5+s21+$0x0], $0xffff  }
0xd4: {  	v11 =	vld.idx.msk [tilespmem:v3+s21+$0x0], $0xffff  }
0xd5: {  	s9 =	simm.s32 $0x100;
	v12 =	vld [tilespmem:s17+$0x11020]  }
0xd6: {  	v13 =	vld [tilespmem:s9+$0x11000];
	vm0 =	vgt.f32 v2, v10  }
0xd7: {  	v8 =	vld [tilespmem:s17+$0x10020];
	v10 =	vsel vm0, $0x3F800000, v0  }
0xd8: {  	v2 =	vld [tilespmem:s9+$0x10000];
	[tilespmem:s17+$0x16010] =	vst v10  }
0xd9: {  	vm0 =	vgt.f32 v7, v11;
	v7 =	vld.idx.msk [tilespmem:v9+s22+$0x0], $0xffff  }
0xda: {  	v4 =	vld.idx.msk [tilespmem:v4+s22+$0x0], $0xffff;
	v9 =	vsel vm0, $0x3F800000, v0  }
0xdb: {  	v6 =	vld [tilespmem:s16+$0x10040];
	[tilespmem:s16+$0x16030] =	vst v9  }
0xdc: {  	v5 =	vld.idx.msk [tilespmem:v5+s22+$0x0], $0xffff  }
0xdd: {  	v3 =	vld.idx.msk [tilespmem:v3+s22+$0x0], $0xffff  }
0xde: {  	v1 =	vld [tilespmem:s16+$0x11040]  }
0xdf: {  	vm0 =	vgt.f32 v7, v4  }
0xe0: {  	v9 =	vld.idx.msk [tilespmem:v13+s7+$0x0], $0xffff;
	v7 =	vsel vm0, $0x3F800000, v0  }
0xe1: {  	v4 =	vld.idx.msk [tilespmem:v2+s7+$0x0], $0xffff;
	[tilespmem:s17+$0x17010] =	vst v7  }
0xe2: {  	vm0 =	vgt.f32 v5, v3;
	v3 =	vld.idx.msk [tilespmem:v8+s7+$0x0], $0xffff  }
0xe3: {  	v7 =	vld.idx.msk [tilespmem:v12+s7+$0x0], $0xffff;
	v5 =	vsel vm0, $0x3F800000, v0  }
0xe4: {  	[tilespmem:s16+$0x17030] =	vst v5  }
0xe5: {  	v5 =	vld.idx.msk [tilespmem:v6+s7+$0x0], $0xffff  }
0xe6: {  	vm0 =	vgt.f32 v4, v9;
	v10 =	vld.idx.msk [tilespmem:v1+s7+$0x0], $0xffff  }
0xe7: {  	v4 =	vsel vm0, $0x3F800000, v0  }
0xe8: {  	[tilespmem:s9+$0x14000] =	vst v4;
	vm0 =	vgt.f32 v3, v7  }
0xe9: {  	v3 =	vld.idx.msk [tilespmem:v2+s20+$0x0], $0xffff;
	v4 =	vsel vm0, $0x3F800000, v0  }
0xea: {  	v7 =	vld.idx.msk [tilespmem:v13+s20+$0x0], $0xffff;
	[tilespmem:s17+$0x14020] =	vst v4  }
0xeb: {  	vm0 =	vgt.f32 v5, v10;
	v4 =	vld.idx.msk [tilespmem:v8+s20+$0x0], $0xffff  }
0xec: {  	v10 =	vld.idx.msk [tilespmem:v12+s20+$0x0], $0xffff;
	v5 =	vsel vm0, $0x3F800000, v0  }
0xed: {  	[tilespmem:s16+$0x14040] =	vst v5  }
0xee: {  	v5 =	vld.idx.msk [tilespmem:v6+s20+$0x0], $0xffff  }
0xef: {  	vm0 =	vgt.f32 v3, v7;
	v14 =	vld.idx.msk [tilespmem:v1+s20+$0x0], $0xffff  }
0xf0: {  	v3 =	vsel vm0, $0x3F800000, v0  }
0xf1: {  	v15 =	vld [tilespmem:s17+$0x10030];
	[tilespmem:s9+$0x15000] =	vst v3;
	vm0 =	vgt.f32 v4, v10  }
0xf2: {  	v4 =	vld.idx.msk [tilespmem:v2+s21+$0x0], $0xffff;
	v7 =	vsel vm0, $0x3F800000, v0  }
0xf3: {  	v10 =	vld.idx.msk [tilespmem:v13+s21+$0x0], $0xffff;
	[tilespmem:s17+$0x15020] =	vst v7  }
0xf4: {  	vm0 =	vgt.f32 v5, v14;
	v5 =	vld.idx.msk [tilespmem:v8+s21+$0x0], $0xffff  }
0xf5: {  	v14 =	vld.idx.msk [tilespmem:v12+s21+$0x0], $0xffff;
	v7 =	vsel vm0, $0x3F800000, v0  }
0xf6: {  	v9 =	vld [tilespmem:s16+$0x10050];
	[tilespmem:s16+$0x15040] =	vst v7  }
0xf7: {  	v7 =	vld.idx.msk [tilespmem:v6+s21+$0x0], $0xffff  }
0xf8: {  	vm0 =	vgt.f32 v4, v10;
	v16 =	vld.idx.msk [tilespmem:v1+s21+$0x0], $0xffff  }
0xf9: {  	v10 =	vld [tilespmem:s9+$0x10010];
	v4 =	vsel vm0, $0x3F800000, v0  }
0xfa: {  	[tilespmem:s9+$0x16000] =	vst v4;
	v4 =	vld [tilespmem:s9+$0x11010];
	vm0 =	vgt.f32 v5, v14  }
0xfb: {  	v2 =	vld.idx.msk [tilespmem:v2+s22+$0x0], $0xffff;
	v5 =	vsel vm0, $0x3F800000, v0  }
0xfc: {  	v13 =	vld.idx.msk [tilespmem:v13+s22+$0x0], $0xffff;
	[tilespmem:s17+$0x16020] =	vst v5  }
0xfd: {  	vm0 =	vgt.f32 v7, v16;
	v5 =	vld.idx.msk [tilespmem:v8+s22+$0x0], $0xffff  }
0xfe: {  	v8 =	vld.idx.msk [tilespmem:v12+s22+$0x0], $0xffff;
	v7 =	vsel vm0, $0x3F800000, v0  }
0xff: {  	v3 =	vld [tilespmem:s17+$0x11030];
	[tilespmem:s16+$0x16040] =	vst v7  }
0x100: {  	v6 =	vld.idx.msk [tilespmem:v6+s22+$0x0], $0xffff  }
0x101: {  	vm0 =	vgt.f32 v2, v13;
	v1 =	vld.idx.msk [tilespmem:v1+s22+$0x0], $0xffff  }
0x102: {  	v11 =	vld [tilespmem:s16+$0x11050];
	v2 =	vsel vm0, $0x3F800000, v0  }
0x103: {  	[tilespmem:s9+$0x17000] =	vst v2;
	vm0 =	vgt.f32 v5, v8  }
0x104: {  	v2 =	vld.idx.msk [tilespmem:v10+s7+$0x0], $0xffff;
	v5 =	vsel vm0, $0x3F800000, v0  }
0x105: {  	v7 =	vld.idx.msk [tilespmem:v4+s7+$0x0], $0xffff;
	[tilespmem:s17+$0x17020] =	vst v5  }
0x106: {  	vm0 =	vgt.f32 v6, v1;
	v1 =	vld.idx.msk [tilespmem:v15+s7+$0x0], $0xffff  }
0x107: {  	v6 =	vld.idx.msk [tilespmem:v3+s7+$0x0], $0xffff;
	v5 =	vsel vm0, $0x3F800000, v0  }
0x108: {  	[tilespmem:s16+$0x17040] =	vst v5  }
0x109: {  	v5 =	vld.idx.msk [tilespmem:v9+s7+$0x0], $0xffff  }
0x10a: {  	vm0 =	vgt.f32 v2, v7;
	v8 =	vld.idx.msk [tilespmem:v11+s7+$0x0], $0xffff  }
0x10b: {  	v7 =	vsel vm0, $0x3F800000, v0  }
0x10c: {  	[tilespmem:s9+$0x14010] =	vst v7;
	vm0 =	vgt.f32 v1, v6  }
0x10d: {  	v6 =	vld.idx.msk [tilespmem:v10+s20+$0x0], $0xffff;
	v7 =	vsel vm0, $0x3F800000, v0  }
0x10e: {  	v12 =	vld.idx.msk [tilespmem:v4+s20+$0x0], $0xffff;
	[tilespmem:s17+$0x14030] =	vst v7  }
0x10f: {  	vm0 =	vgt.f32 v5, v8;
	v5 =	vld.idx.msk [tilespmem:v15+s20+$0x0], $0xffff  }
0x110: {  	v8 =	vld.idx.msk [tilespmem:v3+s20+$0x0], $0xffff  }
0x111: {  	v2 =	vld [tilespmem:s17+$0x10040];
	v7 =	vsel vm0, $0x3F800000, v0  }
0x112: {  	v1 =	vld [tilespmem:s17+$0x11040];
	[tilespmem:s16+$0x14050] =	vst v7  }
0x113: {  	vm0 =	vgt.f32 v6, v12;
	v13 =	vld.idx.msk [tilespmem:v9+s20+$0x0], $0xffff  }
0x114: {  	v14 =	vld.idx.msk [tilespmem:v11+s20+$0x0], $0xffff;
	v6 =	vsel vm0, $0x3F800000, v0  }
0x115: {  	v7 =	vld [tilespmem:s9+$0x10020];
	[tilespmem:s9+$0x15010] =	vst v6;
	vm0 =	vgt.f32 v5, v8  }
0x116: {  	v5 =	vld.idx.msk [tilespmem:v10+s21+$0x0], $0xffff;
	v6 =	vsel vm0, $0x3F800000, v0  }
0x117: {  	v12 =	vld.idx.msk [tilespmem:v4+s21+$0x0], $0xffff;
	[tilespmem:s17+$0x15030] =	vst v6  }
0x118: {  	v6 =	vld.idx.msk [tilespmem:v15+s21+$0x0], $0xffff  }
0x119: {  	s18 =	simm.s32 $0x180;
	vm0 =	vgt.f32 v13, v14;
	v16 =	vld.idx.msk [tilespmem:v3+s21+$0x0], $0xffff  }
0x11a: {  	v13 =	vld [tilespmem:s18+$0x10000];
	v8 =	vsel vm0, $0x3F800000, v0  }
0x11b: {  	v14 =	vld [tilespmem:s18+$0x11000];
	[tilespmem:s16+$0x15050] =	vst v8  }
0x11c: {  	vm0 =	vgt.f32 v5, v12;
	v17 =	vld.idx.msk [tilespmem:v9+s21+$0x0], $0xffff  }
0x11d: {  	v18 =	vld.idx.msk [tilespmem:v11+s21+$0x0], $0xffff;
	v5 =	vsel vm0, $0x3F800000, v0  }
0x11e: {  	v8 =	vld [tilespmem:s9+$0x11020];
	[tilespmem:s9+$0x16010] =	vst v5;
	vm0 =	vgt.f32 v6, v16  }
0x11f: {  	v5 =	vld.idx.msk [tilespmem:v10+s22+$0x0], $0xffff;
	v6 =	vsel vm0, $0x3F800000, v0  }
0x120: {  	v4 =	vld.idx.msk [tilespmem:v4+s22+$0x0], $0xffff;
	[tilespmem:s17+$0x16030] =	vst v6  }
0x121: {  	v6 =	vld.idx.msk [tilespmem:v15+s22+$0x0], $0xffff  }
0x122: {  	vm0 =	vgt.f32 v17, v18;
	v12 =	vld.idx.msk [tilespmem:v3+s22+$0x0], $0xffff  }
0x123: {  	v3 =	vld [tilespmem:s16+$0x10060];
	v10 =	vsel vm0, $0x3F800000, v0  }
0x124: {  	v15 =	vld.idx.msk [tilespmem:v14+s7+$0x0], $0xffff;
	[tilespmem:s16+$0x16050] =	vst v10  }
0x125: {  	v9 =	vld.idx.msk [tilespmem:v9+s22+$0x0], $0xffff  }
0x126: {  	v10 =	vld.idx.msk [tilespmem:v11+s22+$0x0], $0xffff  }
0x127: {  	vm0 =	vgt.f32 v5, v4;
	v4 =	vld [tilespmem:s16+$0x11060]  }
0x128: {  	v5 =	vld.idx.msk [tilespmem:v13+s7+$0x0], $0xffff;
	v11 =	vsel vm0, $0x3F800000, v0  }
0x129: {  	[tilespmem:s9+$0x17010] =	vst v11;
	vm0 =	vgt.f32 v6, v12  }
0x12a: {  	v6 =	vld.idx.msk [tilespmem:v7+s7+$0x0], $0xffff;
	v11 =	vsel vm0, $0x3F800000, v0  }
0x12b: {  	[tilespmem:s17+$0x17030] =	vst v11;
	vm0 =	vgt.f32 v9, v10;
	v9 =	vld.idx.msk [tilespmem:v8+s7+$0x0], $0xffff  }
0x12c: {  	v11 =	vld.idx.msk [tilespmem:v2+s7+$0x0], $0xffff  }
0x12d: {  	v10 =	vsel vm0, $0x3F800000, v0;
	vm0 =	vgt.f32 v5, v15;
	v5 =	vld [tilespmem:s17+$0x10050]  }
0x12e: {  	[tilespmem:s16+$0x17050] =	vst v10;
	v10 =	vld.idx.msk [tilespmem:v1+s7+$0x0], $0xffff  }
0x12f: {  	v16 =	vsel vm0, $0x3F800000, v0;
	v12 =	vld.idx.msk [tilespmem:v3+s7+$0x0], $0xffff  }
0x130: {  	v15 =	vld.idx.msk [tilespmem:v4+s7+$0x0], $0xffff;
	[tilespmem:s18+$0x14000] =	vst v16  }
0x131: {  	v17 =	vld.idx.msk [tilespmem:v14+s20+$0x0], $0xffff;
	vm0 =	vgt.f32 v6, v9  }
0x132: {  	v6 =	vld [tilespmem:s17+$0x11050];
	v16 =	vsel vm0, $0x3F800000, v0  }
0x133: {  	v9 =	vld.idx.msk [tilespmem:v13+s20+$0x0], $0xffff;
	[tilespmem:s9+$0x14020] =	vst v16;
	vm0 =	vgt.f32 v11, v10  }
0x134: {  	v10 =	vld.idx.msk [tilespmem:v7+s20+$0x0], $0xffff;
	v11 =	vsel vm0, $0x3F800000, v0  }
0x135: {  	v16 =	vld.idx.msk [tilespmem:v8+s20+$0x0], $0xffff;
	[tilespmem:s17+$0x14040] =	vst v11  }
0x136: {  	vm0 =	vgt.f32 v12, v15;
	v11 =	vld.idx.msk [tilespmem:v2+s20+$0x0], $0xffff  }
0x137: {  	v12 =	vsel vm0, $0x3F800000, v0;
	v15 =	vld.idx.msk [tilespmem:v1+s20+$0x0], $0xffff  }
0x138: {  	[tilespmem:s16+$0x14060] =	vst v12;
	vm0 =	vgt.f32 v9, v17;
	v9 =	vld [tilespmem:s9+$0x10030]  }
0x139: {  	v12 =	vld.idx.msk [tilespmem:v3+s20+$0x0], $0xffff  }
0x13a: {  	v17 =	vld.idx.msk [tilespmem:v4+s20+$0x0], $0xffff;
	v18 =	vsel vm0, $0x3F800000, v0  }
0x13b: {  	[tilespmem:s18+$0x15000] =	vst v18;
	vm0 =	vgt.f32 v10, v16;
	v10 =	vld [tilespmem:s9+$0x11030]  }
0x13c: {  	v16 =	vld.idx.msk [tilespmem:v13+s21+$0x0], $0xffff  }
0x13d: {  	v19 =	vld.idx.msk [tilespmem:v14+s21+$0x0], $0xffff;
	v18 =	vsel vm0, $0x3F800000, v0  }
0x13e: {  	[tilespmem:s9+$0x15020] =	vst v18;
	vm0 =	vgt.f32 v11, v15;
	v15 =	vld [tilespmem:s18+$0x10010]  }
0x13f: {  	v20 =	vld.idx.msk [tilespmem:v7+s21+$0x0], $0xffff;
	v11 =	vsel vm0, $0x3F800000, v0  }
0x140: {  	v21 =	vld.idx.msk [tilespmem:v8+s21+$0x0], $0xffff;
	vm0 =	vgt.f32 v12, v17;
	[tilespmem:s17+$0x15040] =	vst v11  }
0x141: {  	v11 =	vsel vm0, $0x3F800000, v0;
	v17 =	vld.idx.msk [tilespmem:v2+s21+$0x0], $0xffff  }
0x142: {  	v18 =	vld.idx.msk [tilespmem:v1+s21+$0x0], $0xffff;
	[tilespmem:s16+$0x15060] =	vst v11  }
0x143: {  	vm0 =	vgt.f32 v16, v19;
	v11 =	vld.idx.msk [tilespmem:v3+s21+$0x0], $0xffff  }
0x144: {  	v16 =	vsel vm0, $0x3F800000, v0;
	v12 =	vld.idx.msk [tilespmem:v4+s21+$0x0], $0xffff  }
0x145: {  	s15 =	sshll.u32 s12, $0xB;
	s23 =	simm.s32 $0x800;
	[tilespmem:s18+$0x16000] =	vst v16;
	v16 =	vld [tilespmem:s18+$0x11010];
	vm0 =	vgt.f32 v20, v21  }
.LBB2_4:
0x146: {  	p2 =	sne.s32 s23, $0x3E00;
	v13 =	vld.idx.msk [tilespmem:v13+s22+$0x0], $0xffff;
	v19 =	vsel vm0, $0x3F800000, v0  }
0x147: {  	vm0 =	vgt.f32 v17, v18;
	v14 =	vld.idx.msk [tilespmem:v14+s22+$0x0], $0xffff;
	[tilespmem:s9+$0x16020] =	vst v19  }
0x148: {  	v17 =	vsel vm0, $0x3F800000, v0;
	v7 =	vld.idx.msk [tilespmem:v7+s22+$0x0], $0xffff  }
0x149: {  	vm0 =	vgt.f32 v11, v12;
	v8 =	vld.idx.msk [tilespmem:v8+s22+$0x0], $0xffff;
	[tilespmem:s17+$0x16040] =	vst v17  }
0x14a: {  	v11 =	vsel vm0, $0x3F800000, v0;
	v2 =	vld.idx.msk [tilespmem:v2+s22+$0x0], $0xffff  }
0x14b: {  	v1 =	vld.idx.msk [tilespmem:v1+s22+$0x0], $0xffff;
	[tilespmem:s16+$0x16060] =	vst v11  }
0x14c: {  	v3 =	vld.idx.msk [tilespmem:v3+s22+$0x0], $0xffff  }
0x14d: {  	vm0 =	vgt.f32 v13, v14;
	v4 =	vld.idx.msk [tilespmem:v4+s22+$0x0], $0xffff  }
0x14e: {  	v11 =	vsel vm0, $0x3F800000, v0;
	v12 =	vld [tilespmem:s16+$0x10070]  }
0x14f: {  	vm0 =	vgt.f32 v7, v8;
	[tilespmem:s18+$0x17000] =	vst v11;
	v11 =	vld [tilespmem:s16+$0x11070]  }
0x150: {  	v8 =	vsel vm0, $0x3F800000, v0;
	v7 =	vld.idx.msk [tilespmem:v15+s7+$0x0], $0xffff  }
0x151: {  	vm0 =	vgt.f32 v2, v1;
	v13 =	vld.idx.msk [tilespmem:v16+s7+$0x0], $0xffff;
	[tilespmem:s9+$0x17020] =	vst v8  }
0x152: {  	v2 =	vsel vm0, $0x3F800000, v0;
	v1 =	vld.idx.msk [tilespmem:v9+s7+$0x0], $0xffff  }
0x153: {  	vm0 =	vgt.f32 v3, v4;
	v8 =	vld.idx.msk [tilespmem:v10+s7+$0x0], $0xffff;
	[tilespmem:s17+$0x17040] =	vst v2  }
0x154: {  	v2 =	vsel vm0, $0x3F800000, v0;
	v3 =	vld.idx.msk [tilespmem:v5+s7+$0x0], $0xffff  }
0x155: {  	v4 =	vld.idx.msk [tilespmem:v6+s7+$0x0], $0xffff;
	[tilespmem:s16+$0x17060] =	vst v2  }
0x156: {  	v14 =	vld.idx.msk [tilespmem:v12+s7+$0x0], $0xffff  }
0x157: {  	vm0 =	vgt.f32 v7, v13;
	v7 =	vld.idx.msk [tilespmem:v11+s7+$0x0], $0xffff  }
0x158: {  	v13 =	vsel vm0, $0x3F800000, v0;
	v2 =	vld [tilespmem:s9+$0x10040]  }
0x159: {  	vm0 =	vgt.f32 v1, v8;
	[tilespmem:s18+$0x14010] =	vst v13;
	v1 =	vld [tilespmem:s9+$0x11040]  }
0x15a: {  	v13 =	vsel vm0, $0x3F800000, v0;
	v8 =	vld.idx.msk [tilespmem:v15+s20+$0x0], $0xffff  }
0x15b: {  	vm0 =	vgt.f32 v3, v4;
	v17 =	vld.idx.msk [tilespmem:v16+s20+$0x0], $0xffff;
	[tilespmem:s9+$0x14030] =	vst v13  }
0x15c: {  	v4 =	vsel vm0, $0x3F800000, v0;
	v3 =	vld.idx.msk [tilespmem:v9+s20+$0x0], $0xffff  }
0x15d: {  	vm0 =	vgt.f32 v14, v7;
	v13 =	vld.idx.msk [tilespmem:v10+s20+$0x0], $0xffff;
	[tilespmem:s17+$0x14050] =	vst v4  }
0x15e: {  	v7 =	vsel vm0, $0x3F800000, v0;
	v4 =	vld.idx.msk [tilespmem:v5+s20+$0x0], $0xffff  }
0x15f: {  	v14 =	vld.idx.msk [tilespmem:v6+s20+$0x0], $0xffff;
	[tilespmem:s16+$0x14070] =	vst v7  }
0x160: {  	v18 =	vld.idx.msk [tilespmem:v12+s20+$0x0], $0xffff  }
0x161: {  	vm0 =	vgt.f32 v8, v17;
	v17 =	vld.idx.msk [tilespmem:v11+s20+$0x0], $0xffff  }
0x162: {  	v8 =	vsel vm0, $0x3F800000, v0;
	v7 =	vld [tilespmem:s18+$0x10020]  }
0x163: {  	vm0 =	vgt.f32 v3, v13;
	[tilespmem:s18+$0x15010] =	vst v8;
	v8 =	vld [tilespmem:s18+$0x11020]  }
0x164: {  	v13 =	vsel vm0, $0x3F800000, v0;
	v3 =	vld.idx.msk [tilespmem:v15+s21+$0x0], $0xffff  }
0x165: {  	vm0 =	vgt.f32 v4, v14;
	v19 =	vld.idx.msk [tilespmem:v16+s21+$0x0], $0xffff;
	[tilespmem:s9+$0x15030] =	vst v13  }
0x166: {  	v13 =	vsel vm0, $0x3F800000, v0;
	v4 =	vld.idx.msk [tilespmem:v9+s21+$0x0], $0xffff  }
0x167: {  	vm0 =	vgt.f32 v18, v17;
	v20 =	vld.idx.msk [tilespmem:v10+s21+$0x0], $0xffff;
	[tilespmem:s17+$0x15050] =	vst v13  }
0x168: {  	v13 =	vsel vm0, $0x3F800000, v0;
	v17 =	vld.idx.msk [tilespmem:v5+s21+$0x0], $0xffff  }
0x169: {  	v18 =	vld.idx.msk [tilespmem:v6+s21+$0x0], $0xffff;
	[tilespmem:s16+$0x15070] =	vst v13  }
0x16a: {  	v21 =	vld.idx.msk [tilespmem:v12+s21+$0x0], $0xffff  }
0x16b: {  	s8 =	sshra.s32 s23, $0x2;
	vm0 =	vgt.f32 v3, v19;
	v3 =	vld.idx.msk [tilespmem:v11+s21+$0x0], $0xffff  }
0x16c: {  	v19 =	vsel vm0, $0x3F800000, v0;
	v13 =	vld [tilespmem:s8+$0x10000]  }
0x16d: {  	vm0 =	vgt.f32 v4, v20;
	v14 =	vld [tilespmem:s8+$0x11000];
	[tilespmem:s18+$0x16010] =	vst v19  }
0x16e: {  	v4 =	vld.idx.msk [tilespmem:v15+s22+$0x0], $0xffff;
	v15 =	vsel vm0, $0x3F800000, v0  }
0x16f: {  	vm0 =	vgt.f32 v17, v18;
	v16 =	vld.idx.msk [tilespmem:v16+s22+$0x0], $0xffff;
	[tilespmem:s9+$0x16030] =	vst v15  }
0x170: {  	v15 =	vsel vm0, $0x3F800000, v0;
	v9 =	vld.idx.msk [tilespmem:v9+s22+$0x0], $0xffff  }
0x171: {  	vm0 =	vgt.f32 v21, v3;
	v10 =	vld.idx.msk [tilespmem:v10+s22+$0x0], $0xffff;
	[tilespmem:s17+$0x16050] =	vst v15  }
0x172: {  	v3 =	vsel vm0, $0x3F800000, v0;
	v5 =	vld.idx.msk [tilespmem:v5+s22+$0x0], $0xffff  }
0x173: {  	v6 =	vld.idx.msk [tilespmem:v6+s22+$0x0], $0xffff;
	[tilespmem:s16+$0x16070] =	vst v3  }
0x174: {  	v12 =	vld.idx.msk [tilespmem:v12+s22+$0x0], $0xffff  }
0x175: {  	v11 =	vld.idx.msk [tilespmem:v11+s22+$0x0], $0xffff  }
0x176: {  	v3 =	vld [tilespmem:s17+$0x10060]  }
0x177: {  	vm0 =	vgt.f32 v4, v16;
	v4 =	vld [tilespmem:s17+$0x11060]  }
0x178: {  	v16 =	vsel vm0, $0x3F800000, v0;
	v15 =	vld.idx.msk [tilespmem:v13+s7+$0x0], $0xffff  }
0x179: {  	vm0 =	vgt.f32 v9, v10;
	v17 =	vld.idx.msk [tilespmem:v14+s7+$0x0], $0xffff;
	[tilespmem:s18+$0x17010] =	vst v16  }
0x17a: {  	v10 =	vsel vm0, $0x3F800000, v0;
	vm0 =	vgt.f32 v5, v6;
	v9 =	vld.idx.msk [tilespmem:v7+s7+$0x0], $0xffff  }
0x17b: {  	v5 =	vsel vm0, $0x3F800000, v0;
	vm0 =	vgt.f32 v12, v11;
	v6 =	vld.idx.msk [tilespmem:v8+s7+$0x0], $0xffff;
	[tilespmem:s9+$0x17030] =	vst v10  }
0x17c: {  	v10 =	vld.idx.msk [tilespmem:v2+s7+$0x0], $0xffff;
	[tilespmem:s17+$0x17050] =	vst v5;
	v5 =	vsel vm0, $0x3F800000, v0  }
0x17d: {  	v11 =	vld.idx.msk [tilespmem:v1+s7+$0x0], $0xffff;
	[tilespmem:s16+$0x17070] =	vst v5;
	s16 =	smov.u32 s17;
	s17 =	smov.u32 s9;
	s9 =	smov.u32 s18  }
0x17e: {  	s18 =	smov.u32 s8;
	v12 =	vld.idx.msk [tilespmem:v3+s7+$0x0], $0xffff  }
0x17f: {  	vm0 =	vgt.f32 v15, v17;
	v15 =	vld.idx.msk [tilespmem:v4+s7+$0x0], $0xffff  }
0x180: {  	v16 =	vsel vm0, $0x3F800000, v0;
	v5 =	vld [tilespmem:s17+$0x10050]  }
0x181: {  	vm0 =	vgt.f32 v9, v6;
	[tilespmem:s18+$0x14000] =	vst v16;
	v6 =	vld [tilespmem:s17+$0x11050]  }
0x182: {  	v16 =	vsel vm0, $0x3F800000, v0;
	v9 =	vld.idx.msk [tilespmem:v13+s20+$0x0], $0xffff  }
0x183: {  	vm0 =	vgt.f32 v10, v11;
	v17 =	vld.idx.msk [tilespmem:v14+s20+$0x0], $0xffff;
	[tilespmem:s9+$0x14020] =	vst v16  }
0x184: {  	v11 =	vsel vm0, $0x3F800000, v0;
	v10 =	vld.idx.msk [tilespmem:v7+s20+$0x0], $0xffff  }
0x185: {  	vm0 =	vgt.f32 v12, v15;
	v16 =	vld.idx.msk [tilespmem:v8+s20+$0x0], $0xffff;
	[tilespmem:s17+$0x14040] =	vst v11  }
0x186: {  	v12 =	vsel vm0, $0x3F800000, v0;
	v11 =	vld.idx.msk [tilespmem:v2+s20+$0x0], $0xffff  }
0x187: {  	v15 =	vld.idx.msk [tilespmem:v1+s20+$0x0], $0xffff;
	[tilespmem:s16+$0x14060] =	vst v12  }
0x188: {  	v12 =	vld.idx.msk [tilespmem:v3+s20+$0x0], $0xffff  }
0x189: {  	vm0 =	vgt.f32 v9, v17;
	v17 =	vld.idx.msk [tilespmem:v4+s20+$0x0], $0xffff  }
0x18a: {  	v18 =	vsel vm0, $0x3F800000, v0;
	v9 =	vld [tilespmem:s9+$0x10030]  }
0x18b: {  	vm0 =	vgt.f32 v10, v16;
	[tilespmem:s18+$0x15000] =	vst v18;
	v10 =	vld [tilespmem:s9+$0x11030]  }
0x18c: {  	v18 =	vsel vm0, $0x3F800000, v0;
	v16 =	vld.idx.msk [tilespmem:v13+s21+$0x0], $0xffff  }
0x18d: {  	vm0 =	vgt.f32 v11, v15;
	v19 =	vld.idx.msk [tilespmem:v14+s21+$0x0], $0xffff;
	[tilespmem:s9+$0x15020] =	vst v18  }
0x18e: {  	v11 =	vsel vm0, $0x3F800000, v0;
	v20 =	vld.idx.msk [tilespmem:v7+s21+$0x0], $0xffff  }
0x18f: {  	vm0 =	vgt.f32 v12, v17;
	v21 =	vld.idx.msk [tilespmem:v8+s21+$0x0], $0xffff;
	[tilespmem:s17+$0x15040] =	vst v11  }
0x190: {  	v11 =	vsel vm0, $0x3F800000, v0;
	v17 =	vld.idx.msk [tilespmem:v2+s21+$0x0], $0xffff  }
.Ltmp4:
0x191: {  	v18 =	vld.idx.msk [tilespmem:v1+s21+$0x0], $0xffff;
	[tilespmem:s16+$0x15060] =	vst v11;
	(pc) =	sbr.rel @p2 .LBB2_4-.Ltmp4, $4  }
0x192: {  	v11 =	vld.idx.msk [tilespmem:v3+s21+$0x0], $0xffff  }
0x193: {  	vm0 =	vgt.f32 v16, v19;
	v12 =	vld.idx.msk [tilespmem:v4+s21+$0x0], $0xffff  }
0x194: {  	v16 =	vsel vm0, $0x3F800000, v0;
	v15 =	vld [tilespmem:s18+$0x10010]  }
0x195: {  	s23 =	sadd.s32 $0x200, s23;
	vm0 =	vgt.f32 v20, v21;
	[tilespmem:s18+$0x16000] =	vst v16;
	v16 =	vld [tilespmem:s18+$0x11010]  }
0x196: {  	_ =	sdelay $0x3  }
0x197: {  	v13 =	vld.idx.msk [tilespmem:v13+s22+$0x0], $0xffff  }
0x198: {  	v14 =	vld.idx.msk [tilespmem:v14+s22+$0x0], $0xffff;
	_ =	sdelay $0x4  }
0x199: {  	vm1 =	vgt.f32 v13, v14  }
0x19a: {  	v13 =	vsel vm1, $0x3F800000, v0  }
0x19b: {  	[tilespmem:s18+$0x17000] =	vst v13  }
0x19c: {  	v13 =	vld.idx.msk [tilespmem:v15+s7+$0x0], $0xffff  }
0x19d: {  	v14 =	vld.idx.msk [tilespmem:v16+s7+$0x0], $0xffff;
	_ =	sdelay $0x4  }
0x19e: {  	vm1 =	vgt.f32 v13, v14  }
0x19f: {  	v13 =	vsel vm1, $0x3F800000, v0  }
0x1a0: {  	[tilespmem:s18+$0x14010] =	vst v13  }
0x1a1: {  	v13 =	vld.idx.msk [tilespmem:v15+s20+$0x0], $0xffff  }
0x1a2: {  	v14 =	vld.idx.msk [tilespmem:v16+s20+$0x0], $0xffff;
	_ =	sdelay $0x4  }
0x1a3: {  	vm1 =	vgt.f32 v13, v14  }
0x1a4: {  	v13 =	vsel vm1, $0x3F800000, v0  }
0x1a5: {  	[tilespmem:s18+$0x15010] =	vst v13  }
0x1a6: {  	v13 =	vld.idx.msk [tilespmem:v15+s21+$0x0], $0xffff  }
0x1a7: {  	v19 =	vld.idx.msk [tilespmem:v16+s21+$0x0], $0xffff;
	_ =	sdelay $0x4  }
0x1a8: {  	vm1 =	vgt.f32 v13, v19  }
0x1a9: {  	v19 =	vsel vm1, $0x3F800000, v0  }
0x1aa: {  	v14 =	vld [tilespmem:s18+$0x10020];
	[tilespmem:s18+$0x16010] =	vst v19  }
0x1ab: {  	v15 =	vld.idx.msk [tilespmem:v15+s22+$0x0], $0xffff  }
0x1ac: {  	v16 =	vld.idx.msk [tilespmem:v16+s22+$0x0], $0xffff  }
0x1ad: {  	v13 =	vld [tilespmem:s18+$0x11020];
	_ =	sdelay $0x3  }
0x1ae: {  	vm1 =	vgt.f32 v15, v16  }
0x1af: {  	v15 =	vsel vm1, $0x3F800000, v0  }
0x1b0: {  	[tilespmem:s18+$0x17010] =	vst v15  }
0x1b1: {  	v15 =	vld.idx.msk [tilespmem:v14+s7+$0x0], $0xffff  }
0x1b2: {  	v16 =	vld.idx.msk [tilespmem:v13+s7+$0x0], $0xffff;
	_ =	sdelay $0x4  }
0x1b3: {  	vm1 =	vgt.f32 v15, v16  }
0x1b4: {  	v15 =	vsel vm1, $0x3F800000, v0  }
0x1b5: {  	[tilespmem:s18+$0x14020] =	vst v15  }
0x1b6: {  	v15 =	vld.idx.msk [tilespmem:v14+s20+$0x0], $0xffff  }
0x1b7: {  	v16 =	vld.idx.msk [tilespmem:v13+s20+$0x0], $0xffff;
	_ =	sdelay $0x4  }
0x1b8: {  	vm1 =	vgt.f32 v15, v16  }
0x1b9: {  	v15 =	vsel vm1, $0x3F800000, v0  }
0x1ba: {  	[tilespmem:s18+$0x15020] =	vst v15  }
0x1bb: {  	v15 =	vld.idx.msk [tilespmem:v14+s21+$0x0], $0xffff  }
0x1bc: {  	v20 =	vld.idx.msk [tilespmem:v13+s21+$0x0], $0xffff  }
0x1bd: {  	v21 =	vsel vm0, $0x3F800000, v0  }
0x1be: {  	[tilespmem:s9+$0x16020] =	vst v21  }
0x1bf: {  	v7 =	vld.idx.msk [tilespmem:v7+s22+$0x0], $0xffff  }
0x1c0: {  	v8 =	vld.idx.msk [tilespmem:v8+s22+$0x0], $0xffff  }
0x1c1: {  	vm0 =	vgt.f32 v15, v20  }
0x1c2: {  	v15 =	vsel vm0, $0x3F800000, v0  }
0x1c3: {  	v19 =	vld [tilespmem:s18+$0x10030];
	[tilespmem:s18+$0x16020] =	vst v15  }
0x1c4: {  	v14 =	vld.idx.msk [tilespmem:v14+s22+$0x0], $0xffff  }
0x1c5: {  	vm0 =	vgt.f32 v7, v8;
	v7 =	vld.idx.msk [tilespmem:v13+s22+$0x0], $0xffff  }
0x1c6: {  	v16 =	vld [tilespmem:s18+$0x11030];
	v8 =	vsel vm0, $0x3F800000, v0  }
0x1c7: {  	[tilespmem:s9+$0x17020] =	vst v8  }
0x1c8: {  	v8 =	vld.idx.msk [tilespmem:v9+s7+$0x0], $0xffff  }
0x1c9: {  	v13 =	vld.idx.msk [tilespmem:v10+s7+$0x0], $0xffff  }
0x1ca: {  	vm0 =	vgt.f32 v14, v7  }
0x1cb: {  	v7 =	vsel vm0, $0x3F800000, v0  }
0x1cc: {  	[tilespmem:s18+$0x17020] =	vst v7  }
0x1cd: {  	v7 =	vld.idx.msk [tilespmem:v19+s7+$0x0], $0xffff  }
0x1ce: {  	vm0 =	vgt.f32 v8, v13;
	v8 =	vld.idx.msk [tilespmem:v16+s7+$0x0], $0xffff  }
0x1cf: {  	v15 =	vsel vm0, $0x3F800000, v0  }
0x1d0: {  	[tilespmem:s9+$0x14030] =	vst v15  }
0x1d1: {  	v15 =	vld.idx.msk [tilespmem:v9+s20+$0x0], $0xffff  }
0x1d2: {  	v20 =	vld.idx.msk [tilespmem:v10+s20+$0x0], $0xffff  }
0x1d3: {  	vm0 =	vgt.f32 v7, v8  }
0x1d4: {  	v8 =	vsel vm0, $0x3F800000, v0  }
0x1d5: {  	[tilespmem:s18+$0x14030] =	vst v8  }
0x1d6: {  	v8 =	vld.idx.msk [tilespmem:v19+s20+$0x0], $0xffff  }
0x1d7: {  	vm0 =	vgt.f32 v15, v20;
	v15 =	vld.idx.msk [tilespmem:v16+s20+$0x0], $0xffff  }
0x1d8: {  	v20 =	vsel vm0, $0x3F800000, v0  }
0x1d9: {  	[tilespmem:s9+$0x15030] =	vst v20  }
0x1da: {  	v20 =	vld.idx.msk [tilespmem:v9+s21+$0x0], $0xffff  }
0x1db: {  	v22 =	vld.idx.msk [tilespmem:v10+s21+$0x0], $0xffff  }
0x1dc: {  	vm0 =	vgt.f32 v8, v15  }
0x1dd: {  	v8 =	vsel vm0, $0x3F800000, v0  }
0x1de: {  	[tilespmem:s18+$0x15030] =	vst v8  }
0x1df: {  	v8 =	vld.idx.msk [tilespmem:v19+s21+$0x0], $0xffff  }
0x1e0: {  	vm0 =	vgt.f32 v20, v22;
	v15 =	vld.idx.msk [tilespmem:v16+s21+$0x0], $0xffff  }
0x1e1: {  	v20 =	vsel vm0, $0x3F800000, v0  }
0x1e2: {  	v14 =	vld [tilespmem:s9+$0x10040];
	[tilespmem:s9+$0x16030] =	vst v20  }
0x1e3: {  	v9 =	vld.idx.msk [tilespmem:v9+s22+$0x0], $0xffff  }
0x1e4: {  	v10 =	vld.idx.msk [tilespmem:v10+s22+$0x0], $0xffff  }
0x1e5: {  	v13 =	vld [tilespmem:s9+$0x11040];
	vm0 =	vgt.f32 v8, v15  }
0x1e6: {  	v8 =	vsel vm0, $0x3F800000, v0  }
0x1e7: {  	v62 =	vld [tilespmem:s18+$0x10040];
	[tilespmem:s18+$0x16030] =	vst v8  }
0x1e8: {  	v8 =	vld.idx.msk [tilespmem:v19+s22+$0x0], $0xffff  }
0x1e9: {  	vm0 =	vgt.f32 v9, v10;
	v9 =	vld.idx.msk [tilespmem:v16+s22+$0x0], $0xffff  }
0x1ea: {  	v7 =	vld [tilespmem:s18+$0x11040];
	v10 =	vsel vm0, $0x3F800000, v0  }
0x1eb: {  	[tilespmem:s9+$0x17030] =	vst v10  }
0x1ec: {  	v10 =	vld.idx.msk [tilespmem:v14+s7+$0x0], $0xffff  }
0x1ed: {  	v15 =	vld.idx.msk [tilespmem:v13+s7+$0x0], $0xffff  }
0x1ee: {  	vm0 =	vgt.f32 v8, v9  }
0x1ef: {  	v8 =	vsel vm0, $0x3F800000, v0  }
0x1f0: {  	[tilespmem:s18+$0x17030] =	vst v8  }
0x1f1: {  	vm0 =	vgt.f32 v17, v18;
	v8 =	vld.idx.msk [tilespmem:v62+s7+$0x0], $0xffff  }
0x1f2: {  	v16 =	vsel vm0, $0x3F800000, v0;
	vm0 =	vgt.f32 v10, v15;
	v10 =	vld.idx.msk [tilespmem:v7+s7+$0x0], $0xffff;
	_ =	sdelay $0x1  }
0x1f3: {  	[tilespmem:s17+$0x16040] =	vst v16;
	v16 =	vsel vm0, $0x3F800000, v0  }
0x1f4: {  	[tilespmem:s9+$0x14040] =	vst v16  }
0x1f5: {  	v16 =	vld.idx.msk [tilespmem:v14+s20+$0x0], $0xffff  }
0x1f6: {  	v17 =	vld.idx.msk [tilespmem:v13+s20+$0x0], $0xffff;
	vm0 =	vgt.f32 v8, v10  }
0x1f7: {  	v2 =	vld.idx.msk [tilespmem:v2+s22+$0x0], $0xffff;
	v10 =	vsel vm0, $0x3F800000, v0  }
0x1f8: {  	v1 =	vld.idx.msk [tilespmem:v1+s22+$0x0], $0xffff;
	[tilespmem:s18+$0x14040] =	vst v10  }
0x1f9: {  	v10 =	vld.idx.msk [tilespmem:v62+s20+$0x0], $0xffff  }
0x1fa: {  	v19 =	vld.idx.msk [tilespmem:v7+s20+$0x0], $0xffff  }
0x1fb: {  	vm0 =	vgt.f32 v16, v17  }
0x1fc: {  	v16 =	vsel vm0, $0x3F800000, v0  }
0x1fd: {  	vm0 =	vgt.f32 v2, v1;
	[tilespmem:s9+$0x15040] =	vst v16  }
0x1fe: {  	v1 =	vsel vm0, $0x3F800000, v0;
	v2 =	vld.idx.msk [tilespmem:v14+s21+$0x0], $0xffff  }
0x1ff: {  	[tilespmem:s17+$0x17040] =	vst v1;
	v1 =	vld.idx.msk [tilespmem:v13+s21+$0x0], $0xffff;
	vm0 =	vgt.f32 v10, v19  }
0x200: {  	v17 =	vld.idx.msk [tilespmem:v6+s7+$0x0], $0xffff;
	v16 =	vsel vm0, $0x3F800000, v0  }
0x201: {  	v10 =	vld.idx.msk [tilespmem:v5+s7+$0x0], $0xffff;
	[tilespmem:s18+$0x15040] =	vst v16  }
0x202: {  	v16 =	vld.idx.msk [tilespmem:v62+s21+$0x0], $0xffff  }
0x203: {  	v19 =	vld.idx.msk [tilespmem:v7+s21+$0x0], $0xffff  }
0x204: {  	v9 =	vld [tilespmem:s9+$0x10050];
	vm0 =	vgt.f32 v2, v1  }
0x205: {  	v18 =	vld [tilespmem:s18+$0x10050];
	v1 =	vsel vm0, $0x3F800000, v0  }
0x206: {  	v15 =	vld [tilespmem:s9+$0x11050];
	[tilespmem:s9+$0x16040] =	vst v1;
	vm0 =	vgt.f32 v10, v17  }
0x207: {  	v2 =	vld.idx.msk [tilespmem:v14+s22+$0x0], $0xffff;
	v1 =	vsel vm0, $0x3F800000, v0  }
0x208: {  	[tilespmem:s17+$0x14050] =	vst v1;
	v1 =	vld.idx.msk [tilespmem:v13+s22+$0x0], $0xffff;
	vm0 =	vgt.f32 v16, v19  }
0x209: {  	v10 =	vld.idx.msk [tilespmem:v5+s20+$0x0], $0xffff;
	v13 =	vsel vm0, $0x3F800000, v0  }
0x20a: {  	v14 =	vld.idx.msk [tilespmem:v6+s20+$0x0], $0xffff;
	[tilespmem:s18+$0x16040] =	vst v13  }
0x20b: {  	v13 =	vld.idx.msk [tilespmem:v62+s22+$0x0], $0xffff  }
0x20c: {  	v7 =	vld.idx.msk [tilespmem:v7+s22+$0x0], $0xffff  }
0x20d: {  	v8 =	vld [tilespmem:s18+$0x11050];
	vm0 =	vgt.f32 v2, v1  }
0x20e: {  	v1 =	vsel vm0, $0x3F800000, v0  }
0x20f: {  	vm0 =	vgt.f32 v10, v14;
	[tilespmem:s9+$0x17040] =	vst v1  }
0x210: {  	v1 =	vsel vm0, $0x3F800000, v0;
	v2 =	vld.idx.msk [tilespmem:v9+s7+$0x0], $0xffff  }
0x211: {  	[tilespmem:s17+$0x15050] =	vst v1;
	v1 =	vld.idx.msk [tilespmem:v15+s7+$0x0], $0xffff;
	vm0 =	vgt.f32 v13, v7  }
0x212: {  	v7 =	vld.idx.msk [tilespmem:v5+s21+$0x0], $0xffff;
	v10 =	vsel vm0, $0x3F800000, v0  }
0x213: {  	v13 =	vld.idx.msk [tilespmem:v6+s21+$0x0], $0xffff;
	[tilespmem:s18+$0x17040] =	vst v10  }
0x214: {  	v10 =	vld.idx.msk [tilespmem:v18+s7+$0x0], $0xffff  }
0x215: {  	v14 =	vld.idx.msk [tilespmem:v8+s7+$0x0], $0xffff  }
0x216: {  	vm0 =	vgt.f32 v2, v1  }
0x217: {  	v1 =	vsel vm0, $0x3F800000, v0  }
0x218: {  	[tilespmem:s9+$0x14050] =	vst v1  }
0x219: {  	vm0 =	vgt.f32 v7, v13;
	v1 =	vld.idx.msk [tilespmem:v9+s20+$0x0], $0xffff  }
0x21a: {  	v2 =	vsel vm0, $0x3F800000, v0;
	v7 =	vld.idx.msk [tilespmem:v15+s20+$0x0], $0xffff;
	vm0 =	vgt.f32 v10, v14  }
0x21b: {  	[tilespmem:s17+$0x16050] =	vst v2;
	v2 =	vsel vm0, $0x3F800000, v0  }
0x21c: {  	v5 =	vld.idx.msk [tilespmem:v5+s22+$0x0], $0xffff;
	[tilespmem:s18+$0x14050] =	vst v2  }
0x21d: {  	v2 =	vld.idx.msk [tilespmem:v18+s20+$0x0], $0xffff  }
0x21e: {  	v10 =	vld.idx.msk [tilespmem:v8+s20+$0x0], $0xffff  }
0x21f: {  	v6 =	vld.idx.msk [tilespmem:v6+s22+$0x0], $0xffff;
	vm0 =	vgt.f32 v1, v7  }
0x220: {  	v1 =	vld [tilespmem:s17+$0x10060];
	v7 =	vsel vm0, $0x3F800000, v0  }
0x221: {  	v13 =	vld [tilespmem:s17+$0x11060];
	[tilespmem:s9+$0x15050] =	vst v7  }
0x222: {  	v7 =	vld.idx.msk [tilespmem:v9+s21+$0x0], $0xffff  }
0x223: {  	v14 =	vld.idx.msk [tilespmem:v15+s21+$0x0], $0xffff;
	vm0 =	vgt.f32 v2, v10  }
0x224: {  	v2 =	vsel vm0, $0x3F800000, v0  }
0x225: {  	vm0 =	vgt.f32 v5, v6;
	[tilespmem:s18+$0x15050] =	vst v2  }
0x226: {  	v5 =	vsel vm0, $0x3F800000, v0;
	v2 =	vld.idx.msk [tilespmem:v18+s21+$0x0], $0xffff  }
0x227: {  	v6 =	vld.idx.msk [tilespmem:v8+s21+$0x0], $0xffff;
	[tilespmem:s17+$0x17050] =	vst v5  }
0x228: {  	vm0 =	vgt.f32 v7, v14;
	v5 =	vld.idx.msk [tilespmem:v1+s7+$0x0], $0xffff  }
0x229: {  	v10 =	vld.idx.msk [tilespmem:v13+s7+$0x0], $0xffff;
	v7 =	vsel vm0, $0x3F800000, v0  }
0x22a: {  	v14 =	vld [tilespmem:s9+$0x11060];
	[tilespmem:s9+$0x16050] =	vst v7  }
0x22b: {  	v7 =	vld.idx.msk [tilespmem:v9+s22+$0x0], $0xffff  }
0x22c: {  	v9 =	vld.idx.msk [tilespmem:v15+s22+$0x0], $0xffff;
	vm0 =	vgt.f32 v2, v6  }
0x22d: {  	v2 =	vld [tilespmem:s9+$0x10060];
	v6 =	vsel vm0, $0x3F800000, v0  }
0x22e: {  	v15 =	vld [tilespmem:s18+$0x10060];
	[tilespmem:s18+$0x16050] =	vst v6  }
0x22f: {  	v6 =	vld.idx.msk [tilespmem:v18+s22+$0x0], $0xffff  }
0x230: {  	v8 =	vld.idx.msk [tilespmem:v8+s22+$0x0], $0xffff  }
0x231: {  	vm0 =	vgt.f32 v7, v9;
	v7 =	vld [tilespmem:s18+$0x11060]  }
0x232: {  	v9 =	vsel vm0, $0x3F800000, v0;
	vm0 =	vgt.f32 v5, v10  }
0x233: {  	[tilespmem:s9+$0x17050] =	vst v9;
	v5 =	vsel vm0, $0x3F800000, v0  }
0x234: {  	[tilespmem:s17+$0x14060] =	vst v5;
	v5 =	vld.idx.msk [tilespmem:v14+s7+$0x0], $0xffff  }
0x235: {  	v9 =	vld.idx.msk [tilespmem:v2+s7+$0x0], $0xffff;
	vm0 =	vgt.f32 v6, v8  }
0x236: {  	v6 =	vld.idx.msk [tilespmem:v1+s20+$0x0], $0xffff;
	v8 =	vsel vm0, $0x3F800000, v0  }
0x237: {  	v10 =	vld.idx.msk [tilespmem:v13+s20+$0x0], $0xffff;
	[tilespmem:s18+$0x17050] =	vst v8  }
0x238: {  	v8 =	vld.idx.msk [tilespmem:v15+s7+$0x0], $0xffff  }
0x239: {  	v16 =	vld.idx.msk [tilespmem:v7+s7+$0x0], $0xffff  }
0x23a: {  	vm0 =	vgt.f32 v9, v5  }
0x23b: {  	v5 =	vsel vm0, $0x3F800000, v0  }
0x23c: {  	vm0 =	vgt.f32 v6, v10;
	[tilespmem:s9+$0x14060] =	vst v5  }
0x23d: {  	v5 =	vsel vm0, $0x3F800000, v0;
	v6 =	vld.idx.msk [tilespmem:v2+s20+$0x0], $0xffff  }
0x23e: {  	[tilespmem:s17+$0x15060] =	vst v5;
	v5 =	vld.idx.msk [tilespmem:v14+s20+$0x0], $0xffff;
	vm0 =	vgt.f32 v8, v16  }
0x23f: {  	v8 =	vld.idx.msk [tilespmem:v1+s21+$0x0], $0xffff;
	v9 =	vsel vm0, $0x3F800000, v0  }
0x240: {  	v10 =	vld.idx.msk [tilespmem:v13+s21+$0x0], $0xffff;
	vm0 =	vgt.f32 v11, v12;
	[tilespmem:s18+$0x14060] =	vst v9  }
0x241: {  	v9 =	vsel vm0, $0x3F800000, v0;
	v11 =	vld.idx.msk [tilespmem:v15+s20+$0x0], $0xffff  }
0x242: {  	[tilespmem:s16+$0x16060] =	vst v9;
	v9 =	vld.idx.msk [tilespmem:v7+s20+$0x0], $0xffff  }
0x243: {  	v3 =	vld.idx.msk [tilespmem:v3+s22+$0x0], $0xffff;
	vm0 =	vgt.f32 v6, v5  }
0x244: {  	v4 =	vld.idx.msk [tilespmem:v4+s22+$0x0], $0xffff;
	v5 =	vsel vm0, $0x3F800000, v0  }
0x245: {  	v6 =	vld [tilespmem:s16+$0x10070];
	[tilespmem:s9+$0x15060] =	vst v5  }
0x246: {  	vm0 =	vgt.f32 v8, v10;
	v5 =	vld.idx.msk [tilespmem:v2+s21+$0x0], $0xffff  }
0x247: {  	v8 =	vsel vm0, $0x3F800000, v0;
	v10 =	vld.idx.msk [tilespmem:v14+s21+$0x0], $0xffff;
	vm0 =	vgt.f32 v11, v9  }
0x248: {  	[tilespmem:s17+$0x16060] =	vst v8;
	v9 =	vld [tilespmem:s16+$0x11070];
	v8 =	vsel vm0, $0x3F800000, v0  }
0x249: {  	v1 =	vld.idx.msk [tilespmem:v1+s22+$0x0], $0xffff;
	[tilespmem:s18+$0x15060] =	vst v8  }
0x24a: {  	v8 =	vld.idx.msk [tilespmem:v15+s21+$0x0], $0xffff  }
0x24b: {  	v11 =	vld.idx.msk [tilespmem:v7+s21+$0x0], $0xffff  }
0x24c: {  	v12 =	vld.idx.msk [tilespmem:v13+s22+$0x0], $0xffff;
	vm0 =	vgt.f32 v5, v10  }
0x24d: {  	v13 =	vld [tilespmem:s17+$0x11070];
	v10 =	vsel vm0, $0x3F800000, v0  }
0x24e: {  	v5 =	vld [tilespmem:s17+$0x10070];
	[tilespmem:s9+$0x16060] =	vst v10  }
0x24f: {  	v2 =	vld.idx.msk [tilespmem:v2+s22+$0x0], $0xffff  }
0x250: {  	v10 =	vld.idx.msk [tilespmem:v14+s22+$0x0], $0xffff;
	vm0 =	vgt.f32 v8, v11  }
0x251: {  	v14 =	vld [tilespmem:s9+$0x11070];
	v11 =	vsel vm0, $0x3F800000, v0  }
0x252: {  	v8 =	vld [tilespmem:s9+$0x10070];
	[tilespmem:s18+$0x16060] =	vst v11  }
0x253: {  	v11 =	vld.idx.msk [tilespmem:v15+s22+$0x0], $0xffff  }
0x254: {  	vm0 =	vgt.f32 v3, v4;
	v3 =	vld.idx.msk [tilespmem:v7+s22+$0x0], $0xffff  }
0x255: {  	v4 =	vsel vm0, $0x3F800000, v0;
	v7 =	vld [tilespmem:s18+$0x10070]  }
0x256: {  	vm0 =	vgt.f32 v1, v12;
	v1 =	vld [tilespmem:s18+$0x11070];
	[tilespmem:s16+$0x17060] =	vst v4  }
0x257: {  	v12 =	vsel vm0, $0x3F800000, v0;
	v4 =	vld.idx.msk [tilespmem:v6+s7+$0x0], $0xffff  }
0x258: {  	v15 =	vld.idx.msk [tilespmem:v9+s7+$0x0], $0xffff;
	[tilespmem:s17+$0x17060] =	vst v12;
	vm0 =	vgt.f32 v2, v10  }
0x259: {  	v2 =	vld.idx.msk [tilespmem:v5+s7+$0x0], $0xffff;
	v10 =	vsel vm0, $0x3F800000, v0  }
0x25a: {  	v12 =	vld.idx.msk [tilespmem:v13+s7+$0x0], $0xffff;
	[tilespmem:s9+$0x17060] =	vst v10;
	vm0 =	vgt.f32 v11, v3  }
0x25b: {  	v3 =	vld.idx.msk [tilespmem:v8+s7+$0x0], $0xffff;
	v10 =	vsel vm0, $0x3F800000, v0  }
0x25c: {  	v11 =	vld.idx.msk [tilespmem:v14+s7+$0x0], $0xffff;
	[tilespmem:s18+$0x17060] =	vst v10  }
0x25d: {  	vm0 =	vgt.f32 v4, v15;
	v4 =	vld.idx.msk [tilespmem:v7+s7+$0x0], $0xffff  }
0x25e: {  	v10 =	vsel vm0, $0x3F800000, v0;
	v15 =	vld.idx.msk [tilespmem:v1+s7+$0x0], $0xffff  }
0x25f: {  	vm0 =	vgt.f32 v2, v12;
	[tilespmem:s16+$0x14070] =	vst v10  }
0x260: {  	v10 =	vsel vm0, $0x3F800000, v0;
	v2 =	vld.idx.msk [tilespmem:v6+s20+$0x0], $0xffff  }
0x261: {  	v12 =	vld.idx.msk [tilespmem:v9+s20+$0x0], $0xffff;
	[tilespmem:s17+$0x14070] =	vst v10;
	vm0 =	vgt.f32 v3, v11  }
0x262: {  	v3 =	vld.idx.msk [tilespmem:v5+s20+$0x0], $0xffff;
	v10 =	vsel vm0, $0x3F800000, v0  }
0x263: {  	v11 =	vld.idx.msk [tilespmem:v13+s20+$0x0], $0xffff;
	[tilespmem:s9+$0x14070] =	vst v10;
	vm0 =	vgt.f32 v4, v15  }
0x264: {  	v4 =	vld.idx.msk [tilespmem:v8+s20+$0x0], $0xffff;
	v10 =	vsel vm0, $0x3F800000, v0  }
0x265: {  	v15 =	vld.idx.msk [tilespmem:v14+s20+$0x0], $0xffff;
	[tilespmem:s18+$0x14070] =	vst v10  }
0x266: {  	vm0 =	vgt.f32 v2, v12;
	v2 =	vld.idx.msk [tilespmem:v7+s20+$0x0], $0xffff  }
0x267: {  	v10 =	vsel vm0, $0x3F800000, v0;
	v12 =	vld.idx.msk [tilespmem:v1+s20+$0x0], $0xffff  }
0x268: {  	vm0 =	vgt.f32 v3, v11;
	[tilespmem:s16+$0x15070] =	vst v10  }
0x269: {  	v10 =	vsel vm0, $0x3F800000, v0;
	v3 =	vld.idx.msk [tilespmem:v6+s21+$0x0], $0xffff  }
0x26a: {  	v11 =	vld.idx.msk [tilespmem:v9+s21+$0x0], $0xffff;
	[tilespmem:s17+$0x15070] =	vst v10;
	vm0 =	vgt.f32 v4, v15  }
0x26b: {  	v4 =	vld.idx.msk [tilespmem:v5+s21+$0x0], $0xffff;
	v10 =	vsel vm0, $0x3F800000, v0  }
0x26c: {  	v15 =	vld.idx.msk [tilespmem:v13+s21+$0x0], $0xffff;
	[tilespmem:s9+$0x15070] =	vst v10;
	vm0 =	vgt.f32 v2, v12  }
0x26d: {  	v2 =	vld.idx.msk [tilespmem:v8+s21+$0x0], $0xffff;
	v10 =	vsel vm0, $0x3F800000, v0  }
0x26e: {  	v12 =	vld.idx.msk [tilespmem:v14+s21+$0x0], $0xffff;
	[tilespmem:s18+$0x15070] =	vst v10  }
0x26f: {  	vm0 =	vgt.f32 v3, v11;
	v3 =	vld.idx.msk [tilespmem:v7+s21+$0x0], $0xffff  }
0x270: {  	v10 =	vsel vm0, $0x3F800000, v0;
	v11 =	vld.idx.msk [tilespmem:v1+s21+$0x0], $0xffff  }
0x271: {  	vm0 =	vgt.f32 v4, v15;
	[tilespmem:s16+$0x16070] =	vst v10  }
0x272: {  	v4 =	vld.idx.msk [tilespmem:v6+s22+$0x0], $0xffff;
	v6 =	vsel vm0, $0x3F800000, v0  }
0x273: {  	v9 =	vld.idx.msk [tilespmem:v9+s22+$0x0], $0xffff;
	[tilespmem:s17+$0x16070] =	vst v6;
	vm0 =	vgt.f32 v2, v12  }
0x274: {  	v2 =	vld.idx.msk [tilespmem:v5+s22+$0x0], $0xffff;
	v5 =	vsel vm0, $0x3F800000, v0  }
0x275: {  	v6 =	vld.idx.msk [tilespmem:v13+s22+$0x0], $0xffff;
	[tilespmem:s9+$0x16070] =	vst v5;
	vm0 =	vgt.f32 v3, v11  }
0x276: {  	v3 =	vld.idx.msk [tilespmem:v8+s22+$0x0], $0xffff;
	v5 =	vsel vm0, $0x3F800000, v0  }
0x277: {  	v8 =	vld.idx.msk [tilespmem:v14+s22+$0x0], $0xffff;
	[tilespmem:s18+$0x16070] =	vst v5  }
0x278: {  	v5 =	vld.idx.msk [tilespmem:v7+s22+$0x0], $0xffff  }
0x279: {  	v1 =	vld.idx.msk [tilespmem:v1+s22+$0x0], $0xffff;
	_ =	sdelay $0x1  }
0x27a: {  	vm0 =	vgt.f32 v4, v9  }
0x27b: {  	v4 =	vsel vm0, $0x3F800000, v0;
	vm0 =	vgt.f32 v2, v6  }
0x27c: {  	[tilespmem:s16+$0x17070] =	vst v4;
	v2 =	vsel vm0, $0x3F800000, v0;
	vm0 =	vgt.f32 v3, v8  }
0x27d: {  	s8 =	sor.u32 s11, s15;
	[tilespmem:s17+$0x17070] =	vst v2;
	v2 =	vsel vm0, $0x3F800000, v0;
	vm0 =	vgt.f32 v5, v1  }
0x27e: {  	s16 =	sshrl.u32 s8, $0x3;
	[tilespmem:s9+$0x17070] =	vst v2;
	v1 =	vsel vm0, $0x3F800000, v0  }
0x27f: {  	p2 =	seq.s32 s12, $0x7;
	s8 =	sadd.s32 s3, s16;
	[tilespmem:s18+$0x17070] =	vst v1  }
0x280: {  	[hbm4b:s8+s19] =	stream.strided.scatter [tilespmem:s30], [sflag:$0x4], $0x4000, s20, s19, $0x38;
	[tilespmem:$0x1E000] =	vst v63  }
0x281: {  	s13 =	simm.s32 @!p2 $0x400;
	s8 =	sadd.s32 @!p2 $0x800, s15  }
0x282: {  	s17 =	simm.s32 @!p2 $0x4000;
	s18 =	simm.s32 @!p2 $0x10000;
	s9 =	sadd.s32 @!p2 s8, s4  }
0x283: {  	[tilespmem:s18], [sflag:$0x2] =	stream.strided.gather @!p2 [spmem:s9], $0x1000, s17, s13, $0x38;
	[tilespmem:$0x1E000] =	vst v63  }
0x284: {  	s8 =	sadd.s32 @!p2 s8, s6;
	s9 =	simm.s32 @!p2 $0x11000  }
0x285: {  	[tilespmem:s9], [sflag:$0x2] =	stream.strided.gather @!p2 [spmem:s8], $0x1000, s17, s13, $0x38;
	[tilespmem:$0x1E000] =	vst v63  }
0x286: {  	_ =	swait.ge [sflag:s31], $0x1000  }
0x287: {  	[sflag:s31] =	ssyncset.done $0x0  }
0x288: {  	[sflag:s31] =	ssyncadd.s32 $0xFFFFF000  }
0x289: {  	_ =	swait.ge [sflag:s31], $0x1000  }
0x28a: {  	[sflag:s31] =	ssyncset.done $0x0  }
0x28b: {  	s8 =	simm.s32 @!p1 $0x5;
	[sflag:s31] =	ssyncadd.s32 $0xFFFFF000  }
0x28c: {  	_ =	swait.ge @!p1 [sflag:s8], $0x4000  }
0x28d: {  	[sflag:s8] =	ssyncset.done @!p1 $0x0  }
0x28e: {  	s17 =	simm.s32 $0x0;
	[sflag:s8] =	ssyncadd.s32 @!p1 $0xFFFFC000  }
0x28f: {  	v1 =	vld [tilespmem:s17+$0x12000]  }
0x290: {  	v2 =	vld [tilespmem:s17+$0x13000];
	_ =	sdelay $0x6  }
0x291: {  	v3 =	vld.idx.msk [tilespmem:v1+s7+$0x0], $0xffff  }
0x292: {  	v4 =	vld.idx.msk [tilespmem:v2+s7+$0x0], $0xffff;
	_ =	sdelay $0x4  }
0x293: {  	vm0 =	vgt.f32 v3, v4  }
0x294: {  	v3 =	vsel vm0, $0x3F800000, v0  }
0x295: {  	[tilespmem:s17+$0x18000] =	vst v3  }
0x296: {  	v3 =	vld.idx.msk [tilespmem:v1+s20+$0x0], $0xffff  }
0x297: {  	v4 =	vld.idx.msk [tilespmem:v2+s20+$0x0], $0xffff;
	_ =	sdelay $0x4  }
0x298: {  	vm0 =	vgt.f32 v3, v4  }
0x299: {  	v3 =	vsel vm0, $0x3F800000, v0  }
0x29a: {  	[tilespmem:s17+$0x19000] =	vst v3  }
0x29b: {  	v3 =	vld.idx.msk [tilespmem:v1+s21+$0x0], $0xffff  }
0x29c: {  	v4 =	vld.idx.msk [tilespmem:v2+s21+$0x0], $0xffff;
	_ =	sdelay $0x4  }
0x29d: {  	vm0 =	vgt.f32 v3, v4  }
0x29e: {  	v3 =	vsel vm0, $0x3F800000, v0  }
0x29f: {  	v4 =	vld [tilespmem:s17+$0x12010];
	[tilespmem:s17+$0x1A000] =	vst v3  }
0x2a0: {  	v1 =	vld.idx.msk [tilespmem:v1+s22+$0x0], $0xffff  }
0x2a1: {  	v2 =	vld.idx.msk [tilespmem:v2+s22+$0x0], $0xffff  }
0x2a2: {  	v3 =	vld [tilespmem:s17+$0x13010];
	_ =	sdelay $0x3  }
0x2a3: {  	vm0 =	vgt.f32 v1, v2  }
0x2a4: {  	v1 =	vsel vm0, $0x3F800000, v0  }
0x2a5: {  	[tilespmem:s17+$0x1B000] =	vst v1  }
0x2a6: {  	v1 =	vld.idx.msk [tilespmem:v4+s7+$0x0], $0xffff  }
0x2a7: {  	v2 =	vld.idx.msk [tilespmem:v3+s7+$0x0], $0xffff;
	_ =	sdelay $0x4  }
0x2a8: {  	vm0 =	vgt.f32 v1, v2  }
0x2a9: {  	v1 =	vsel vm0, $0x3F800000, v0  }
0x2aa: {  	[tilespmem:s17+$0x18010] =	vst v1  }
0x2ab: {  	v1 =	vld.idx.msk [tilespmem:v4+s20+$0x0], $0xffff  }
0x2ac: {  	v2 =	vld.idx.msk [tilespmem:v3+s20+$0x0], $0xffff;
	_ =	sdelay $0x4  }
0x2ad: {  	vm0 =	vgt.f32 v1, v2  }
0x2ae: {  	v1 =	vsel vm0, $0x3F800000, v0  }
0x2af: {  	[tilespmem:s17+$0x19010] =	vst v1  }
0x2b0: {  	v1 =	vld.idx.msk [tilespmem:v4+s21+$0x0], $0xffff  }
0x2b1: {  	v5 =	vld.idx.msk [tilespmem:v3+s21+$0x0], $0xffff;
	_ =	sdelay $0x3  }
0x2b2: {  	s9 =	simm.s32 $0x80  }
0x2b3: {  	v7 =	vld [tilespmem:s9+$0x13000];
	vm0 =	vgt.f32 v1, v5  }
0x2b4: {  	v2 =	vld [tilespmem:s17+$0x12020];
	v5 =	vsel vm0, $0x3F800000, v0  }
0x2b5: {  	v1 =	vld [tilespmem:s9+$0x12000];
	[tilespmem:s17+$0x1A010] =	vst v5  }
0x2b6: {  	v4 =	vld.idx.msk [tilespmem:v4+s22+$0x0], $0xffff  }
0x2b7: {  	v3 =	vld.idx.msk [tilespmem:v3+s22+$0x0], $0xffff  }
0x2b8: {  	v6 =	vld [tilespmem:s17+$0x13020];
	_ =	sdelay $0x3  }
0x2b9: {  	v5 =	vld.idx.msk [tilespmem:v7+s7+$0x0], $0xffff;
	vm0 =	vgt.f32 v4, v3  }
0x2ba: {  	v3 =	vld.idx.msk [tilespmem:v1+s7+$0x0], $0xffff;
	v4 =	vsel vm0, $0x3F800000, v0  }
0x2bb: {  	[tilespmem:s17+$0x1B010] =	vst v4  }
0x2bc: {  	v4 =	vld.idx.msk [tilespmem:v2+s7+$0x0], $0xffff  }
0x2bd: {  	v8 =	vld.idx.msk [tilespmem:v6+s7+$0x0], $0xffff;
	_ =	sdelay $0x1  }
0x2be: {  	vm0 =	vgt.f32 v3, v5  }
0x2bf: {  	v3 =	vsel vm0, $0x3F800000, v0  }
0x2c0: {  	[tilespmem:s9+$0x18000] =	vst v3  }
0x2c1: {  	vm0 =	vgt.f32 v4, v8;
	v3 =	vld.idx.msk [tilespmem:v1+s20+$0x0], $0xffff  }
0x2c2: {  	v5 =	vld.idx.msk [tilespmem:v7+s20+$0x0], $0xffff;
	v4 =	vsel vm0, $0x3F800000, v0  }
0x2c3: {  	[tilespmem:s17+$0x18020] =	vst v4  }
0x2c4: {  	v4 =	vld.idx.msk [tilespmem:v2+s20+$0x0], $0xffff  }
0x2c5: {  	v8 =	vld.idx.msk [tilespmem:v6+s20+$0x0], $0xffff;
	_ =	sdelay $0x1  }
0x2c6: {  	vm0 =	vgt.f32 v3, v5  }
0x2c7: {  	v3 =	vsel vm0, $0x3F800000, v0  }
0x2c8: {  	[tilespmem:s9+$0x19000] =	vst v3  }
0x2c9: {  	vm0 =	vgt.f32 v4, v8;
	v4 =	vld.idx.msk [tilespmem:v1+s21+$0x0], $0xffff  }
0x2ca: {  	v9 =	vld.idx.msk [tilespmem:v7+s21+$0x0], $0xffff;
	v8 =	vsel vm0, $0x3F800000, v0  }
0x2cb: {  	[tilespmem:s17+$0x19020] =	vst v8  }
0x2cc: {  	v8 =	vld.idx.msk [tilespmem:v2+s21+$0x0], $0xffff  }
0x2cd: {  	v10 =	vld.idx.msk [tilespmem:v6+s21+$0x0], $0xffff;
	_ =	sdelay $0x1  }
0x2ce: {  	vm0 =	vgt.f32 v4, v9  }
0x2cf: {  	v5 =	vld [tilespmem:s17+$0x12030];
	v4 =	vsel vm0, $0x3F800000, v0  }
0x2d0: {  	v9 =	vld [tilespmem:s9+$0x12010];
	[tilespmem:s9+$0x1A000] =	vst v4  }
0x2d1: {  	vm0 =	vgt.f32 v8, v10;
	v1 =	vld.idx.msk [tilespmem:v1+s22+$0x0], $0xffff  }
0x2d2: {  	v7 =	vld.idx.msk [tilespmem:v7+s22+$0x0], $0xffff;
	v8 =	vsel vm0, $0x3F800000, v0  }
0x2d3: {  	v4 =	vld [tilespmem:s9+$0x13010];
	[tilespmem:s17+$0x1A020] =	vst v8  }
0x2d4: {  	v2 =	vld.idx.msk [tilespmem:v2+s22+$0x0], $0xffff  }
0x2d5: {  	v6 =	vld.idx.msk [tilespmem:v6+s22+$0x0], $0xffff  }
0x2d6: {  	v3 =	vld [tilespmem:s17+$0x13030]  }
0x2d7: {  	vm0 =	vgt.f32 v1, v7  }
0x2d8: {  	v1 =	vsel vm0, $0x3F800000, v0  }
0x2d9: {  	[tilespmem:s9+$0x1B000] =	vst v1  }
0x2da: {  	vm0 =	vgt.f32 v2, v6;
	v1 =	vld.idx.msk [tilespmem:v9+s7+$0x0], $0xffff  }
0x2db: {  	v6 =	vld.idx.msk [tilespmem:v4+s7+$0x0], $0xffff;
	v2 =	vsel vm0, $0x3F800000, v0  }
0x2dc: {  	[tilespmem:s17+$0x1B020] =	vst v2  }
0x2dd: {  	v2 =	vld.idx.msk [tilespmem:v5+s7+$0x0], $0xffff  }
0x2de: {  	v7 =	vld.idx.msk [tilespmem:v3+s7+$0x0], $0xffff;
	_ =	sdelay $0x1  }
0x2df: {  	vm0 =	vgt.f32 v1, v6  }
0x2e0: {  	v1 =	vsel vm0, $0x3F800000, v0  }
0x2e1: {  	[tilespmem:s9+$0x18010] =	vst v1  }
0x2e2: {  	vm0 =	vgt.f32 v2, v7;
	v2 =	vld.idx.msk [tilespmem:v9+s20+$0x0], $0xffff  }
0x2e3: {  	v8 =	vld.idx.msk [tilespmem:v4+s20+$0x0], $0xffff;
	v7 =	vsel vm0, $0x3F800000, v0  }
0x2e4: {  	[tilespmem:s17+$0x18030] =	vst v7  }
0x2e5: {  	v7 =	vld.idx.msk [tilespmem:v5+s20+$0x0], $0xffff  }
0x2e6: {  	v10 =	vld.idx.msk [tilespmem:v3+s20+$0x0], $0xffff;
	_ =	sdelay $0x1  }
0x2e7: {  	vm0 =	vgt.f32 v2, v8  }
0x2e8: {  	v2 =	vsel vm0, $0x3F800000, v0  }
0x2e9: {  	[tilespmem:s9+$0x19010] =	vst v2  }
0x2ea: {  	vm0 =	vgt.f32 v7, v10;
	v2 =	vld.idx.msk [tilespmem:v9+s21+$0x0], $0xffff  }
0x2eb: {  	v10 =	vld.idx.msk [tilespmem:v4+s21+$0x0], $0xffff;
	v7 =	vsel vm0, $0x3F800000, v0  }
0x2ec: {  	[tilespmem:s17+$0x19030] =	vst v7  }
0x2ed: {  	v7 =	vld.idx.msk [tilespmem:v5+s21+$0x0], $0xffff  }
0x2ee: {  	v11 =	vld.idx.msk [tilespmem:v3+s21+$0x0], $0xffff  }
0x2ef: {  	s18 =	simm.s32 $0x100;
	v12 =	vld [tilespmem:s9+$0x13020]  }
0x2f0: {  	v13 =	vld [tilespmem:s18+$0x13000];
	vm0 =	vgt.f32 v2, v10  }
0x2f1: {  	v8 =	vld [tilespmem:s9+$0x12020];
	v10 =	vsel vm0, $0x3F800000, v0  }
0x2f2: {  	v2 =	vld [tilespmem:s18+$0x12000];
	[tilespmem:s9+$0x1A010] =	vst v10  }
0x2f3: {  	vm0 =	vgt.f32 v7, v11;
	v7 =	vld.idx.msk [tilespmem:v9+s22+$0x0], $0xffff  }
0x2f4: {  	v4 =	vld.idx.msk [tilespmem:v4+s22+$0x0], $0xffff;
	v9 =	vsel vm0, $0x3F800000, v0  }
0x2f5: {  	v6 =	vld [tilespmem:s17+$0x12040];
	[tilespmem:s17+$0x1A030] =	vst v9  }
0x2f6: {  	v5 =	vld.idx.msk [tilespmem:v5+s22+$0x0], $0xffff  }
0x2f7: {  	v3 =	vld.idx.msk [tilespmem:v3+s22+$0x0], $0xffff  }
0x2f8: {  	v1 =	vld [tilespmem:s17+$0x13040]  }
0x2f9: {  	vm0 =	vgt.f32 v7, v4  }
0x2fa: {  	v9 =	vld.idx.msk [tilespmem:v13+s7+$0x0], $0xffff;
	v7 =	vsel vm0, $0x3F800000, v0  }
0x2fb: {  	v4 =	vld.idx.msk [tilespmem:v2+s7+$0x0], $0xffff;
	[tilespmem:s9+$0x1B010] =	vst v7  }
0x2fc: {  	vm0 =	vgt.f32 v5, v3;
	v3 =	vld.idx.msk [tilespmem:v8+s7+$0x0], $0xffff  }
0x2fd: {  	v7 =	vld.idx.msk [tilespmem:v12+s7+$0x0], $0xffff;
	v5 =	vsel vm0, $0x3F800000, v0  }
0x2fe: {  	[tilespmem:s17+$0x1B030] =	vst v5  }
0x2ff: {  	v5 =	vld.idx.msk [tilespmem:v6+s7+$0x0], $0xffff  }
0x300: {  	vm0 =	vgt.f32 v4, v9;
	v10 =	vld.idx.msk [tilespmem:v1+s7+$0x0], $0xffff  }
0x301: {  	v4 =	vsel vm0, $0x3F800000, v0  }
0x302: {  	[tilespmem:s18+$0x18000] =	vst v4;
	vm0 =	vgt.f32 v3, v7  }
0x303: {  	v3 =	vld.idx.msk [tilespmem:v2+s20+$0x0], $0xffff;
	v4 =	vsel vm0, $0x3F800000, v0  }
0x304: {  	v7 =	vld.idx.msk [tilespmem:v13+s20+$0x0], $0xffff;
	[tilespmem:s9+$0x18020] =	vst v4  }
0x305: {  	vm0 =	vgt.f32 v5, v10;
	v4 =	vld.idx.msk [tilespmem:v8+s20+$0x0], $0xffff  }
0x306: {  	v10 =	vld.idx.msk [tilespmem:v12+s20+$0x0], $0xffff;
	v5 =	vsel vm0, $0x3F800000, v0  }
0x307: {  	[tilespmem:s17+$0x18040] =	vst v5  }
0x308: {  	v5 =	vld.idx.msk [tilespmem:v6+s20+$0x0], $0xffff  }
0x309: {  	vm0 =	vgt.f32 v3, v7;
	v14 =	vld.idx.msk [tilespmem:v1+s20+$0x0], $0xffff  }
0x30a: {  	v3 =	vsel vm0, $0x3F800000, v0  }
0x30b: {  	v15 =	vld [tilespmem:s9+$0x12030];
	[tilespmem:s18+$0x19000] =	vst v3;
	vm0 =	vgt.f32 v4, v10  }
0x30c: {  	v4 =	vld.idx.msk [tilespmem:v2+s21+$0x0], $0xffff;
	v7 =	vsel vm0, $0x3F800000, v0  }
0x30d: {  	v10 =	vld.idx.msk [tilespmem:v13+s21+$0x0], $0xffff;
	[tilespmem:s9+$0x19020] =	vst v7  }
0x30e: {  	vm0 =	vgt.f32 v5, v14;
	v5 =	vld.idx.msk [tilespmem:v8+s21+$0x0], $0xffff  }
0x30f: {  	v14 =	vld.idx.msk [tilespmem:v12+s21+$0x0], $0xffff;
	v7 =	vsel vm0, $0x3F800000, v0  }
0x310: {  	v9 =	vld [tilespmem:s17+$0x12050];
	[tilespmem:s17+$0x19040] =	vst v7  }
0x311: {  	v7 =	vld.idx.msk [tilespmem:v6+s21+$0x0], $0xffff  }
0x312: {  	vm0 =	vgt.f32 v4, v10;
	v16 =	vld.idx.msk [tilespmem:v1+s21+$0x0], $0xffff  }
0x313: {  	v10 =	vld [tilespmem:s18+$0x12010];
	v4 =	vsel vm0, $0x3F800000, v0  }
0x314: {  	[tilespmem:s18+$0x1A000] =	vst v4;
	v4 =	vld [tilespmem:s18+$0x13010];
	vm0 =	vgt.f32 v5, v14  }
0x315: {  	v2 =	vld.idx.msk [tilespmem:v2+s22+$0x0], $0xffff;
	v5 =	vsel vm0, $0x3F800000, v0  }
0x316: {  	v13 =	vld.idx.msk [tilespmem:v13+s22+$0x0], $0xffff;
	[tilespmem:s9+$0x1A020] =	vst v5  }
0x317: {  	vm0 =	vgt.f32 v7, v16;
	v5 =	vld.idx.msk [tilespmem:v8+s22+$0x0], $0xffff  }
0x318: {  	v8 =	vld.idx.msk [tilespmem:v12+s22+$0x0], $0xffff;
	v7 =	vsel vm0, $0x3F800000, v0  }
0x319: {  	v3 =	vld [tilespmem:s9+$0x13030];
	[tilespmem:s17+$0x1A040] =	vst v7  }
0x31a: {  	v6 =	vld.idx.msk [tilespmem:v6+s22+$0x0], $0xffff  }
0x31b: {  	vm0 =	vgt.f32 v2, v13;
	v1 =	vld.idx.msk [tilespmem:v1+s22+$0x0], $0xffff  }
0x31c: {  	v11 =	vld [tilespmem:s17+$0x13050];
	v2 =	vsel vm0, $0x3F800000, v0  }
0x31d: {  	[tilespmem:s18+$0x1B000] =	vst v2;
	vm0 =	vgt.f32 v5, v8  }
0x31e: {  	v2 =	vld.idx.msk [tilespmem:v10+s7+$0x0], $0xffff;
	v5 =	vsel vm0, $0x3F800000, v0  }
0x31f: {  	v7 =	vld.idx.msk [tilespmem:v4+s7+$0x0], $0xffff;
	[tilespmem:s9+$0x1B020] =	vst v5  }
0x320: {  	vm0 =	vgt.f32 v6, v1;
	v1 =	vld.idx.msk [tilespmem:v15+s7+$0x0], $0xffff  }
0x321: {  	v6 =	vld.idx.msk [tilespmem:v3+s7+$0x0], $0xffff;
	v5 =	vsel vm0, $0x3F800000, v0  }
0x322: {  	[tilespmem:s17+$0x1B040] =	vst v5  }
0x323: {  	v5 =	vld.idx.msk [tilespmem:v9+s7+$0x0], $0xffff  }
0x324: {  	vm0 =	vgt.f32 v2, v7;
	v8 =	vld.idx.msk [tilespmem:v11+s7+$0x0], $0xffff  }
0x325: {  	v7 =	vsel vm0, $0x3F800000, v0  }
0x326: {  	[tilespmem:s18+$0x18010] =	vst v7;
	vm0 =	vgt.f32 v1, v6  }
0x327: {  	v6 =	vld.idx.msk [tilespmem:v10+s20+$0x0], $0xffff;
	v7 =	vsel vm0, $0x3F800000, v0  }
0x328: {  	v12 =	vld.idx.msk [tilespmem:v4+s20+$0x0], $0xffff;
	[tilespmem:s9+$0x18030] =	vst v7  }
0x329: {  	vm0 =	vgt.f32 v5, v8;
	v5 =	vld.idx.msk [tilespmem:v15+s20+$0x0], $0xffff  }
0x32a: {  	v8 =	vld.idx.msk [tilespmem:v3+s20+$0x0], $0xffff  }
0x32b: {  	v2 =	vld [tilespmem:s9+$0x12040];
	v7 =	vsel vm0, $0x3F800000, v0  }
0x32c: {  	v1 =	vld [tilespmem:s9+$0x13040];
	[tilespmem:s17+$0x18050] =	vst v7  }
0x32d: {  	vm0 =	vgt.f32 v6, v12;
	v13 =	vld.idx.msk [tilespmem:v9+s20+$0x0], $0xffff  }
0x32e: {  	v14 =	vld.idx.msk [tilespmem:v11+s20+$0x0], $0xffff;
	v6 =	vsel vm0, $0x3F800000, v0  }
0x32f: {  	v7 =	vld [tilespmem:s18+$0x12020];
	[tilespmem:s18+$0x19010] =	vst v6;
	vm0 =	vgt.f32 v5, v8  }
0x330: {  	v5 =	vld.idx.msk [tilespmem:v10+s21+$0x0], $0xffff;
	v6 =	vsel vm0, $0x3F800000, v0  }
0x331: {  	v12 =	vld.idx.msk [tilespmem:v4+s21+$0x0], $0xffff;
	[tilespmem:s9+$0x19030] =	vst v6  }
0x332: {  	v6 =	vld.idx.msk [tilespmem:v15+s21+$0x0], $0xffff  }
0x333: {  	s23 =	simm.s32 $0x180;
	vm0 =	vgt.f32 v13, v14;
	v16 =	vld.idx.msk [tilespmem:v3+s21+$0x0], $0xffff  }
0x334: {  	v13 =	vld [tilespmem:s23+$0x12000];
	v8 =	vsel vm0, $0x3F800000, v0  }
0x335: {  	v14 =	vld [tilespmem:s23+$0x13000];
	[tilespmem:s17+$0x19050] =	vst v8  }
0x336: {  	vm0 =	vgt.f32 v5, v12;
	v17 =	vld.idx.msk [tilespmem:v9+s21+$0x0], $0xffff  }
0x337: {  	v18 =	vld.idx.msk [tilespmem:v11+s21+$0x0], $0xffff;
	v5 =	vsel vm0, $0x3F800000, v0  }
0x338: {  	v8 =	vld [tilespmem:s18+$0x13020];
	[tilespmem:s18+$0x1A010] =	vst v5;
	vm0 =	vgt.f32 v6, v16  }
0x339: {  	v5 =	vld.idx.msk [tilespmem:v10+s22+$0x0], $0xffff;
	v6 =	vsel vm0, $0x3F800000, v0  }
0x33a: {  	v4 =	vld.idx.msk [tilespmem:v4+s22+$0x0], $0xffff;
	[tilespmem:s9+$0x1A030] =	vst v6  }
0x33b: {  	v6 =	vld.idx.msk [tilespmem:v15+s22+$0x0], $0xffff  }
0x33c: {  	vm0 =	vgt.f32 v17, v18;
	v12 =	vld.idx.msk [tilespmem:v3+s22+$0x0], $0xffff  }
0x33d: {  	v3 =	vld [tilespmem:s17+$0x12060];
	v10 =	vsel vm0, $0x3F800000, v0  }
0x33e: {  	v15 =	vld.idx.msk [tilespmem:v14+s7+$0x0], $0xffff;
	[tilespmem:s17+$0x1A050] =	vst v10  }
0x33f: {  	v9 =	vld.idx.msk [tilespmem:v9+s22+$0x0], $0xffff  }
0x340: {  	v10 =	vld.idx.msk [tilespmem:v11+s22+$0x0], $0xffff  }
0x341: {  	vm0 =	vgt.f32 v5, v4;
	v4 =	vld [tilespmem:s17+$0x13060]  }
0x342: {  	v5 =	vld.idx.msk [tilespmem:v13+s7+$0x0], $0xffff;
	v11 =	vsel vm0, $0x3F800000, v0  }
0x343: {  	[tilespmem:s18+$0x1B010] =	vst v11;
	vm0 =	vgt.f32 v6, v12  }
0x344: {  	v6 =	vld.idx.msk [tilespmem:v7+s7+$0x0], $0xffff;
	v11 =	vsel vm0, $0x3F800000, v0  }
0x345: {  	[tilespmem:s9+$0x1B030] =	vst v11;
	vm0 =	vgt.f32 v9, v10;
	v9 =	vld.idx.msk [tilespmem:v8+s7+$0x0], $0xffff  }
0x346: {  	v11 =	vld.idx.msk [tilespmem:v2+s7+$0x0], $0xffff  }
0x347: {  	v10 =	vsel vm0, $0x3F800000, v0;
	vm0 =	vgt.f32 v5, v15;
	v5 =	vld [tilespmem:s9+$0x12050]  }
0x348: {  	[tilespmem:s17+$0x1B050] =	vst v10;
	v10 =	vld.idx.msk [tilespmem:v1+s7+$0x0], $0xffff  }
0x349: {  	v16 =	vsel vm0, $0x3F800000, v0;
	v12 =	vld.idx.msk [tilespmem:v3+s7+$0x0], $0xffff  }
0x34a: {  	v15 =	vld.idx.msk [tilespmem:v4+s7+$0x0], $0xffff;
	[tilespmem:s23+$0x18000] =	vst v16  }
0x34b: {  	v17 =	vld.idx.msk [tilespmem:v14+s20+$0x0], $0xffff;
	vm0 =	vgt.f32 v6, v9  }
0x34c: {  	v6 =	vld [tilespmem:s9+$0x13050];
	v16 =	vsel vm0, $0x3F800000, v0  }
0x34d: {  	v9 =	vld.idx.msk [tilespmem:v13+s20+$0x0], $0xffff;
	[tilespmem:s18+$0x18020] =	vst v16;
	vm0 =	vgt.f32 v11, v10  }
0x34e: {  	v10 =	vld.idx.msk [tilespmem:v7+s20+$0x0], $0xffff;
	v11 =	vsel vm0, $0x3F800000, v0  }
0x34f: {  	v16 =	vld.idx.msk [tilespmem:v8+s20+$0x0], $0xffff;
	[tilespmem:s9+$0x18040] =	vst v11  }
0x350: {  	vm0 =	vgt.f32 v12, v15;
	v11 =	vld.idx.msk [tilespmem:v2+s20+$0x0], $0xffff  }
0x351: {  	v12 =	vsel vm0, $0x3F800000, v0;
	v15 =	vld.idx.msk [tilespmem:v1+s20+$0x0], $0xffff  }
0x352: {  	[tilespmem:s17+$0x18060] =	vst v12;
	vm0 =	vgt.f32 v9, v17;
	v9 =	vld [tilespmem:s18+$0x12030]  }
0x353: {  	v12 =	vld.idx.msk [tilespmem:v3+s20+$0x0], $0xffff  }
0x354: {  	v17 =	vld.idx.msk [tilespmem:v4+s20+$0x0], $0xffff;
	v18 =	vsel vm0, $0x3F800000, v0  }
0x355: {  	[tilespmem:s23+$0x19000] =	vst v18;
	vm0 =	vgt.f32 v10, v16;
	v10 =	vld [tilespmem:s18+$0x13030]  }
0x356: {  	v16 =	vld.idx.msk [tilespmem:v13+s21+$0x0], $0xffff  }
0x357: {  	v19 =	vld.idx.msk [tilespmem:v14+s21+$0x0], $0xffff;
	v18 =	vsel vm0, $0x3F800000, v0  }
0x358: {  	[tilespmem:s18+$0x19020] =	vst v18;
	vm0 =	vgt.f32 v11, v15;
	v15 =	vld [tilespmem:s23+$0x12010]  }
0x359: {  	v20 =	vld.idx.msk [tilespmem:v7+s21+$0x0], $0xffff;
	v11 =	vsel vm0, $0x3F800000, v0  }
0x35a: {  	v63 =	vld.idx.msk [tilespmem:v8+s21+$0x0], $0xffff;
	vm0 =	vgt.f32 v12, v17;
	[tilespmem:s9+$0x19040] =	vst v11  }
0x35b: {  	v11 =	vsel vm0, $0x3F800000, v0;
	v17 =	vld.idx.msk [tilespmem:v2+s21+$0x0], $0xffff  }
0x35c: {  	v18 =	vld.idx.msk [tilespmem:v1+s21+$0x0], $0xffff;
	[tilespmem:s17+$0x19060] =	vst v11  }
0x35d: {  	vm0 =	vgt.f32 v16, v19;
	v11 =	vld.idx.msk [tilespmem:v3+s21+$0x0], $0xffff  }
0x35e: {  	v16 =	vsel vm0, $0x3F800000, v0;
	v12 =	vld.idx.msk [tilespmem:v4+s21+$0x0], $0xffff  }
0x35f: {  	s8 =	simm.s32 $0x800;
	[tilespmem:s23+$0x1A000] =	vst v16;
	v16 =	vld [tilespmem:s23+$0x13010];
	vm0 =	vgt.f32 v20, v63  }
.LBB2_6:
0x360: {  	p1 =	sne.s32 s8, $0x3E00;
	v13 =	vld.idx.msk [tilespmem:v13+s22+$0x0], $0xffff;
	v19 =	vsel vm0, $0x3F800000, v0  }
0x361: {  	vm0 =	vgt.f32 v17, v18;
	v14 =	vld.idx.msk [tilespmem:v14+s22+$0x0], $0xffff;
	[tilespmem:s18+$0x1A020] =	vst v19  }
0x362: {  	v17 =	vsel vm0, $0x3F800000, v0;
	v7 =	vld.idx.msk [tilespmem:v7+s22+$0x0], $0xffff  }
0x363: {  	vm0 =	vgt.f32 v11, v12;
	v8 =	vld.idx.msk [tilespmem:v8+s22+$0x0], $0xffff;
	[tilespmem:s9+$0x1A040] =	vst v17  }
0x364: {  	v11 =	vsel vm0, $0x3F800000, v0;
	v2 =	vld.idx.msk [tilespmem:v2+s22+$0x0], $0xffff  }
0x365: {  	v1 =	vld.idx.msk [tilespmem:v1+s22+$0x0], $0xffff;
	[tilespmem:s17+$0x1A060] =	vst v11  }
0x366: {  	v3 =	vld.idx.msk [tilespmem:v3+s22+$0x0], $0xffff  }
0x367: {  	vm0 =	vgt.f32 v13, v14;
	v4 =	vld.idx.msk [tilespmem:v4+s22+$0x0], $0xffff  }
0x368: {  	v11 =	vsel vm0, $0x3F800000, v0;
	v12 =	vld [tilespmem:s17+$0x12070]  }
0x369: {  	vm0 =	vgt.f32 v7, v8;
	[tilespmem:s23+$0x1B000] =	vst v11;
	v11 =	vld [tilespmem:s17+$0x13070]  }
0x36a: {  	v8 =	vsel vm0, $0x3F800000, v0;
	v7 =	vld.idx.msk [tilespmem:v15+s7+$0x0], $0xffff  }
0x36b: {  	vm0 =	vgt.f32 v2, v1;
	v13 =	vld.idx.msk [tilespmem:v16+s7+$0x0], $0xffff;
	[tilespmem:s18+$0x1B020] =	vst v8  }
0x36c: {  	v2 =	vsel vm0, $0x3F800000, v0;
	v1 =	vld.idx.msk [tilespmem:v9+s7+$0x0], $0xffff  }
0x36d: {  	vm0 =	vgt.f32 v3, v4;
	v8 =	vld.idx.msk [tilespmem:v10+s7+$0x0], $0xffff;
	[tilespmem:s9+$0x1B040] =	vst v2  }
0x36e: {  	v2 =	vsel vm0, $0x3F800000, v0;
	v3 =	vld.idx.msk [tilespmem:v5+s7+$0x0], $0xffff  }
0x36f: {  	v4 =	vld.idx.msk [tilespmem:v6+s7+$0x0], $0xffff;
	[tilespmem:s17+$0x1B060] =	vst v2  }
0x370: {  	v14 =	vld.idx.msk [tilespmem:v12+s7+$0x0], $0xffff  }
0x371: {  	vm0 =	vgt.f32 v7, v13;
	v7 =	vld.idx.msk [tilespmem:v11+s7+$0x0], $0xffff  }
0x372: {  	v13 =	vsel vm0, $0x3F800000, v0;
	v2 =	vld [tilespmem:s18+$0x12040]  }
0x373: {  	vm0 =	vgt.f32 v1, v8;
	[tilespmem:s23+$0x18010] =	vst v13;
	v1 =	vld [tilespmem:s18+$0x13040]  }
0x374: {  	v13 =	vsel vm0, $0x3F800000, v0;
	v8 =	vld.idx.msk [tilespmem:v15+s20+$0x0], $0xffff  }
0x375: {  	vm0 =	vgt.f32 v3, v4;
	v17 =	vld.idx.msk [tilespmem:v16+s20+$0x0], $0xffff;
	[tilespmem:s18+$0x18030] =	vst v13  }
0x376: {  	v4 =	vsel vm0, $0x3F800000, v0;
	v3 =	vld.idx.msk [tilespmem:v9+s20+$0x0], $0xffff  }
0x377: {  	vm0 =	vgt.f32 v14, v7;
	v13 =	vld.idx.msk [tilespmem:v10+s20+$0x0], $0xffff;
	[tilespmem:s9+$0x18050] =	vst v4  }
0x378: {  	v7 =	vsel vm0, $0x3F800000, v0;
	v4 =	vld.idx.msk [tilespmem:v5+s20+$0x0], $0xffff  }
0x379: {  	v14 =	vld.idx.msk [tilespmem:v6+s20+$0x0], $0xffff;
	[tilespmem:s17+$0x18070] =	vst v7  }
0x37a: {  	v18 =	vld.idx.msk [tilespmem:v12+s20+$0x0], $0xffff  }
0x37b: {  	vm0 =	vgt.f32 v8, v17;
	v17 =	vld.idx.msk [tilespmem:v11+s20+$0x0], $0xffff  }
0x37c: {  	v8 =	vsel vm0, $0x3F800000, v0;
	v7 =	vld [tilespmem:s23+$0x12020]  }
0x37d: {  	vm0 =	vgt.f32 v3, v13;
	[tilespmem:s23+$0x19010] =	vst v8;
	v8 =	vld [tilespmem:s23+$0x13020]  }
0x37e: {  	v13 =	vsel vm0, $0x3F800000, v0;
	v3 =	vld.idx.msk [tilespmem:v15+s21+$0x0], $0xffff  }
0x37f: {  	vm0 =	vgt.f32 v4, v14;
	v19 =	vld.idx.msk [tilespmem:v16+s21+$0x0], $0xffff;
	[tilespmem:s18+$0x19030] =	vst v13  }
0x380: {  	v13 =	vsel vm0, $0x3F800000, v0;
	v4 =	vld.idx.msk [tilespmem:v9+s21+$0x0], $0xffff  }
0x381: {  	vm0 =	vgt.f32 v18, v17;
	v20 =	vld.idx.msk [tilespmem:v10+s21+$0x0], $0xffff;
	[tilespmem:s9+$0x19050] =	vst v13  }
0x382: {  	v13 =	vsel vm0, $0x3F800000, v0;
	v17 =	vld.idx.msk [tilespmem:v5+s21+$0x0], $0xffff  }
0x383: {  	v18 =	vld.idx.msk [tilespmem:v6+s21+$0x0], $0xffff;
	[tilespmem:s17+$0x19070] =	vst v13  }
0x384: {  	v21 =	vld.idx.msk [tilespmem:v12+s21+$0x0], $0xffff  }
0x385: {  	s13 =	sshra.s32 s8, $0x2;
	vm0 =	vgt.f32 v3, v19;
	v3 =	vld.idx.msk [tilespmem:v11+s21+$0x0], $0xffff  }
0x386: {  	v19 =	vsel vm0, $0x3F800000, v0;
	v13 =	vld [tilespmem:s13+$0x12000]  }
0x387: {  	vm0 =	vgt.f32 v4, v20;
	v14 =	vld [tilespmem:s13+$0x13000];
	[tilespmem:s23+$0x1A010] =	vst v19  }
0x388: {  	v4 =	vld.idx.msk [tilespmem:v15+s22+$0x0], $0xffff;
	v15 =	vsel vm0, $0x3F800000, v0  }
0x389: {  	vm0 =	vgt.f32 v17, v18;
	v16 =	vld.idx.msk [tilespmem:v16+s22+$0x0], $0xffff;
	[tilespmem:s18+$0x1A030] =	vst v15  }
0x38a: {  	v15 =	vsel vm0, $0x3F800000, v0;
	v9 =	vld.idx.msk [tilespmem:v9+s22+$0x0], $0xffff  }
0x38b: {  	vm0 =	vgt.f32 v21, v3;
	v10 =	vld.idx.msk [tilespmem:v10+s22+$0x0], $0xffff;
	[tilespmem:s9+$0x1A050] =	vst v15  }
0x38c: {  	v3 =	vsel vm0, $0x3F800000, v0;
	v5 =	vld.idx.msk [tilespmem:v5+s22+$0x0], $0xffff  }
0x38d: {  	v6 =	vld.idx.msk [tilespmem:v6+s22+$0x0], $0xffff;
	[tilespmem:s17+$0x1A070] =	vst v3  }
0x38e: {  	v12 =	vld.idx.msk [tilespmem:v12+s22+$0x0], $0xffff  }
0x38f: {  	v11 =	vld.idx.msk [tilespmem:v11+s22+$0x0], $0xffff  }
0x390: {  	v3 =	vld [tilespmem:s9+$0x12060]  }
0x391: {  	vm0 =	vgt.f32 v4, v16;
	v4 =	vld [tilespmem:s9+$0x13060]  }
0x392: {  	v16 =	vsel vm0, $0x3F800000, v0;
	v15 =	vld.idx.msk [tilespmem:v13+s7+$0x0], $0xffff  }
0x393: {  	vm0 =	vgt.f32 v9, v10;
	v17 =	vld.idx.msk [tilespmem:v14+s7+$0x0], $0xffff;
	[tilespmem:s23+$0x1B010] =	vst v16  }
0x394: {  	v10 =	vsel vm0, $0x3F800000, v0;
	vm0 =	vgt.f32 v5, v6;
	v9 =	vld.idx.msk [tilespmem:v7+s7+$0x0], $0xffff  }
0x395: {  	v5 =	vsel vm0, $0x3F800000, v0;
	vm0 =	vgt.f32 v12, v11;
	v6 =	vld.idx.msk [tilespmem:v8+s7+$0x0], $0xffff;
	[tilespmem:s18+$0x1B030] =	vst v10  }
0x396: {  	v10 =	vld.idx.msk [tilespmem:v2+s7+$0x0], $0xffff;
	[tilespmem:s9+$0x1B050] =	vst v5;
	v5 =	vsel vm0, $0x3F800000, v0  }
0x397: {  	v11 =	vld.idx.msk [tilespmem:v1+s7+$0x0], $0xffff;
	[tilespmem:s17+$0x1B070] =	vst v5;
	s17 =	smov.u32 s9;
	s9 =	smov.u32 s18;
	s18 =	smov.u32 s23  }
0x398: {  	s23 =	smov.u32 s13;
	v12 =	vld.idx.msk [tilespmem:v3+s7+$0x0], $0xffff  }
0x399: {  	vm0 =	vgt.f32 v15, v17;
	v15 =	vld.idx.msk [tilespmem:v4+s7+$0x0], $0xffff  }
0x39a: {  	v16 =	vsel vm0, $0x3F800000, v0;
	v5 =	vld [tilespmem:s9+$0x12050]  }
0x39b: {  	vm0 =	vgt.f32 v9, v6;
	[tilespmem:s23+$0x18000] =	vst v16;
	v6 =	vld [tilespmem:s9+$0x13050]  }
0x39c: {  	v16 =	vsel vm0, $0x3F800000, v0;
	v9 =	vld.idx.msk [tilespmem:v13+s20+$0x0], $0xffff  }
0x39d: {  	vm0 =	vgt.f32 v10, v11;
	v17 =	vld.idx.msk [tilespmem:v14+s20+$0x0], $0xffff;
	[tilespmem:s18+$0x18020] =	vst v16  }
0x39e: {  	v11 =	vsel vm0, $0x3F800000, v0;
	v10 =	vld.idx.msk [tilespmem:v7+s20+$0x0], $0xffff  }
0x39f: {  	vm0 =	vgt.f32 v12, v15;
	v16 =	vld.idx.msk [tilespmem:v8+s20+$0x0], $0xffff;
	[tilespmem:s9+$0x18040] =	vst v11  }
0x3a0: {  	v12 =	vsel vm0, $0x3F800000, v0;
	v11 =	vld.idx.msk [tilespmem:v2+s20+$0x0], $0xffff  }
0x3a1: {  	v15 =	vld.idx.msk [tilespmem:v1+s20+$0x0], $0xffff;
	[tilespmem:s17+$0x18060] =	vst v12  }
0x3a2: {  	v12 =	vld.idx.msk [tilespmem:v3+s20+$0x0], $0xffff  }
0x3a3: {  	vm0 =	vgt.f32 v9, v17;
	v17 =	vld.idx.msk [tilespmem:v4+s20+$0x0], $0xffff  }
0x3a4: {  	v18 =	vsel vm0, $0x3F800000, v0;
	v9 =	vld [tilespmem:s18+$0x12030]  }
0x3a5: {  	vm0 =	vgt.f32 v10, v16;
	[tilespmem:s23+$0x19000] =	vst v18;
	v10 =	vld [tilespmem:s18+$0x13030]  }
0x3a6: {  	v18 =	vsel vm0, $0x3F800000, v0;
	v16 =	vld.idx.msk [tilespmem:v13+s21+$0x0], $0xffff  }
0x3a7: {  	vm0 =	vgt.f32 v11, v15;
	v19 =	vld.idx.msk [tilespmem:v14+s21+$0x0], $0xffff;
	[tilespmem:s18+$0x19020] =	vst v18  }
0x3a8: {  	v11 =	vsel vm0, $0x3F800000, v0;
	v20 =	vld.idx.msk [tilespmem:v7+s21+$0x0], $0xffff  }
0x3a9: {  	vm0 =	vgt.f32 v12, v17;
	v21 =	vld.idx.msk [tilespmem:v8+s21+$0x0], $0xffff;
	[tilespmem:s9+$0x19040] =	vst v11  }
0x3aa: {  	v11 =	vsel vm0, $0x3F800000, v0;
	v17 =	vld.idx.msk [tilespmem:v2+s21+$0x0], $0xffff  }
.Ltmp5:
0x3ab: {  	v18 =	vld.idx.msk [tilespmem:v1+s21+$0x0], $0xffff;
	[tilespmem:s17+$0x19060] =	vst v11;
	(pc) =	sbr.rel @p1 .LBB2_6-.Ltmp5, $4  }
0x3ac: {  	v11 =	vld.idx.msk [tilespmem:v3+s21+$0x0], $0xffff  }
0x3ad: {  	vm0 =	vgt.f32 v16, v19;
	v12 =	vld.idx.msk [tilespmem:v4+s21+$0x0], $0xffff  }
0x3ae: {  	v16 =	vsel vm0, $0x3F800000, v0;
	v15 =	vld [tilespmem:s23+$0x12010]  }
0x3af: {  	s8 =	sadd.s32 $0x200, s8;
	vm0 =	vgt.f32 v20, v21;
	[tilespmem:s23+$0x1A000] =	vst v16;
	v16 =	vld [tilespmem:s23+$0x13010]  }
0x3b0: {  	_ =	sdelay $0x3  }
0x3b1: {  	v13 =	vld.idx.msk [tilespmem:v13+s22+$0x0], $0xffff  }
0x3b2: {  	v14 =	vld.idx.msk [tilespmem:v14+s22+$0x0], $0xffff;
	_ =	sdelay $0x4  }
0x3b3: {  	vm1 =	vgt.f32 v13, v14  }
0x3b4: {  	v13 =	vsel vm1, $0x3F800000, v0  }
0x3b5: {  	[tilespmem:s23+$0x1B000] =	vst v13  }
0x3b6: {  	v13 =	vld.idx.msk [tilespmem:v15+s7+$0x0], $0xffff  }
0x3b7: {  	v43 =	vld.idx.msk [tilespmem:v16+s7+$0x0], $0xffff;
	_ =	sdelay $0x4  }
0x3b8: {  	vm7 =	vgt.f32 v13, v43  }
0x3b9: {  	v13 =	vsel vm7, $0x3F800000, v0  }
0x3ba: {  	[tilespmem:s23+$0x18010] =	vst v13  }
0x3bb: {  	v13 =	vld.idx.msk [tilespmem:v15+s20+$0x0], $0xffff  }
0x3bc: {  	v44 =	vld.idx.msk [tilespmem:v16+s20+$0x0], $0xffff;
	_ =	sdelay $0x4  }
0x3bd: {  	vm8 =	vgt.f32 v13, v44  }
0x3be: {  	v13 =	vsel vm8, $0x3F800000, v0  }
0x3bf: {  	[tilespmem:s23+$0x19010] =	vst v13  }
0x3c0: {  	v13 =	vld.idx.msk [tilespmem:v15+s21+$0x0], $0xffff  }
0x3c1: {  	v19 =	vld.idx.msk [tilespmem:v16+s21+$0x0], $0xffff;
	_ =	sdelay $0x4  }
0x3c2: {  	vm9 =	vgt.f32 v13, v19  }
0x3c3: {  	v19 =	vsel vm9, $0x3F800000, v0  }
0x3c4: {  	v45 =	vld [tilespmem:s23+$0x12020];
	[tilespmem:s23+$0x1A010] =	vst v19  }
0x3c5: {  	v47 =	vld.idx.msk [tilespmem:v15+s22+$0x0], $0xffff  }
0x3c6: {  	v48 =	vld.idx.msk [tilespmem:v16+s22+$0x0], $0xffff  }
0x3c7: {  	v46 =	vld [tilespmem:s23+$0x13020];
	_ =	sdelay $0x3  }
0x3c8: {  	vm10 =	vgt.f32 v47, v48  }
0x3c9: {  	v15 =	vsel vm10, $0x3F800000, v0  }
0x3ca: {  	[tilespmem:s23+$0x1B010] =	vst v15  }
0x3cb: {  	v15 =	vld.idx.msk [tilespmem:v45+s7+$0x0], $0xffff  }
0x3cc: {  	v49 =	vld.idx.msk [tilespmem:v46+s7+$0x0], $0xffff;
	_ =	sdelay $0x4  }
0x3cd: {  	vm11 =	vgt.f32 v15, v49  }
0x3ce: {  	v15 =	vsel vm11, $0x3F800000, v0  }
0x3cf: {  	[tilespmem:s23+$0x18020] =	vst v15  }
0x3d0: {  	v15 =	vld.idx.msk [tilespmem:v45+s20+$0x0], $0xffff  }
0x3d1: {  	v50 =	vld.idx.msk [tilespmem:v46+s20+$0x0], $0xffff;
	_ =	sdelay $0x4  }
0x3d2: {  	vm12 =	vgt.f32 v15, v50  }
0x3d3: {  	v15 =	vsel vm12, $0x3F800000, v0  }
0x3d4: {  	[tilespmem:s23+$0x19020] =	vst v15  }
0x3d5: {  	v15 =	vld.idx.msk [tilespmem:v45+s21+$0x0], $0xffff  }
0x3d6: {  	v20 =	vld.idx.msk [tilespmem:v46+s21+$0x0], $0xffff;
	_ =	sdelay $0x1  }
0x3d7: {  	v21 =	vsel vm0, $0x3F800000, v0  }
0x3d8: {  	[tilespmem:s18+$0x1A020] =	vst v21  }
0x3d9: {  	v7 =	vld.idx.msk [tilespmem:v7+s22+$0x0], $0xffff  }
0x3da: {  	v8 =	vld.idx.msk [tilespmem:v8+s22+$0x0], $0xffff;
	vm13 =	vgt.f32 v15, v20  }
0x3db: {  	v15 =	vsel vm13, $0x3F800000, v0  }
0x3dc: {  	v51 =	vld [tilespmem:s23+$0x12030];
	[tilespmem:s23+$0x1A020] =	vst v15  }
0x3dd: {  	v14 =	vld.idx.msk [tilespmem:v45+s22+$0x0], $0xffff  }
0x3de: {  	v53 =	vld.idx.msk [tilespmem:v46+s22+$0x0], $0xffff  }
0x3df: {  	v52 =	vld [tilespmem:s23+$0x13030];
	vm14 =	vgt.f32 v7, v8  }
0x3e0: {  	v8 =	vsel vm14, $0x3F800000, v0  }
0x3e1: {  	[tilespmem:s18+$0x1B020] =	vst v8  }
0x3e2: {  	v8 =	vld.idx.msk [tilespmem:v9+s7+$0x0], $0xffff  }
0x3e3: {  	v54 =	vld.idx.msk [tilespmem:v10+s7+$0x0], $0xffff;
	vm15 =	vgt.f32 v14, v53  }
0x3e4: {  	v7 =	vsel vm15, $0x3F800000, v0  }
0x3e5: {  	[tilespmem:s23+$0x1B020] =	vst v7  }
0x3e6: {  	v7 =	vld.idx.msk [tilespmem:v51+s7+$0x0], $0xffff  }
0x3e7: {  	v56 =	vld.idx.msk [tilespmem:v52+s7+$0x0], $0xffff  }
0x3e8: {  	vm4 =	vgt.f32 v8, v54  }
0x3e9: {  	v58 =	vsel vm4, $0x3F800000, v0  }
0x3ea: {  	[tilespmem:s18+$0x18030] =	vst v58  }
0x3eb: {  	v59 =	vld.idx.msk [tilespmem:v10+s20+$0x0], $0xffff  }
0x3ec: {  	v15 =	vld.idx.msk [tilespmem:v9+s20+$0x0], $0xffff;
	vm5 =	vgt.f32 v7, v56  }
0x3ed: {  	v8 =	vsel vm5, $0x3F800000, v0  }
0x3ee: {  	[tilespmem:s23+$0x18030] =	vst v8  }
0x3ef: {  	v8 =	vld.idx.msk [tilespmem:v51+s20+$0x0], $0xffff  }
0x3f0: {  	v62 =	vld.idx.msk [tilespmem:v52+s20+$0x0], $0xffff  }
0x3f1: {  	vm6 =	vgt.f32 v15, v59  }
0x3f2: {  	v20 =	vsel vm6, $0x3F800000, v0  }
0x3f3: {  	[tilespmem:s18+$0x19030] =	vst v20  }
0x3f4: {  	v20 =	vld.idx.msk [tilespmem:v9+s21+$0x0], $0xffff  }
0x3f5: {  	v22 =	vld.idx.msk [tilespmem:v10+s21+$0x0], $0xffff;
	vm7 =	vgt.f32 v8, v62  }
0x3f6: {  	v8 =	vsel vm7, $0x3F800000, v0  }
0x3f7: {  	[tilespmem:s23+$0x19030] =	vst v8  }
0x3f8: {  	v8 =	vld.idx.msk [tilespmem:v51+s21+$0x0], $0xffff  }
0x3f9: {  	v63 =	vld.idx.msk [tilespmem:v52+s21+$0x0], $0xffff  }
0x3fa: {  	vm8 =	vgt.f32 v20, v22  }
0x3fb: {  	v20 =	vsel vm8, $0x3F800000, v0  }
0x3fc: {  	v55 =	vld [tilespmem:s18+$0x12040];
	[tilespmem:s18+$0x1A030] =	vst v20  }
0x3fd: {  	v22 =	vld.idx.msk [tilespmem:v9+s22+$0x0], $0xffff  }
0x3fe: {  	v23 =	vld.idx.msk [tilespmem:v10+s22+$0x0], $0xffff;
	vm9 =	vgt.f32 v8, v63  }
0x3ff: {  	v57 =	vld [tilespmem:s18+$0x13040];
	v8 =	vsel vm9, $0x3F800000, v0  }
0x400: {  	v60 =	vld [tilespmem:s23+$0x12040];
	[tilespmem:s23+$0x1A030] =	vst v8  }
0x401: {  	v8 =	vld.idx.msk [tilespmem:v51+s22+$0x0], $0xffff  }
0x402: {  	v24 =	vld.idx.msk [tilespmem:v52+s22+$0x0], $0xffff  }
0x403: {  	v61 =	vld [tilespmem:s23+$0x13040];
	vm10 =	vgt.f32 v22, v23  }
0x404: {  	v10 =	vsel vm10, $0x3F800000, v0  }
0x405: {  	[tilespmem:s18+$0x1B030] =	vst v10  }
0x406: {  	v10 =	vld.idx.msk [tilespmem:v55+s7+$0x0], $0xffff  }
0x407: {  	v25 =	vld.idx.msk [tilespmem:v57+s7+$0x0], $0xffff;
	vm11 =	vgt.f32 v8, v24  }
0x408: {  	v8 =	vsel vm11, $0x3F800000, v0  }
0x409: {  	[tilespmem:s23+$0x1B030] =	vst v8  }
0x40a: {  	v8 =	vld.idx.msk [tilespmem:v60+s7+$0x0], $0xffff  }
0x40b: {  	v28 =	vld.idx.msk [tilespmem:v61+s7+$0x0], $0xffff  }
0x40c: {  	vm13 =	vgt.f32 v10, v25  }
0x40d: {  	v30 =	vsel vm13, $0x3F800000, v0  }
0x40e: {  	vm12 =	vgt.f32 v17, v18;
	[tilespmem:s18+$0x18040] =	vst v30  }
0x40f: {  	v27 =	vsel vm12, $0x3F800000, v0;
	v16 =	vld.idx.msk [tilespmem:v55+s20+$0x0], $0xffff  }
0x410: {  	[tilespmem:s9+$0x1A040] =	vst v27;
	v31 =	vld.idx.msk [tilespmem:v57+s20+$0x0], $0xffff;
	vm14 =	vgt.f32 v8, v28  }
0x411: {  	v2 =	vld.idx.msk [tilespmem:v2+s22+$0x0], $0xffff;
	v10 =	vsel vm14, $0x3F800000, v0  }
0x412: {  	v1 =	vld.idx.msk [tilespmem:v1+s22+$0x0], $0xffff;
	[tilespmem:s23+$0x18040] =	vst v10  }
0x413: {  	v10 =	vld.idx.msk [tilespmem:v60+s20+$0x0], $0xffff  }
0x414: {  	v34 =	vld.idx.msk [tilespmem:v61+s20+$0x0], $0xffff  }
0x415: {  	vm15 =	vgt.f32 v16, v31  }
0x416: {  	v16 =	vsel vm15, $0x3F800000, v0  }
0x417: {  	vm4 =	vgt.f32 v2, v1;
	[tilespmem:s18+$0x19040] =	vst v16  }
0x418: {  	v1 =	vsel vm4, $0x3F800000, v0;
	v2 =	vld.idx.msk [tilespmem:v55+s21+$0x0], $0xffff  }
0x419: {  	[tilespmem:s9+$0x1B040] =	vst v1;
	v1 =	vld.idx.msk [tilespmem:v57+s21+$0x0], $0xffff;
	vm5 =	vgt.f32 v10, v34  }
0x41a: {  	v35 =	vld.idx.msk [tilespmem:v5+s7+$0x0], $0xffff;
	v36 =	vsel vm5, $0x3F800000, v0  }
0x41b: {  	v37 =	vld.idx.msk [tilespmem:v6+s7+$0x0], $0xffff;
	[tilespmem:s23+$0x19040] =	vst v36  }
0x41c: {  	v16 =	vld.idx.msk [tilespmem:v60+s21+$0x0], $0xffff  }
0x41d: {  	v38 =	vld.idx.msk [tilespmem:v61+s21+$0x0], $0xffff  }
0x41e: {  	v26 =	vld [tilespmem:s18+$0x12050];
	vm6 =	vgt.f32 v2, v1  }
0x41f: {  	v29 =	vld [tilespmem:s18+$0x13050];
	v1 =	vsel vm6, $0x3F800000, v0  }
0x420: {  	v32 =	vld [tilespmem:s23+$0x12050];
	vm7 =	vgt.f32 v35, v37;
	[tilespmem:s18+$0x1A040] =	vst v1  }
0x421: {  	v1 =	vsel vm7, $0x3F800000, v0;
	v2 =	vld.idx.msk [tilespmem:v55+s22+$0x0], $0xffff  }
0x422: {  	[tilespmem:s9+$0x18050] =	vst v1;
	v1 =	vld.idx.msk [tilespmem:v57+s22+$0x0], $0xffff;
	vm8 =	vgt.f32 v16, v38  }
0x423: {  	v39 =	vld.idx.msk [tilespmem:v5+s20+$0x0], $0xffff;
	v40 =	vsel vm8, $0x3F800000, v0  }
0x424: {  	v41 =	vld.idx.msk [tilespmem:v6+s20+$0x0], $0xffff;
	[tilespmem:s23+$0x1A040] =	vst v40  }
0x425: {  	v13 =	vld.idx.msk [tilespmem:v60+s22+$0x0], $0xffff  }
0x426: {  	v7 =	vld.idx.msk [tilespmem:v61+s22+$0x0], $0xffff  }
0x427: {  	v33 =	vld [tilespmem:s23+$0x13050];
	vm9 =	vgt.f32 v2, v1  }
0x428: {  	v1 =	vsel vm9, $0x3F800000, v0  }
0x429: {  	vm10 =	vgt.f32 v39, v41;
	[tilespmem:s18+$0x1B040] =	vst v1  }
0x42a: {  	v1 =	vsel vm10, $0x3F800000, v0;
	v2 =	vld.idx.msk [tilespmem:v26+s7+$0x0], $0xffff  }
0x42b: {  	[tilespmem:s9+$0x19050] =	vst v1;
	v1 =	vld.idx.msk [tilespmem:v29+s7+$0x0], $0xffff;
	vm11 =	vgt.f32 v13, v7  }
0x42c: {  	v42 =	vld.idx.msk [tilespmem:v5+s21+$0x0], $0xffff;
	v43 =	vsel vm11, $0x3F800000, v0  }
0x42d: {  	v44 =	vld.idx.msk [tilespmem:v6+s21+$0x0], $0xffff;
	[tilespmem:s23+$0x1B040] =	vst v43  }
0x42e: {  	v10 =	vld.idx.msk [tilespmem:v32+s7+$0x0], $0xffff  }
0x42f: {  	v45 =	vld.idx.msk [tilespmem:v33+s7+$0x0], $0xffff;
	_ =	sdelay $0x1  }
0x430: {  	vm12 =	vgt.f32 v2, v1  }
0x431: {  	v1 =	vsel vm12, $0x3F800000, v0  }
0x432: {  	vm13 =	vgt.f32 v42, v44;
	[tilespmem:s18+$0x18050] =	vst v1  }
0x433: {  	v2 =	vsel vm13, $0x3F800000, v0;
	v1 =	vld.idx.msk [tilespmem:v26+s20+$0x0], $0xffff;
	vm14 =	vgt.f32 v10, v45  }
0x434: {  	v46 =	vld.idx.msk [tilespmem:v29+s20+$0x0], $0xffff;
	[tilespmem:s9+$0x1A050] =	vst v2;
	v2 =	vsel vm14, $0x3F800000, v0  }
0x435: {  	[tilespmem:s23+$0x18050] =	vst v2  }
0x436: {  	v2 =	vld.idx.msk [tilespmem:v32+s20+$0x0], $0xffff  }
0x437: {  	v48 =	vld.idx.msk [tilespmem:v33+s20+$0x0], $0xffff  }
0x438: {  	v50 =	vld [tilespmem:s9+$0x13060]  }
0x439: {  	v47 =	vld.idx.msk [tilespmem:v5+s22+$0x0], $0xffff;
	vm15 =	vgt.f32 v1, v46  }
0x43a: {  	v49 =	vld.idx.msk [tilespmem:v6+s22+$0x0], $0xffff;
	v7 =	vsel vm15, $0x3F800000, v0  }
0x43b: {  	v1 =	vld [tilespmem:s9+$0x12060];
	[tilespmem:s18+$0x19050] =	vst v7  }
0x43c: {  	v7 =	vld.idx.msk [tilespmem:v26+s21+$0x0], $0xffff;
	vm4 =	vgt.f32 v2, v48  }
0x43d: {  	v51 =	vld.idx.msk [tilespmem:v29+s21+$0x0], $0xffff;
	v2 =	vsel vm4, $0x3F800000, v0  }
0x43e: {  	[tilespmem:s23+$0x19050] =	vst v2  }
0x43f: {  	v2 =	vld.idx.msk [tilespmem:v32+s21+$0x0], $0xffff  }
0x440: {  	vm5 =	vgt.f32 v47, v49;
	v52 =	vld.idx.msk [tilespmem:v33+s21+$0x0], $0xffff  }
0x441: {  	v56 =	vld [tilespmem:s23+$0x12060];
	v5 =	vsel vm5, $0x3F800000, v0  }
0x442: {  	v55 =	vld [tilespmem:s18+$0x13060];
	[tilespmem:s9+$0x1B050] =	vst v5;
	vm6 =	vgt.f32 v7, v51  }
0x443: {  	v53 =	vld.idx.msk [tilespmem:v50+s7+$0x0], $0xffff;
	v7 =	vsel vm6, $0x3F800000, v0  }
0x444: {  	v5 =	vld.idx.msk [tilespmem:v1+s7+$0x0], $0xffff;
	[tilespmem:s18+$0x1A050] =	vst v7  }
0x445: {  	v7 =	vld.idx.msk [tilespmem:v26+s22+$0x0], $0xffff;
	vm7 =	vgt.f32 v2, v52  }
0x446: {  	v54 =	vld.idx.msk [tilespmem:v29+s22+$0x0], $0xffff;
	v6 =	vsel vm7, $0x3F800000, v0  }
0x447: {  	v2 =	vld [tilespmem:s18+$0x12060];
	[tilespmem:s23+$0x1A050] =	vst v6  }
0x448: {  	v6 =	vld.idx.msk [tilespmem:v32+s22+$0x0], $0xffff  }
0x449: {  	v8 =	vld.idx.msk [tilespmem:v33+s22+$0x0], $0xffff  }
0x44a: {  	v57 =	vld [tilespmem:s23+$0x13060];
	vm9 =	vgt.f32 v5, v53  }
0x44b: {  	v5 =	vsel vm9, $0x3F800000, v0  }
0x44c: {  	[tilespmem:s9+$0x18060] =	vst v5;
	vm8 =	vgt.f32 v7, v54  }
0x44d: {  	v59 =	vld.idx.msk [tilespmem:v1+s20+$0x0], $0xffff;
	v9 =	vsel vm8, $0x3F800000, v0  }
0x44e: {  	v60 =	vld.idx.msk [tilespmem:v50+s20+$0x0], $0xffff;
	[tilespmem:s18+$0x1B050] =	vst v9;
	vm10 =	vgt.f32 v6, v8  }
0x44f: {  	v58 =	vld.idx.msk [tilespmem:v55+s7+$0x0], $0xffff;
	v8 =	vsel vm10, $0x3F800000, v0  }
0x450: {  	v9 =	vld.idx.msk [tilespmem:v2+s7+$0x0], $0xffff;
	[tilespmem:s23+$0x1B050] =	vst v8  }
0x451: {  	v8 =	vld.idx.msk [tilespmem:v56+s7+$0x0], $0xffff  }
0x452: {  	v61 =	vld.idx.msk [tilespmem:v57+s7+$0x0], $0xffff;
	_ =	sdelay $0x1  }
0x453: {  	vm12 =	vgt.f32 v59, v60  }
0x454: {  	v30 =	vld [tilespmem:s9+$0x12070];
	v62 =	vsel vm12, $0x3F800000, v0;
	vm11 =	vgt.f32 v9, v58  }
0x455: {  	v31 =	vld [tilespmem:s9+$0x13070];
	[tilespmem:s9+$0x19060] =	vst v62;
	v5 =	vsel vm11, $0x3F800000, v0  }
0x456: {  	v18 =	vld.idx.msk [tilespmem:v1+s21+$0x0], $0xffff;
	[tilespmem:s18+$0x18060] =	vst v5;
	vm13 =	vgt.f32 v8, v61  }
0x457: {  	v63 =	vld.idx.msk [tilespmem:v2+s20+$0x0], $0xffff;
	v19 =	vsel vm13, $0x3F800000, v0  }
0x458: {  	v17 =	vld.idx.msk [tilespmem:v55+s20+$0x0], $0xffff;
	[tilespmem:s23+$0x18060] =	vst v19  }
0x459: {  	v22 =	vld.idx.msk [tilespmem:v56+s20+$0x0], $0xffff  }
0x45a: {  	v23 =	vld.idx.msk [tilespmem:v57+s20+$0x0], $0xffff  }
0x45b: {  	v20 =	vld.idx.msk [tilespmem:v50+s21+$0x0], $0xffff  }
0x45c: {  	v24 =	vld [tilespmem:s17+$0x12070];
	vm14 =	vgt.f32 v11, v12  }
0x45d: {  	v34 =	vld [tilespmem:s23+$0x12070];
	v21 =	vsel vm14, $0x3F800000, v0;
	vm15 =	vgt.f32 v63, v17  }
0x45e: {  	v26 =	vld [tilespmem:s17+$0x13070];
	[tilespmem:s17+$0x1A060] =	vst v21;
	v5 =	vsel vm15, $0x3F800000, v0  }
0x45f: {  	v3 =	vld.idx.msk [tilespmem:v3+s22+$0x0], $0xffff;
	[tilespmem:s18+$0x19060] =	vst v5;
	vm5 =	vgt.f32 v22, v23  }
0x460: {  	vm4 =	vgt.f32 v18, v20;
	v5 =	vld.idx.msk [tilespmem:v2+s21+$0x0], $0xffff;
	v27 =	vsel vm5, $0x3F800000, v0  }
0x461: {  	v8 =	vsel vm4, $0x3F800000, v0;
	v25 =	vld.idx.msk [tilespmem:v55+s21+$0x0], $0xffff;
	[tilespmem:s23+$0x19060] =	vst v27  }
0x462: {  	[tilespmem:s9+$0x1A060] =	vst v8;
	v8 =	vld.idx.msk [tilespmem:v56+s21+$0x0], $0xffff  }
0x463: {  	v28 =	vld.idx.msk [tilespmem:v57+s21+$0x0], $0xffff  }
0x464: {  	v4 =	vld.idx.msk [tilespmem:v4+s22+$0x0], $0xffff  }
0x465: {  	v32 =	vld [tilespmem:s18+$0x12070]  }
0x466: {  	v33 =	vld [tilespmem:s18+$0x13070];
	vm6 =	vgt.f32 v5, v25  }
0x467: {  	v1 =	vld.idx.msk [tilespmem:v1+s22+$0x0], $0xffff;
	v10 =	vsel vm6, $0x3F800000, v0  }
0x468: {  	v29 =	vld.idx.msk [tilespmem:v50+s22+$0x0], $0xffff;
	[tilespmem:s18+$0x1A060] =	vst v10;
	vm7 =	vgt.f32 v8, v28  }
0x469: {  	v2 =	vld.idx.msk [tilespmem:v2+s22+$0x0], $0xffff;
	v11 =	vsel vm7, $0x3F800000, v0  }
0x46a: {  	v10 =	vld.idx.msk [tilespmem:v55+s22+$0x0], $0xffff;
	[tilespmem:s23+$0x1A060] =	vst v11  }
0x46b: {  	vm8 =	vgt.f32 v3, v4;
	v11 =	vld.idx.msk [tilespmem:v56+s22+$0x0], $0xffff  }
0x46c: {  	v4 =	vsel vm8, $0x3F800000, v0;
	v3 =	vld.idx.msk [tilespmem:v57+s22+$0x0], $0xffff  }
0x46d: {  	[tilespmem:s17+$0x1B060] =	vst v4;
	vm9 =	vgt.f32 v1, v29;
	v1 =	vld [tilespmem:s23+$0x13070]  }
0x46e: {  	v4 =	vld.idx.msk [tilespmem:v24+s7+$0x0], $0xffff;
	v12 =	vsel vm9, $0x3F800000, v0  }
0x46f: {  	v35 =	vld.idx.msk [tilespmem:v26+s7+$0x0], $0xffff;
	[tilespmem:s9+$0x1B060] =	vst v12;
	vm10 =	vgt.f32 v2, v10  }
0x470: {  	v12 =	vld.idx.msk [tilespmem:v31+s7+$0x0], $0xffff;
	v10 =	vsel vm10, $0x3F800000, v0  }
0x471: {  	v2 =	vld.idx.msk [tilespmem:v30+s7+$0x0], $0xffff;
	[tilespmem:s18+$0x1B060] =	vst v10;
	vm11 =	vgt.f32 v11, v3  }
0x472: {  	v3 =	vld.idx.msk [tilespmem:v32+s7+$0x0], $0xffff;
	v36 =	vsel vm11, $0x3F800000, v0  }
0x473: {  	v37 =	vld.idx.msk [tilespmem:v33+s7+$0x0], $0xffff;
	[tilespmem:s23+$0x1B060] =	vst v36  }
0x474: {  	vm12 =	vgt.f32 v4, v35;
	v38 =	vld.idx.msk [tilespmem:v34+s7+$0x0], $0xffff  }
0x475: {  	v39 =	vsel vm12, $0x3F800000, v0;
	v40 =	vld.idx.msk [tilespmem:v1+s7+$0x0], $0xffff  }
0x476: {  	[tilespmem:s17+$0x18070] =	vst v39;
	vm13 =	vgt.f32 v2, v12  }
0x477: {  	v42 =	vld.idx.msk [tilespmem:v26+s20+$0x0], $0xffff;
	v41 =	vsel vm13, $0x3F800000, v0  }
0x478: {  	v2 =	vld.idx.msk [tilespmem:v24+s20+$0x0], $0xffff;
	[tilespmem:s9+$0x18070] =	vst v41;
	vm14 =	vgt.f32 v3, v37  }
0x479: {  	v3 =	vld.idx.msk [tilespmem:v30+s20+$0x0], $0xffff;
	v43 =	vsel vm14, $0x3F800000, v0  }
0x47a: {  	v44 =	vld.idx.msk [tilespmem:v31+s20+$0x0], $0xffff;
	[tilespmem:s18+$0x18070] =	vst v43;
	vm15 =	vgt.f32 v38, v40  }
0x47b: {  	v45 =	vld.idx.msk [tilespmem:v32+s20+$0x0], $0xffff;
	v46 =	vsel vm15, $0x3F800000, v0  }
0x47c: {  	v47 =	vld.idx.msk [tilespmem:v33+s20+$0x0], $0xffff;
	[tilespmem:s23+$0x18070] =	vst v46  }
0x47d: {  	vm4 =	vgt.f32 v2, v42;
	v2 =	vld.idx.msk [tilespmem:v34+s20+$0x0], $0xffff  }
0x47e: {  	v48 =	vsel vm4, $0x3F800000, v0;
	v49 =	vld.idx.msk [tilespmem:v1+s20+$0x0], $0xffff  }
0x47f: {  	[tilespmem:s17+$0x19070] =	vst v48;
	vm5 =	vgt.f32 v3, v44  }
0x480: {  	v3 =	vld.idx.msk [tilespmem:v24+s21+$0x0], $0xffff;
	v50 =	vsel vm5, $0x3F800000, v0  }
0x481: {  	v51 =	vld.idx.msk [tilespmem:v26+s21+$0x0], $0xffff;
	[tilespmem:s9+$0x19070] =	vst v50;
	vm6 =	vgt.f32 v45, v47  }
0x482: {  	v52 =	vld.idx.msk [tilespmem:v30+s21+$0x0], $0xffff;
	v53 =	vsel vm6, $0x3F800000, v0  }
0x483: {  	v54 =	vld.idx.msk [tilespmem:v31+s21+$0x0], $0xffff;
	[tilespmem:s18+$0x19070] =	vst v53;
	vm7 =	vgt.f32 v2, v49  }
0x484: {  	v2 =	vld.idx.msk [tilespmem:v32+s21+$0x0], $0xffff;
	v55 =	vsel vm7, $0x3F800000, v0  }
0x485: {  	v56 =	vld.idx.msk [tilespmem:v33+s21+$0x0], $0xffff;
	[tilespmem:s23+$0x19070] =	vst v55  }
0x486: {  	vm8 =	vgt.f32 v3, v51;
	v3 =	vld.idx.msk [tilespmem:v34+s21+$0x0], $0xffff  }
0x487: {  	v57 =	vsel vm8, $0x3F800000, v0;
	v58 =	vld.idx.msk [tilespmem:v1+s21+$0x0], $0xffff  }
0x488: {  	[tilespmem:s17+$0x1A070] =	vst v57;
	vm9 =	vgt.f32 v52, v54  }
0x489: {  	v59 =	vld.idx.msk [tilespmem:v24+s22+$0x0], $0xffff;
	v60 =	vsel vm9, $0x3F800000, v0  }
0x48a: {  	v9 =	vld.idx.msk [tilespmem:v26+s22+$0x0], $0xffff;
	[tilespmem:s9+$0x1A070] =	vst v60;
	vm10 =	vgt.f32 v2, v56  }
0x48b: {  	v2 =	vld.idx.msk [tilespmem:v30+s22+$0x0], $0xffff;
	v61 =	vsel vm10, $0x3F800000, v0  }
0x48c: {  	v6 =	vld.idx.msk [tilespmem:v31+s22+$0x0], $0xffff;
	[tilespmem:s18+$0x1A070] =	vst v61;
	vm11 =	vgt.f32 v3, v58  }
0x48d: {  	v3 =	vld.idx.msk [tilespmem:v32+s22+$0x0], $0xffff;
	v62 =	vsel vm11, $0x3F800000, v0  }
0x48e: {  	v63 =	vld.idx.msk [tilespmem:v33+s22+$0x0], $0xffff;
	[tilespmem:s23+$0x1A070] =	vst v62  }
0x48f: {  	v5 =	vld.idx.msk [tilespmem:v34+s22+$0x0], $0xffff  }
0x490: {  	v1 =	vld.idx.msk [tilespmem:v1+s22+$0x0], $0xffff;
	_ =	sdelay $0x1  }
0x491: {  	vm12 =	vgt.f32 v59, v9  }
0x492: {  	v4 =	vsel vm12, $0x3F800000, v0;
	vm13 =	vgt.f32 v2, v6  }
.Ltmp6:
0x493: {  	[tilespmem:s17+$0x1B070] =	vst v4;
	v2 =	vsel vm13, $0x3F800000, v0;
	vm14 =	vgt.f32 v3, v63;
	(pc) =	sbr.rel @p2 .LBB2_9-.Ltmp6, $4  }
0x494: {  	[tilespmem:s9+$0x1B070] =	vst v2;
	v2 =	vsel vm14, $0x3F800000, v0;
	vm15 =	vgt.f32 v5, v1  }
0x495: {  	s8 =	sadd.s32 s16, s3;
	[tilespmem:s18+$0x1B070] =	vst v2;
	v1 =	vsel vm15, $0x3F800000, v0  }
0x496: {  	s8 =	sadd.s32 $0x80, s8;
	[tilespmem:s23+$0x1B070] =	vst v1  }
0x497: {  	[hbm4b:s8+s19] =	stream.strided.scatter [tilespmem:s5], [sflag:$0x5], $0x4000, s20, s19, $0x38;
	[tilespmem:$0x1E000] =	vst v63  }
.Ltmp7:
0x498: {  	s8 =	sadd.s32 $0xC00, s15;
	(pc) =	sbr.rel .LBB2_3-.Ltmp7, $4  }
0x499: {  	s9 =	sadd.s32 s8, s4  }
0x49a: {  	[tilespmem:s25], [sflag:$0x3] =	stream.strided.gather [spmem:s9], $0x1000, s20, s19, $0x38;
	[tilespmem:$0x1E000] =	vst v63  }
0x49b: {  	s12 =	sadd.s32 $0x1, s12;
	s8 =	sadd.s32 s8, s6  }
0x49c: {  	[tilespmem:s26], [sflag:$0x3] =	stream.strided.gather [spmem:s8], $0x1000, s20, s19, $0x38;
	[tilespmem:$0x1E000] =	vst v63  }
.LBB2_11:
0x49d: {  	_ =	sfence.sel $0x180000  }
0x49e: {  	[bflag:$0x0] =	sbarrier.arrive $0xFFFF  }
0x49f: {  	_ =	strace $0x90000047  }
0x4a0: {  	[bflag:$0x2] =	sbarrier.arrive $0xFFFF  }
0x4a1: {  	s0 =	rddreg [dreg:$0x6]  }
0x4a2: {  	s0 =	sadd.s32 @!p0 $0x100000, s0  }
0x4a3: {  	[sflag:s0] =	ssyncadd.tile.s32 @!p0 $0x1;
	_ =	shalt  }
.Lfunc_end2:
_tile_overlayer_lowered:
.L_overlay_start_2:
0x4a4: {  	(tag) =	ssettag $0x2  }
0x4a5: {  	s0 =	rddreg [dreg:$0x0];
	s2 =	stileid.u32  }
0x4a6: {  	s1 =	rddreg [dreg:$0x1];
	p0 =	sne.s32 s2, $0x0  }
0x4a7: {  	s3 =	rddreg [dreg:$0x2];
	[bflag:$0x3] =	sbarrier.arrive $0xFFFF;
	s2 =	simm.s32 @!p0 $0x1C06  }
0x4a8: {  	[timem:s3], [sflag:s2] =	dma.local @!p0 [hbm:s0], s1  }
0x4a9: {  	s0 =	simm.s32 @!p0 $0x6  }
0x4aa: {  	_ =	swait.ge @!p0 [sflag:s0], s1  }
0x4ab: {  	s1 =	ssub.s32 @!p0 $0x0, s1;
	[sflag:s0] =	ssyncset.done @!p0 $0x0  }
0x4ac: {  	[sflag:s0] =	ssyncadd.s32 @!p0 s1  }
0x4ad: {  	[bflag:$0x3] =	sbarrier.arrive $0xFFFF  }
0x4ae: {  	_ =	shalt  }

</sc_bundles>
